<compile_context>
chip_gen: v7x
topology: tpu7x:2x2x1
jax: 0.10.2.dev20260603
libtpu: 0.0.44.dev20260713+nightly
codegen_flags: <defaults>
</compile_context>

<pallas_src>
import functools

import jax
import jax.numpy as jnp
from jax import lax
from jax.experimental import pallas as pl
from jax.experimental.pallas import tpu as pltpu
from jax.experimental.pallas import tpu_sc as plsc

N_NODES = 10000
N_EDGES = 320000
CH = 128

NC = 2
NS = 16
NW = NC * NS
EB = 128
NB = 80
CB = 16
N_PAD = 10240
E_PAD = NW * NB * EB
EPT = NB * EB
RPT = N_PAD // NS
ROWS = N_PAD // 4

_sc_mesh = plsc.VectorSubcoreMesh(core_axis_name="c", subcore_axis_name="s")


_PREP_B = E_PAD // 2


def _prep_body(ei_ref, src_ref, dst_ref):
    w = pl.program_id(0)
    pos = w * _PREP_B + lax.broadcasted_iota(jnp.int32, (1, _PREP_B), 1)
    real = pos < N_EDGES
    fill = N_NODES + pos % (N_PAD - N_NODES)
    src_ref[...] = jnp.where(real, ei_ref[0:1, :], fill)
    dst_ref[...] = jnp.where(real, ei_ref[1:2, :], fill)


@functools.partial(
    pl.kernel,
    out_type=(jax.ShapeDtypeStruct((N_PAD,), jnp.float32),
              jax.ShapeDtypeStruct((N_PAD,), jnp.float32)),
    mesh=_sc_mesh,
    scratch_types=[
        pltpu.VMEM((NB, EB), jnp.int32),
        pltpu.VMEM((EB,), jnp.float32),
        pltpu.VMEM_SHARED((N_PAD,), jnp.float32),
        pltpu.SemaphoreType.DMA,
    ],
)
def _deg_kernel(dst_hbm, ones_hbm, zeros1_hbm, deg_out0, deg_out1, dst_v,
                ones_v, deg_sh, sem):
    cid = lax.axis_index("c")
    sid = lax.axis_index("s")
    wid = cid * NS + sid

    @pl.when(sid == 0)
    def _():
        pltpu.sync_copy(zeros1_hbm, deg_sh)

    pltpu.sync_copy(ones_hbm, ones_v)
    pltpu.sync_copy(dst_hbm.at[wid], dst_v)
    plsc.subcore_barrier()

    pltpu.async_copy(ones_v, deg_sh.at[dst_v.at[0]], sem, add=True)

    def body(i, _):
        @pl.when(i + 1 < NB)
        def _():
            pltpu.async_copy(ones_v, deg_sh.at[dst_v.at[i + 1]], sem, add=True)

        pltpu.make_async_copy(ones_v, deg_sh.at[dst_v.at[i]], sem).wait()
        return 0

    lax.fori_loop(0, NB, body, 0)
    plsc.subcore_barrier()

    @pl.when(jnp.logical_and(cid == 0, sid == 0))
    def _():
        pltpu.sync_copy(deg_sh, deg_out0)

    @pl.when(jnp.logical_and(cid == 1, sid == 0))
    def _():
        pltpu.sync_copy(deg_sh, deg_out1)


@functools.partial(
    pl.kernel,
    out_type=jax.ShapeDtypeStruct((NC, N_PAD, CH), jnp.float32),
    mesh=_sc_mesh,
    scratch_types=[
        pltpu.VMEM((2, CB, EB), jnp.int32),
        pltpu.VMEM((2, CB, EB), jnp.int32),
        pltpu.VMEM((2, EB, CH), jnp.float32),
        pltpu.VMEM_SHARED((N_PAD, CH), jnp.float32),
        pltpu.SemaphoreType.DMA,
        pltpu.SemaphoreType.DMA,
        pltpu.SemaphoreType.DMA,
    ],
)
def _scatter_kernel(hp_hbm, src_hbm, dst_hbm, zeros_hbm, acc_out,
                    src_v, dst_v, rows_v, acc_sh, gsem, ssem, isem):
    cid = lax.axis_index("c")
    sid = lax.axis_index("s")
    wid = cid * NS + sid
    nch = NB // CB

    zdesc = pltpu.async_copy(zeros_hbm.at[pl.ds(sid * RPT, RPT)],
                             acc_sh.at[pl.ds(sid * RPT, RPT)], ssem)
    pltpu.sync_copy(src_hbm.at[wid, pl.ds(0, CB)], src_v.at[0])
    pltpu.sync_copy(dst_hbm.at[wid, pl.ds(0, CB)], dst_v.at[0])
    zdesc.wait()
    plsc.subcore_barrier()

    def chunk(c, _):
        slot = lax.rem(c, 2)
        nslot = lax.rem(c + 1, 2)
        srcs = src_v.at[slot]
        dsts = dst_v.at[slot]

        @pl.when(c + 1 < nch)
        def _():
            pltpu.async_copy(src_hbm.at[wid, pl.ds((c + 1) * CB, CB)],
                             src_v.at[nslot], isem)
            pltpu.async_copy(dst_hbm.at[wid, pl.ds((c + 1) * CB, CB)],
                             dst_v.at[nslot], isem)

        pltpu.async_copy(hp_hbm.at[srcs.at[0]], rows_v.at[0], gsem).wait()
        for j in range(CB):
            buf = j % 2
            nbuf = 1 - buf
            if j + 1 < CB:
                pltpu.async_copy(hp_hbm.at[srcs.at[j + 1]], rows_v.at[nbuf],
                                 gsem)
            pltpu.async_copy(rows_v.at[buf], acc_sh.at[dsts.at[j]], ssem,
                             add=True).wait()
            if j + 1 < CB:
                pltpu.make_async_copy(hp_hbm.at[srcs.at[0]], rows_v.at[nbuf],
                                      gsem).wait()

        @pl.when(c + 1 < nch)
        def _():
            pltpu.make_async_copy(src_hbm.at[wid, pl.ds(0, CB)],
                                  src_v.at[nslot], isem).wait()
            pltpu.make_async_copy(dst_hbm.at[wid, pl.ds(0, CB)],
                                  dst_v.at[nslot], isem).wait()
        return 0

    lax.fori_loop(0, NB // CB, chunk, 0)
    plsc.subcore_barrier()
    pltpu.sync_copy(acc_sh.at[pl.ds(sid * RPT, RPT)],
                    acc_out.at[cid, pl.ds(sid * RPT, RPT)])


def _matmul_body(x_ref, w_ref, h_ref):
    h_ref[...] = jnp.dot(x_ref[...], w_ref[...],
                         preferred_element_type=jnp.float32)


def _scale_body(h_ref, degbc_ref, hp_ref):
    hp_ref[...] = h_ref[...] * lax.rsqrt(degbc_ref[...])


def _epilogue_body(accp_ref, hp_ref, degbc_ref, b_ref, out_ref):
    dinv = lax.rsqrt(degbc_ref[...])
    s = accp_ref[0] + accp_ref[1] + hp_ref[...]
    out_ref[...] = jnp.maximum(s * dinv + b_ref[...], 0.0)


def kernel(x, edge_index, W, b):
    ei = edge_index.astype(jnp.int32)

    src2, dst2 = pl.pallas_call(
        _prep_body,
        grid=(2,),
        in_specs=[pl.BlockSpec((2, _PREP_B), lambda i: (0, i))],
        out_specs=[
            pl.BlockSpec((1, _PREP_B), lambda i: (0, i)),
            pl.BlockSpec((1, _PREP_B), lambda i: (0, i)),
        ],
        out_shape=[
            jax.ShapeDtypeStruct((1, E_PAD), jnp.int32),
            jax.ShapeDtypeStruct((1, E_PAD), jnp.int32),
        ],
    )(ei)
    src3 = src2.reshape(NW, NB, EB)
    dst3 = dst2.reshape(NW, NB, EB)

    zeros1 = jnp.zeros((N_PAD,), jnp.float32)
    zeros_ch = jnp.zeros((N_PAD, CH), jnp.float32)
    ones1 = jnp.ones((EB,), jnp.float32)

    h = pl.pallas_call(
        _matmul_body,
        grid=(N_PAD // ROWS,),
        in_specs=[
            pl.BlockSpec((ROWS, CH), lambda i: (i, 0)),
            pl.BlockSpec((CH, CH), lambda i: (0, 0)),
        ],
        out_specs=pl.BlockSpec((ROWS, CH), lambda i: (i, 0)),
        out_shape=jax.ShapeDtypeStruct((N_PAD, CH), jnp.float32),
    )(x, W)

    degp0, degp1 = _deg_kernel(dst3, ones1, zeros1)
    degbc = jnp.broadcast_to((degp0 + degp1 + 1.0)[:, None], (N_PAD, CH))

    hp = pl.pallas_call(
        _scale_body,
        grid=(N_PAD // ROWS,),
        in_specs=[
            pl.BlockSpec((ROWS, CH), lambda i: (i, 0)),
            pl.BlockSpec((ROWS, CH), lambda i: (i, 0)),
        ],
        out_specs=pl.BlockSpec((ROWS, CH), lambda i: (i, 0)),
        out_shape=jax.ShapeDtypeStruct((N_PAD, CH), jnp.float32),
    )(h, degbc)

    accp = _scatter_kernel(hp, src3, dst3, zeros_ch)

    out = pl.pallas_call(
        _epilogue_body,
        grid=(N_PAD // ROWS,),
        in_specs=[
            pl.BlockSpec((NC, ROWS, CH), lambda i: (0, i, 0)),
            pl.BlockSpec((ROWS, CH), lambda i: (i, 0)),
            pl.BlockSpec((ROWS, CH), lambda i: (i, 0)),
            pl.BlockSpec((CH,), lambda i: (0,)),
        ],
        out_specs=pl.BlockSpec((ROWS, CH), lambda i: (i, 0)),
        out_shape=jax.ShapeDtypeStruct((N_NODES, CH), jnp.float32),
    )(accp, hp, degbc, b)

    return out

# --- scband reference (transcript-rebuilt; emitter-appended) ---
"""Pipeline reference for scband-static-gnn-49297634624086 (READ-ONLY COPY).

The authoritative reference and input builder live on the scoring server;
editing this copy changes nothing except your own understanding.
"""

import jax, jax.numpy as jnp
import numpy as np

N_NODES = 10000
N_EDGES = 320000
IN_CH = 128
OUT_CH = 128

def setup_inputs(seed: int = 0) -> dict:
    key = jax.random.key(seed)
    k1, k2, k3, k4 = jax.random.split(key, 4)
    x = jax.random.normal(k1, (N_NODES, IN_CH), dtype=jnp.float32)
    edge_index = jax.random.randint(k2, (2, N_EDGES), 0, N_NODES, dtype=jnp.int64)
    # GCNConv linear weight (glorot) and bias, as in torch_geometric
    W = jax.random.normal(k3, (IN_CH, OUT_CH), dtype=jnp.float32) * (1.0 / np.sqrt(IN_CH))
    b = jax.random.normal(k4, (OUT_CH,), dtype=jnp.float32) * 0.01
    return {"x": x, "edge_index": edge_index, "W": W, "b": b}

def reference(x, edge_index, W, b):
    N = x.shape[0]
    src = edge_index[0]
    dst = edge_index[1]
    # add self-loops (GCNConv default add_self_loops=True)
    loop = jnp.arange(N, dtype=edge_index.dtype)
    src = jnp.concatenate([src, loop])
    dst = jnp.concatenate([dst, loop])
    # symmetric normalization: deg computed on dst with unit edge weights
    ones = jnp.ones(src.shape[0], dtype=x.dtype)
    deg = jnp.zeros((N,), dtype=x.dtype).at[dst].add(ones)
    deg_inv_sqrt = jnp.where(deg > 0, jax.lax.rsqrt(jnp.maximum(deg, 1e-12)), 0.0)
    norm = deg_inv_sqrt[src] * deg_inv_sqrt[dst]
    # linear transform then propagate (gather messages from src, scatter-add to dst)
    h = x @ W
    msg = h[src] * norm[:, None]
    out = jnp.zeros((N, h.shape[1]), dtype=x.dtype).at[dst].add(msg)
    out = out + b
    # unlinear = ReLU (act='relu', norm=None)
    return jax.nn.relu(out)

if __name__ == "__main__":
    import jax
    _d = setup_inputs()
    print(jax.jit(kernel)(*tuple(_d.values())))

</pallas_src>

<mosaic_0001>
#map = affine_map<(d0, d1) -> (0, 0)>
#map1 = affine_map<(d0, d1) -> (0, 0, 0)>
module attributes {stable_mosaic.version = 14 : i64} {
  func.func @_scatter_kernel(%arg0: i32, %arg1: i32, %arg2: memref<10240x128xf32, #tpu.memory_space<hbm>>, %arg3: memref<32x80x128xi32, #tpu.memory_space<hbm>>, %arg4: memref<32x80x128xi32, #tpu.memory_space<hbm>>, %arg5: memref<10240x128xf32, #tpu.memory_space<hbm>>, %arg6: memref<2x10240x128xf32, #tpu.memory_space<hbm>>, %arg7: memref<2x16x128xi32, #tpu.memory_space<vmem>>, %arg8: memref<2x16x128xi32, #tpu.memory_space<vmem>>, %arg9: memref<2x128x128xf32, #tpu.memory_space<vmem>>, %arg10: memref<10240x128xf32, #tpu.memory_space<vmem_shared>>, %arg11: memref<!tpu.dma_semaphore, #tpu.memory_space<semaphore_mem>>, %arg12: memref<!tpu.dma_semaphore, #tpu.memory_space<semaphore_mem>>, %arg13: memref<!tpu.dma_semaphore, #tpu.memory_space<semaphore_mem>>) attributes {dimension_semantics = [#tpu.dimension_semantics<core_parallel>, #tpu.dimension_semantics<subcore_parallel>], iteration_bounds = array<i64: 2, 16>, scalar_prefetch = 0 : i64, scratch_operands = 7 : i64, tpu.core_type = #tpu.core_type<sc_vector_subcore>, window_params = [{transform_indices = #map}, {transform_indices = #map1}, {transform_indices = #map1}, {transform_indices = #map}, {transform_indices = #map1}]} {
    %mul3A = arith.constant 16 : i32
    %mul3A_0 = arith.muli %arg0, %mul3A : i32
    %add3A = arith.addi %mul3A_0, %arg1 : i32
    %mul3A_1 = arith.constant 640 : i32
    %mul3A_2 = arith.muli %arg1, %mul3A_1 : i32
    %mul3A_3 = arith.constant 640 : i32
    %mul3A_4 = arith.muli %arg1, %mul3A_3 : i32
    %dma_start3A = arith.constant 0 : i32
    %dma_start3A_5 = tpu.memref_slice %arg10[%mul3A_4, %dma_start3A] : memref<10240x128xf32, #tpu.memory_space<vmem_shared>> -> memref<640x128xf32, #tpu.memory_space<vmem_shared>>
    %dma_start3A_6 = arith.constant 0 : i32
    %dma_start3A_7 = tpu.memref_slice %arg5[%mul3A_2, %dma_start3A_6] : memref<10240x128xf32, #tpu.memory_space<hbm>> -> memref<640x128xf32, #tpu.memory_space<hbm>>
    tpu.enqueue_dma source(%dma_start3A_7 : memref<640x128xf32, #tpu.memory_space<hbm>>) target(%dma_start3A_5 : memref<640x128xf32, #tpu.memory_space<vmem_shared>>) target_semaphore(%arg12 : memref<!tpu.dma_semaphore, #tpu.memory_space<semaphore_mem>>)
    %run_scoped3A = arith.constant 0 : i32
    "tpu.region"() ({
      %run_scoped3A_23 = tpu.sem_alloc : memref<!tpu.dma_semaphore, #tpu.memory_space<semaphore_mem>>
      %dma_start3A_24 = arith.constant 0 : i32
      %dma_start3A_25 = arith.constant 0 : i32
      %dma_start3A_26 = tpu.memref_slice %arg7[%run_scoped3A, %dma_start3A_24, %dma_start3A_25] : memref<2x16x128xi32, #tpu.memory_space<vmem>> -> memref<1x16x128xi32, #tpu.memory_space<vmem>>
      %dma_start3A_27 = tpu.memref_squeeze %dma_start3A_26 : memref<1x16x128xi32, #tpu.memory_space<vmem>> -> memref<16x128xi32, #tpu.memory_space<vmem>>
      %dma_start3A_28 = arith.constant 0 : i32
      %dma_start3A_29 = arith.constant 0 : i32
      %dma_start3A_30 = tpu.memref_slice %arg3[%add3A, %dma_start3A_28, %dma_start3A_29] : memref<32x80x128xi32, #tpu.memory_space<hbm>> -> memref<1x16x128xi32, #tpu.memory_space<hbm>>
      %dma_start3A_31 = tpu.memref_squeeze %dma_start3A_30 : memref<1x16x128xi32, #tpu.memory_space<hbm>> -> memref<16x128xi32, #tpu.memory_space<hbm>>
      %dma_start3A_32 = arith.constant 0 : i32
      %dma_start3A_33 = arith.constant 0 : i32
      %dma_start3A_34 = tpu.memref_slice %arg7[%run_scoped3A, %dma_start3A_32, %dma_start3A_33] : memref<2x16x128xi32, #tpu.memory_space<vmem>> -> memref<1x16x128xi32, #tpu.memory_space<vmem>>
      %dma_start3A_35 = tpu.memref_squeeze %dma_start3A_34 : memref<1x16x128xi32, #tpu.memory_space<vmem>> -> memref<16x128xi32, #tpu.memory_space<vmem>>
      %dma_start3A_36 = arith.constant 0 : i32
      %dma_start3A_37 = arith.constant 0 : i32
      %dma_start3A_38 = tpu.memref_slice %arg3[%add3A, %dma_start3A_36, %dma_start3A_37] : memref<32x80x128xi32, #tpu.memory_space<hbm>> -> memref<1x16x128xi32, #tpu.memory_space<hbm>>
      %dma_start3A_39 = tpu.memref_squeeze %dma_start3A_38 : memref<1x16x128xi32, #tpu.memory_space<hbm>> -> memref<16x128xi32, #tpu.memory_space<hbm>>
      tpu.enqueue_dma source(%dma_start3A_39 : memref<16x128xi32, #tpu.memory_space<hbm>>) target(%dma_start3A_35 : memref<16x128xi32, #tpu.memory_space<vmem>>) target_semaphore(%run_scoped3A_23 : memref<!tpu.dma_semaphore, #tpu.memory_space<semaphore_mem>>)
      %dma_wait3A_40 = arith.constant 0 : i32
      %dma_wait3A_41 = arith.constant 0 : i32
      %dma_wait3A_42 = tpu.memref_slice %arg7[%run_scoped3A, %dma_wait3A_40, %dma_wait3A_41] : memref<2x16x128xi32, #tpu.memory_space<vmem>> -> memref<1x16x128xi32, #tpu.memory_space<vmem>>
      %dma_wait3A_43 = tpu.memref_squeeze %dma_wait3A_42 : memref<1x16x128xi32, #tpu.memory_space<vmem>> -> memref<16x128xi32, #tpu.memory_space<vmem>>
      %dma_wait3A_44 = arith.constant 0 : i32
      %dma_wait3A_45 = arith.constant 0 : i32
      %dma_wait3A_46 = tpu.memref_slice %arg3[%add3A, %dma_wait3A_44, %dma_wait3A_45] : memref<32x80x128xi32, #tpu.memory_space<hbm>> -> memref<1x16x128xi32, #tpu.memory_space<hbm>>
      %dma_wait3A_47 = tpu.memref_squeeze %dma_wait3A_46 : memref<1x16x128xi32, #tpu.memory_space<hbm>> -> memref<16x128xi32, #tpu.memory_space<hbm>>
      %dma_wait3A_48 = arith.constant 0 : i32
      %dma_wait3A_49 = arith.constant 0 : i32
      %dma_wait3A_50 = tpu.memref_slice %arg7[%run_scoped3A, %dma_wait3A_48, %dma_wait3A_49] : memref<2x16x128xi32, #tpu.memory_space<vmem>> -> memref<1x16x128xi32, #tpu.memory_space<vmem>>
      %dma_wait3A_51 = tpu.memref_squeeze %dma_wait3A_50 : memref<1x16x128xi32, #tpu.memory_space<vmem>> -> memref<16x128xi32, #tpu.memory_space<vmem>>
      %dma_wait3A_52 = arith.constant 0 : i32
      %dma_wait3A_53 = arith.constant 0 : i32
      %dma_wait3A_54 = tpu.memref_slice %arg3[%add3A, %dma_wait3A_52, %dma_wait3A_53] : memref<32x80x128xi32, #tpu.memory_space<hbm>> -> memref<1x16x128xi32, #tpu.memory_space<hbm>>
      %dma_wait3A_55 = tpu.memref_squeeze %dma_wait3A_54 : memref<1x16x128xi32, #tpu.memory_space<hbm>> -> memref<16x128xi32, #tpu.memory_space<hbm>>
      tpu.wait_dma2 semaphore(%run_scoped3A_23 : memref<!tpu.dma_semaphore, #tpu.memory_space<semaphore_mem>>) src(%dma_wait3A_55 : memref<16x128xi32, #tpu.memory_space<hbm>>) dst(%dma_wait3A_51 : memref<16x128xi32, #tpu.memory_space<vmem>>)
      tpu.yield
    }) : () -> ()
    %run_scoped3A_8 = arith.constant 0 : i32
    "tpu.region"() ({
      %run_scoped3A_23 = tpu.sem_alloc : memref<!tpu.dma_semaphore, #tpu.memory_space<semaphore_mem>>
      %dma_start3A_24 = arith.constant 0 : i32
      %dma_start3A_25 = arith.constant 0 : i32
      %dma_start3A_26 = tpu.memref_slice %arg8[%run_scoped3A_8, %dma_start3A_24, %dma_start3A_25] : memref<2x16x128xi32, #tpu.memory_space<vmem>> -> memref<1x16x128xi32, #tpu.memory_space<vmem>>
      %dma_start3A_27 = tpu.memref_squeeze %dma_start3A_26 : memref<1x16x128xi32, #tpu.memory_space<vmem>> -> memref<16x128xi32, #tpu.memory_space<vmem>>
      %dma_start3A_28 = arith.constant 0 : i32
      %dma_start3A_29 = arith.constant 0 : i32
      %dma_start3A_30 = tpu.memref_slice %arg4[%add3A, %dma_start3A_28, %dma_start3A_29] : memref<32x80x128xi32, #tpu.memory_space<hbm>> -> memref<1x16x128xi32, #tpu.memory_space<hbm>>
      %dma_start3A_31 = tpu.memref_squeeze %dma_start3A_30 : memref<1x16x128xi32, #tpu.memory_space<hbm>> -> memref<16x128xi32, #tpu.memory_space<hbm>>
      %dma_start3A_32 = arith.constant 0 : i32
      %dma_start3A_33 = arith.constant 0 : i32
      %dma_start3A_34 = tpu.memref_slice %arg8[%run_scoped3A_8, %dma_start3A_32, %dma_start3A_33] : memref<2x16x128xi32, #tpu.memory_space<vmem>> -> memref<1x16x128xi32, #tpu.memory_space<vmem>>
      %dma_start3A_35 = tpu.memref_squeeze %dma_start3A_34 : memref<1x16x128xi32, #tpu.memory_space<vmem>> -> memref<16x128xi32, #tpu.memory_space<vmem>>
      %dma_start3A_36 = arith.constant 0 : i32
      %dma_start3A_37 = arith.constant 0 : i32
      %dma_start3A_38 = tpu.memref_slice %arg4[%add3A, %dma_start3A_36, %dma_start3A_37] : memref<32x80x128xi32, #tpu.memory_space<hbm>> -> memref<1x16x128xi32, #tpu.memory_space<hbm>>
      %dma_start3A_39 = tpu.memref_squeeze %dma_start3A_38 : memref<1x16x128xi32, #tpu.memory_space<hbm>> -> memref<16x128xi32, #tpu.memory_space<hbm>>
      tpu.enqueue_dma source(%dma_start3A_39 : memref<16x128xi32, #tpu.memory_space<hbm>>) target(%dma_start3A_35 : memref<16x128xi32, #tpu.memory_space<vmem>>) target_semaphore(%run_scoped3A_23 : memref<!tpu.dma_semaphore, #tpu.memory_space<semaphore_mem>>)
      %dma_wait3A_40 = arith.constant 0 : i32
      %dma_wait3A_41 = arith.constant 0 : i32
      %dma_wait3A_42 = tpu.memref_slice %arg8[%run_scoped3A_8, %dma_wait3A_40, %dma_wait3A_41] : memref<2x16x128xi32, #tpu.memory_space<vmem>> -> memref<1x16x128xi32, #tpu.memory_space<vmem>>
      %dma_wait3A_43 = tpu.memref_squeeze %dma_wait3A_42 : memref<1x16x128xi32, #tpu.memory_space<vmem>> -> memref<16x128xi32, #tpu.memory_space<vmem>>
      %dma_wait3A_44 = arith.constant 0 : i32
      %dma_wait3A_45 = arith.constant 0 : i32
      %dma_wait3A_46 = tpu.memref_slice %arg4[%add3A, %dma_wait3A_44, %dma_wait3A_45] : memref<32x80x128xi32, #tpu.memory_space<hbm>> -> memref<1x16x128xi32, #tpu.memory_space<hbm>>
      %dma_wait3A_47 = tpu.memref_squeeze %dma_wait3A_46 : memref<1x16x128xi32, #tpu.memory_space<hbm>> -> memref<16x128xi32, #tpu.memory_space<hbm>>
      %dma_wait3A_48 = arith.constant 0 : i32
      %dma_wait3A_49 = arith.constant 0 : i32
      %dma_wait3A_50 = tpu.memref_slice %arg8[%run_scoped3A_8, %dma_wait3A_48, %dma_wait3A_49] : memref<2x16x128xi32, #tpu.memory_space<vmem>> -> memref<1x16x128xi32, #tpu.memory_space<vmem>>
      %dma_wait3A_51 = tpu.memref_squeeze %dma_wait3A_50 : memref<1x16x128xi32, #tpu.memory_space<vmem>> -> memref<16x128xi32, #tpu.memory_space<vmem>>
      %dma_wait3A_52 = arith.constant 0 : i32
      %dma_wait3A_53 = arith.constant 0 : i32
      %dma_wait3A_54 = tpu.memref_slice %arg4[%add3A, %dma_wait3A_52, %dma_wait3A_53] : memref<32x80x128xi32, #tpu.memory_space<hbm>> -> memref<1x16x128xi32, #tpu.memory_space<hbm>>
      %dma_wait3A_55 = tpu.memref_squeeze %dma_wait3A_54 : memref<1x16x128xi32, #tpu.memory_space<hbm>> -> memref<16x128xi32, #tpu.memory_space<hbm>>
      tpu.wait_dma2 semaphore(%run_scoped3A_23 : memref<!tpu.dma_semaphore, #tpu.memory_space<semaphore_mem>>) src(%dma_wait3A_55 : memref<16x128xi32, #tpu.memory_space<hbm>>) dst(%dma_wait3A_51 : memref<16x128xi32, #tpu.memory_space<vmem>>)
      tpu.yield
    }) : () -> ()
    %dma_wait3A = arith.constant 0 : i32
    %dma_wait3A_9 = tpu.memref_slice %arg10[%mul3A_4, %dma_wait3A] : memref<10240x128xf32, #tpu.memory_space<vmem_shared>> -> memref<640x128xf32, #tpu.memory_space<vmem_shared>>
    %dma_wait3A_10 = arith.constant 0 : i32
    %dma_wait3A_11 = tpu.memref_slice %arg5[%mul3A_2, %dma_wait3A_10] : memref<10240x128xf32, #tpu.memory_space<hbm>> -> memref<640x128xf32, #tpu.memory_space<hbm>>
    tpu.wait_dma2 semaphore(%arg12 : memref<!tpu.dma_semaphore, #tpu.memory_space<semaphore_mem>>) src(%dma_wait3A_11 : memref<640x128xf32, #tpu.memory_space<hbm>>) dst(%dma_wait3A_9 : memref<640x128xf32, #tpu.memory_space<vmem_shared>>)
    %barrier3A = arith.constant 0 : index
    tpu.barrier barrier_id(%barrier3A)
    %scan3A = arith.constant 0 : i32
    %scan3A_12 = arith.constant 0 : i32
    %scan3A_13 = arith.constant 5 : i32
    %scan3A_14 = arith.addi %scan3A_12, %scan3A_13 : i32
    %scan3A_15 = arith.constant 1 : i32
    %scan3A_16 = scf.for %scan3A_23 = %scan3A_12 to %scan3A_14 step %scan3A_15 iter_args(%scan3A_24 = %scan3A) -> (i32)  : i32 {
      %rem3A = arith.constant 2 : i32
      %rem3A_25 = arith.remsi %scan3A_23, %rem3A : i32
      %add3A_26 = arith.constant 1 : i32
      %add3A_27 = arith.addi %scan3A_23, %add3A_26 : i32
      %rem3A_28 = arith.constant 2 : i32
      %rem3A_29 = arith.remsi %add3A_27, %rem3A_28 : i32
      %add3A_30 = arith.constant 1 : i32
      %add3A_31 = arith.addi %scan3A_23, %add3A_30 : i32
      %lt3A = arith.constant 5 : i32
      %lt3A_32 = arith.cmpi slt, %add3A_31, %lt3A : i32
      %convert_element_type3A = arith.extui %lt3A_32 : i1 to i32
      %cond3A = arith.constant 0 : i32
      %cond3A_33 = arith.cmpi ne, %convert_element_type3A, %cond3A : i32
      scf.if %cond3A_33 {
        %add3A_1066 = arith.constant 1 : i32
        %add3A_1067 = arith.addi %scan3A_23, %add3A_1066 : i32
        %mul3A_1068 = arith.constant 16 : i32
        %mul3A_1069 = arith.muli %add3A_1067, %mul3A_1068 : i32
        %dma_start3A_1070 = arith.constant 0 : i32
        %dma_start3A_1071 = arith.constant 0 : i32
        %dma_start3A_1072 = tpu.memref_slice %arg7[%rem3A_29, %dma_start3A_1070, %dma_start3A_1071] : memref<2x16x128xi32, #tpu.memory_space<vmem>> -> memref<1x16x128xi32, #tpu.memory_space<vmem>>
        %dma_start3A_1073 = tpu.memref_squeeze %dma_start3A_1072 : memref<1x16x128xi32, #tpu.memory_space<vmem>> -> memref<16x128xi32, #tpu.memory_space<vmem>>
        %dma_start3A_1074 = arith.constant 0 : i32
        %dma_start3A_1075 = tpu.memref_slice %arg3[%add3A, %mul3A_1069, %dma_start3A_1074] : memref<32x80x128xi32, #tpu.memory_space<hbm>> -> memref<1x16x128xi32, #tpu.memory_space<hbm>>
        %dma_start3A_1076 = tpu.memref_squeeze %dma_start3A_1075 : memref<1x16x128xi32, #tpu.memory_space<hbm>> -> memref<16x128xi32, #tpu.memory_space<hbm>>
        %dma_start3A_1077 = arith.constant 0 : i32
        %dma_start3A_1078 = arith.constant 0 : i32
        %dma_start3A_1079 = tpu.memref_slice %arg7[%rem3A_29, %dma_start3A_1077, %dma_start3A_1078] : memref<2x16x128xi32, #tpu.memory_space<vmem>> -> memref<1x16x128xi32, #tpu.memory_space<vmem>>
        %dma_start3A_1080 = tpu.memref_squeeze %dma_start3A_1079 : memref<1x16x128xi32, #tpu.memory_space<vmem>> -> memref<16x128xi32, #tpu.memory_space<vmem>>
        %dma_start3A_1081 = arith.constant 0 : i32
        %dma_start3A_1082 = tpu.memref_slice %arg3[%add3A, %mul3A_1069, %dma_start3A_1081] : memref<32x80x128xi32, #tpu.memory_space<hbm>> -> memref<1x16x128xi32, #tpu.memory_space<hbm>>
        %dma_start3A_1083 = tpu.memref_squeeze %dma_start3A_1082 : memref<1x16x128xi32, #tpu.memory_space<hbm>> -> memref<16x128xi32, #tpu.memory_space<hbm>>
        tpu.enqueue_dma source(%dma_start3A_1083 : memref<16x128xi32, #tpu.memory_space<hbm>>) target(%dma_start3A_1080 : memref<16x128xi32, #tpu.memory_space<vmem>>) target_semaphore(%arg13 : memref<!tpu.dma_semaphore, #tpu.memory_space<semaphore_mem>>)
        %add3A_1084 = arith.constant 1 : i32
        %add3A_1085 = arith.addi %scan3A_23, %add3A_1084 : i32
        %mul3A_1086 = arith.constant 16 : i32
        %mul3A_1087 = arith.muli %add3A_1085, %mul3A_1086 : i32
        %dma_start3A_1088 = arith.constant 0 : i32
        %dma_start3A_1089 = arith.constant 0 : i32
        %dma_start3A_1090 = tpu.memref_slice %arg8[%rem3A_29, %dma_start3A_1088, %dma_start3A_1089] : memref<2x16x128xi32, #tpu.memory_space<vmem>> -> memref<1x16x128xi32, #tpu.memory_space<vmem>>
        %dma_start3A_1091 = tpu.memref_squeeze %dma_start3A_1090 : memref<1x16x128xi32, #tpu.memory_space<vmem>> -> memref<16x128xi32, #tpu.memory_space<vmem>>
        %dma_start3A_1092 = arith.constant 0 : i32
        %dma_start3A_1093 = tpu.memref_slice %arg4[%add3A, %mul3A_1087, %dma_start3A_1092] : memref<32x80x128xi32, #tpu.memory_space<hbm>> -> memref<1x16x128xi32, #tpu.memory_space<hbm>>
        %dma_start3A_1094 = tpu.memref_squeeze %dma_start3A_1093 : memref<1x16x128xi32, #tpu.memory_space<hbm>> -> memref<16x128xi32, #tpu.memory_space<hbm>>
        %dma_start3A_1095 = arith.constant 0 : i32
        %dma_start3A_1096 = arith.constant 0 : i32
        %dma_start3A_1097 = tpu.memref_slice %arg8[%rem3A_29, %dma_start3A_1095, %dma_start3A_1096] : memref<2x16x128xi32, #tpu.memory_space<vmem>> -> memref<1x16x128xi32, #tpu.memory_space<vmem>>
        %dma_start3A_1098 = tpu.memref_squeeze %dma_start3A_1097 : memref<1x16x128xi32, #tpu.memory_space<vmem>> -> memref<16x128xi32, #tpu.memory_space<vmem>>
        %dma_start3A_1099 = arith.constant 0 : i32
        %dma_start3A_1100 = tpu.memref_slice %arg4[%add3A, %mul3A_1087, %dma_start3A_1099] : memref<32x80x128xi32, #tpu.memory_space<hbm>> -> memref<1x16x128xi32, #tpu.memory_space<hbm>>
        %dma_start3A_1101 = tpu.memref_squeeze %dma_start3A_1100 : memref<1x16x128xi32, #tpu.memory_space<hbm>> -> memref<16x128xi32, #tpu.memory_space<hbm>>
        tpu.enqueue_dma source(%dma_start3A_1101 : memref<16x128xi32, #tpu.memory_space<hbm>>) target(%dma_start3A_1098 : memref<16x128xi32, #tpu.memory_space<vmem>>) target_semaphore(%arg13 : memref<!tpu.dma_semaphore, #tpu.memory_space<semaphore_mem>>)
      } else {
      }
      %dma_start3A_34 = arith.constant 0 : i32
      %dma_start3A_35 = arith.constant 0 : i32
      %dma_start3A_36 = arith.constant 0 : i32
      %dma_start3A_37 = arith.constant 0 : i32
      %dma_start3A_38 = tpu.memref_slice %arg9[%dma_start3A_35, %dma_start3A_36, %dma_start3A_37] : memref<2x128x128xf32, #tpu.memory_space<vmem>> -> memref<1x128x128xf32, #tpu.memory_space<vmem>>
      %dma_start3A_39 = tpu.memref_squeeze %dma_start3A_38 : memref<1x128x128xf32, #tpu.memory_space<vmem>> -> memref<128x128xf32, #tpu.memory_space<vmem>>
      %dma_start3A_40 = arith.constant 0 : i32
      %dma_start3A_41 = arith.constant 0 : i32
      %dma_start3A_42 = tpu.memref_slice %arg7[%rem3A_25, %dma_start3A_40, %dma_start3A_41] : memref<2x16x128xi32, #tpu.memory_space<vmem>> -> memref<1x16x128xi32, #tpu.memory_space<vmem>>
      %dma_start3A_43 = tpu.memref_squeeze %dma_start3A_42 : memref<1x16x128xi32, #tpu.memory_space<vmem>> -> memref<16x128xi32, #tpu.memory_space<vmem>>
      %dma_start3A_44 = arith.constant 0 : i32
      %dma_start3A_45 = tpu.memref_slice %dma_start3A_43[%dma_start3A_34, %dma_start3A_44] : memref<16x128xi32, #tpu.memory_space<vmem>> -> memref<1x128xi32, #tpu.memory_space<vmem>>
      %dma_start3A_46 = tpu.memref_squeeze %dma_start3A_45 : memref<1x128xi32, #tpu.memory_space<vmem>> -> memref<128xi32, #tpu.memory_space<vmem>>
      %dma_start3A_47 = arith.constant 0 : i32
      %dma_start3A_48 = arith.constant 0 : i32
      %dma_start3A_49 = tpu.memref_slice %arg2[%dma_start3A_47, %dma_start3A_48] : memref<10240x128xf32, #tpu.memory_space<hbm>> -> memref<10240x128xf32, #tpu.memory_space<hbm>>
      tpu.enqueue_indirect_dma source(%dma_start3A_49 : memref<10240x128xf32, #tpu.memory_space<hbm>>) target(%dma_start3A_39 : memref<128x128xf32, #tpu.memory_space<vmem>>) offsets(%dma_start3A_46 : memref<128xi32, #tpu.memory_space<vmem>>) semaphore(%arg11 : memref<!tpu.dma_semaphore, #tpu.memory_space<semaphore_mem>>)
      %dma_wait3A_50 = arith.constant 0 : i32
      %dma_wait3A_51 = arith.constant 0 : i32
      %dma_wait3A_52 = arith.constant 0 : i32
      %dma_wait3A_53 = arith.constant 0 : i32
      %dma_wait3A_54 = tpu.memref_slice %arg9[%dma_wait3A_51, %dma_wait3A_52, %dma_wait3A_53] : memref<2x128x128xf32, #tpu.memory_space<vmem>> -> memref<1x128x128xf32, #tpu.memory_space<vmem>>
      %dma_wait3A_55 = tpu.memref_squeeze %dma_wait3A_54 : memref<1x128x128xf32, #tpu.memory_space<vmem>> -> memref<128x128xf32, #tpu.memory_space<vmem>>
      %dma_wait3A_56 = arith.constant 0 : i32
      %dma_wait3A_57 = arith.constant 0 : i32
      %dma_wait3A_58 = tpu.memref_slice %arg7[%rem3A_25, %dma_wait3A_56, %dma_wait3A_57] : memref<2x16x128xi32, #tpu.memory_space<vmem>> -> memref<1x16x128xi32, #tpu.memory_space<vmem>>
      %dma_wait3A_59 = tpu.memref_squeeze %dma_wait3A_58 : memref<1x16x128xi32, #tpu.memory_space<vmem>> -> memref<16x128xi32, #tpu.memory_space<vmem>>
      %dma_wait3A_60 = arith.constant 0 : i32
      %dma_wait3A_61 = tpu.memref_slice %dma_wait3A_59[%dma_wait3A_50, %dma_wait3A_60] : memref<16x128xi32, #tpu.memory_space<vmem>> -> memref<1x128xi32, #tpu.memory_space<vmem>>
      %dma_wait3A_62 = tpu.memref_squeeze %dma_wait3A_61 : memref<1x128xi32, #tpu.memory_space<vmem>> -> memref<128xi32, #tpu.memory_space<vmem>>
      %dma_wait3A_63 = arith.constant 0 : i32
      %dma_wait3A_64 = arith.constant 0 : i32
      %dma_wait3A_65 = tpu.memref_slice %arg2[%dma_wait3A_63, %dma_wait3A_64] : memref<10240x128xf32, #tpu.memory_space<hbm>> -> memref<10240x128xf32, #tpu.memory_space<hbm>>
      tpu.wait_indirect_dma semaphore(%arg11 : memref<!tpu.dma_semaphore, #tpu.memory_space<semaphore_mem>>) src(%dma_wait3A_65 : memref<10240x128xf32, #tpu.memory_space<hbm>>) dst(%dma_wait3A_55 : memref<128x128xf32, #tpu.memory_space<vmem>>)
      %dma_start3A_66 = arith.constant 1 : i32
      %dma_start3A_67 = arith.constant 1 : i32
      %dma_start3A_68 = arith.constant 0 : i32
      %dma_start3A_69 = arith.constant 0 : i32
      %dma_start3A_70 = tpu.memref_slice %arg9[%dma_start3A_67, %dma_start3A_68, %dma_start3A_69] : memref<2x128x128xf32, #tpu.memory_space<vmem>> -> memref<1x128x128xf32, #tpu.memory_space<vmem>>
      %dma_start3A_71 = tpu.memref_squeeze %dma_start3A_70 : memref<1x128x128xf32, #tpu.memory_space<vmem>> -> memref<128x128xf32, #tpu.memory_space<vmem>>
      %dma_start3A_72 = arith.constant 0 : i32
      %dma_start3A_73 = arith.constant 0 : i32
      %dma_start3A_74 = tpu.memref_slice %arg7[%rem3A_25, %dma_start3A_72, %dma_start3A_73] : memref<2x16x128xi32, #tpu.memory_space<vmem>> -> memref<1x16x128xi32, #tpu.memory_space<vmem>>
      %dma_start3A_75 = tpu.memref_squeeze %dma_start3A_74 : memref<1x16x128xi32, #tpu.memory_space<vmem>> -> memref<16x128xi32, #tpu.memory_space<vmem>>
      %dma_start3A_76 = arith.constant 0 : i32
      %dma_start3A_77 = tpu.memref_slice %dma_start3A_75[%dma_start3A_66, %dma_start3A_76] : memref<16x128xi32, #tpu.memory_space<vmem>> -> memref<1x128xi32, #tpu.memory_space<vmem>>
      %dma_start3A_78 = tpu.memref_squeeze %dma_start3A_77 : memref<1x128xi32, #tpu.memory_space<vmem>> -> memref<128xi32, #tpu.memory_space<vmem>>
      %dma_start3A_79 = arith.constant 0 : i32
      %dma_start3A_80 = arith.constant 0 : i32
      %dma_start3A_81 = tpu.memref_slice %arg2[%dma_start3A_79, %dma_start3A_80] : memref<10240x128xf32, #tpu.memory_space<hbm>> -> memref<10240x128xf32, #tpu.memory_space<hbm>>
      tpu.enqueue_indirect_dma source(%dma_start3A_81 : memref<10240x128xf32, #tpu.memory_space<hbm>>) target(%dma_start3A_71 : memref<128x128xf32, #tpu.memory_space<vmem>>) offsets(%dma_start3A_78 : memref<128xi32, #tpu.memory_space<vmem>>) semaphore(%arg11 : memref<!tpu.dma_semaphore, #tpu.memory_space<semaphore_mem>>)
      %dma_start3A_82 = arith.constant 0 : i32
      %dma_start3A_83 = arith.constant 0 : i32
      %dma_start3A_84 = arith.constant 0 : i32
      %dma_start3A_85 = arith.constant 0 : i32
      %dma_start3A_86 = tpu.memref_slice %arg9[%dma_start3A_82, %dma_start3A_84, %dma_start3A_85] : memref<2x128x128xf32, #tpu.memory_space<vmem>> -> memref<1x128x128xf32, #tpu.memory_space<vmem>>
      %dma_start3A_87 = tpu.memref_squeeze %dma_start3A_86 : memref<1x128x128xf32, #tpu.memory_space<vmem>> -> memref<128x128xf32, #tpu.memory_space<vmem>>
      %dma_start3A_88 = arith.constant 0 : i32
      %dma_start3A_89 = arith.constant 0 : i32
      %dma_start3A_90 = tpu.memref_slice %arg8[%rem3A_25, %dma_start3A_88, %dma_start3A_89] : memref<2x16x128xi32, #tpu.memory_space<vmem>> -> memref<1x16x128xi32, #tpu.memory_space<vmem>>
      %dma_start3A_91 = tpu.memref_squeeze %dma_start3A_90 : memref<1x16x128xi32, #tpu.memory_space<vmem>> -> memref<16x128xi32, #tpu.memory_space<vmem>>
      %dma_start3A_92 = arith.constant 0 : i32
      %dma_start3A_93 = tpu.memref_slice %dma_start3A_91[%dma_start3A_83, %dma_start3A_92] : memref<16x128xi32, #tpu.memory_space<vmem>> -> memref<1x128xi32, #tpu.memory_space<vmem>>
      %dma_start3A_94 = tpu.memref_squeeze %dma_start3A_93 : memref<1x128xi32, #tpu.memory_space<vmem>> -> memref<128xi32, #tpu.memory_space<vmem>>
      %dma_start3A_95 = arith.constant 0 : i32
      %dma_start3A_96 = arith.constant 0 : i32
      %dma_start3A_97 = tpu.memref_slice %arg10[%dma_start3A_95, %dma_start3A_96] : memref<10240x128xf32, #tpu.memory_space<vmem_shared>> -> memref<10240x128xf32, #tpu.memory_space<vmem_shared>>
      tpu.enqueue_indirect_dma source(%dma_start3A_87 : memref<128x128xf32, #tpu.memory_space<vmem>>) target(%dma_start3A_97 : memref<10240x128xf32, #tpu.memory_space<vmem_shared>>) offsets(%dma_start3A_94 : memref<128xi32, #tpu.memory_space<vmem>>) semaphore(%arg12 : memref<!tpu.dma_semaphore, #tpu.memory_space<semaphore_mem>>) {add = true}
      %dma_wait3A_98 = arith.constant 0 : i32
      %dma_wait3A_99 = arith.constant 0 : i32
      %dma_wait3A_100 = arith.constant 0 : i32
      %dma_wait3A_101 = arith.constant 0 : i32
      %dma_wait3A_102 = tpu.memref_slice %arg9[%dma_wait3A_98, %dma_wait3A_100, %dma_wait3A_101] : memref<2x128x128xf32, #tpu.memory_space<vmem>> -> memref<1x128x128xf32, #tpu.memory_space<vmem>>
      %dma_wait3A_103 = tpu.memref_squeeze %dma_wait3A_102 : memref<1x128x128xf32, #tpu.memory_space<vmem>> -> memref<128x128xf32, #tpu.memory_space<vmem>>
      %dma_wait3A_104 = arith.constant 0 : i32
      %dma_wait3A_105 = arith.constant 0 : i32
      %dma_wait3A_106 = tpu.memref_slice %arg8[%rem3A_25, %dma_wait3A_104, %dma_wait3A_105] : memref<2x16x128xi32, #tpu.memory_space<vmem>> -> memref<1x16x128xi32, #tpu.memory_space<vmem>>
      %dma_wait3A_107 = tpu.memref_squeeze %dma_wait3A_106 : memref<1x16x128xi32, #tpu.memory_space<vmem>> -> memref<16x128xi32, #tpu.memory_space<vmem>>
      %dma_wait3A_108 = arith.constant 0 : i32
      %dma_wait3A_109 = tpu.memref_slice %dma_wait3A_107[%dma_wait3A_99, %dma_wait3A_108] : memref<16x128xi32, #tpu.memory_space<vmem>> -> memref<1x128xi32, #tpu.memory_space<vmem>>
      %dma_wait3A_110 = tpu.memref_squeeze %dma_wait3A_109 : memref<1x128xi32, #tpu.memory_space<vmem>> -> memref<128xi32, #tpu.memory_space<vmem>>
      %dma_wait3A_111 = arith.constant 0 : i32
      %dma_wait3A_112 = arith.constant 0 : i32
      %dma_wait3A_113 = tpu.memref_slice %arg10[%dma_wait3A_111, %dma_wait3A_112] : memref<10240x128xf32, #tpu.memory_space<vmem_shared>> -> memref<10240x128xf32, #tpu.memory_space<vmem_shared>>
      tpu.wait_indirect_dma semaphore(%arg12 : memref<!tpu.dma_semaphore, #tpu.memory_space<semaphore_mem>>) src(%dma_wait3A_103 : memref<128x128xf32, #tpu.memory_space<vmem>>) dst(%dma_wait3A_113 : memref<10240x128xf32, #tpu.memory_space<vmem_shared>>)
      %dma_wait3A_114 = arith.constant 0 : i32
      %dma_wait3A_115 = arith.constant 1 : i32
      %dma_wait3A_116 = arith.constant 0 : i32
      %dma_wait3A_117 = arith.constant 0 : i32
      %dma_wait3A_118 = tpu.memref_slice %arg9[%dma_wait3A_115, %dma_wait3A_116, %dma_wait3A_117] : memref<2x128x128xf32, #tpu.memory_space<vmem>> -> memref<1x128x128xf32, #tpu.memory_space<vmem>>
      %dma_wait3A_119 = tpu.memref_squeeze %dma_wait3A_118 : memref<1x128x128xf32, #tpu.memory_space<vmem>> -> memref<128x128xf32, #tpu.memory_space<vmem>>
      %dma_wait3A_120 = arith.constant 0 : i32
      %dma_wait3A_121 = arith.constant 0 : i32
      %dma_wait3A_122 = tpu.memref_slice %arg7[%rem3A_25, %dma_wait3A_120, %dma_wait3A_121] : memref<2x16x128xi32, #tpu.memory_space<vmem>> -> memref<1x16x128xi32, #tpu.memory_space<vmem>>
      %dma_wait3A_123 = tpu.memref_squeeze %dma_wait3A_122 : memref<1x16x128xi32, #tpu.memory_space<vmem>> -> memref<16x128xi32, #tpu.memory_space<vmem>>
      %dma_wait3A_124 = arith.constant 0 : i32
      %dma_wait3A_125 = tpu.memref_slice %dma_wait3A_123[%dma_wait3A_114, %dma_wait3A_124] : memref<16x128xi32, #tpu.memory_space<vmem>> -> memref<1x128xi32, #tpu.memory_space<vmem>>
      %dma_wait3A_126 = tpu.memref_squeeze %dma_wait3A_125 : memref<1x128xi32, #tpu.memory_space<vmem>> -> memref<128xi32, #tpu.memory_space<vmem>>
      %dma_wait3A_127 = arith.constant 0 : i32
      %dma_wait3A_128 = arith.constant 0 : i32
      %dma_wait3A_129 = tpu.memref_slice %arg2[%dma_wait3A_127, %dma_wait3A_128] : memref<10240x128xf32, #tpu.memory_space<hbm>> -> memref<10240x128xf32, #tpu.memory_space<hbm>>
      tpu.wait_indirect_dma semaphore(%arg11 : memref<!tpu.dma_semaphore, #tpu.memory_space<semaphore_mem>>) src(%dma_wait3A_129 : memref<10240x128xf32, #tpu.memory_space<hbm>>) dst(%dma_wait3A_119 : memref<128x128xf32, #tpu.memory_space<vmem>>)
      %dma_start3A_130 = arith.constant 2 : i32
      %dma_start3A_131 = arith.constant 0 : i32
      %dma_start3A_132 = arith.constant 0 : i32
      %dma_start3A_133 = arith.constant 0 : i32
      %dma_start3A_134 = tpu.memref_slice %arg9[%dma_start3A_131, %dma_start3A_132, %dma_start3A_133] : memref<2x128x128xf32, #tpu.memory_space<vmem>> -> memref<1x128x128xf32, #tpu.memory_space<vmem>>
      %dma_start3A_135 = tpu.memref_squeeze %dma_start3A_134 : memref<1x128x128xf32, #tpu.memory_space<vmem>> -> memref<128x128xf32, #tpu.memory_space<vmem>>
      %dma_start3A_136 = arith.constant 0 : i32
      %dma_start3A_137 = arith.constant 0 : i32
      %dma_start3A_138 = tpu.memref_slice %arg7[%rem3A_25, %dma_start3A_136, %dma_start3A_137] : memref<2x16x128xi32, #tpu.memory_space<vmem>> -> memref<1x16x128xi32, #tpu.memory_space<vmem>>
      %dma_start3A_139 = tpu.memref_squeeze %dma_start3A_138 : memref<1x16x128xi32, #tpu.memory_space<vmem>> -> memref<16x128xi32, #tpu.memory_space<vmem>>
      %dma_start3A_140 = arith.constant 0 : i32
      %dma_start3A_141 = tpu.memref_slice %dma_start3A_139[%dma_start3A_130, %dma_start3A_140] : memref<16x128xi32, #tpu.memory_space<vmem>> -> memref<1x128xi32, #tpu.memory_space<vmem>>
      %dma_start3A_142 = tpu.memref_squeeze %dma_start3A_141 : memref<1x128xi32, #tpu.memory_space<vmem>> -> memref<128xi32, #tpu.memory_space<vmem>>
      %dma_start3A_143 = arith.constant 0 : i32
      %dma_start3A_144 = arith.constant 0 : i32
      %dma_start3A_145 = tpu.memref_slice %arg2[%dma_start3A_143, %dma_start3A_144] : memref<10240x128xf32, #tpu.memory_space<hbm>> -> memref<10240x128xf32, #tpu.memory_space<hbm>>
      tpu.enqueue_indirect_dma source(%dma_start3A_145 : memref<10240x128xf32, #tpu.memory_space<hbm>>) target(%dma_start3A_135 : memref<128x128xf32, #tpu.memory_space<vmem>>) offsets(%dma_start3A_142 : memref<128xi32, #tpu.memory_space<vmem>>) semaphore(%arg11 : memref<!tpu.dma_semaphore, #tpu.memory_space<semaphore_mem>>)
      %dma_start3A_146 = arith.constant 1 : i32
      %dma_start3A_147 = arith.constant 1 : i32
      %dma_start3A_148 = arith.constant 0 : i32
      %dma_start3A_149 = arith.constant 0 : i32
      %dma_start3A_150 = tpu.memref_slice %arg9[%dma_start3A_146, %dma_start3A_148, %dma_start3A_149] : memref<2x128x128xf32, #tpu.memory_space<vmem>> -> memref<1x128x128xf32, #tpu.memory_space<vmem>>
      %dma_start3A_151 = tpu.memref_squeeze %dma_start3A_150 : memref<1x128x128xf32, #tpu.memory_space<vmem>> -> memref<128x128xf32, #tpu.memory_space<vmem>>
      %dma_start3A_152 = arith.constant 0 : i32
      %dma_start3A_153 = arith.constant 0 : i32
      %dma_start3A_154 = tpu.memref_slice %arg8[%rem3A_25, %dma_start3A_152, %dma_start3A_153] : memref<2x16x128xi32, #tpu.memory_space<vmem>> -> memref<1x16x128xi32, #tpu.memory_space<vmem>>
      %dma_start3A_155 = tpu.memref_squeeze %dma_start3A_154 : memref<1x16x128xi32, #tpu.memory_space<vmem>> -> memref<16x128xi32, #tpu.memory_space<vmem>>
      %dma_start3A_156 = arith.constant 0 : i32
      %dma_start3A_157 = tpu.memref_slice %dma_start3A_155[%dma_start3A_147, %dma_start3A_156] : memref<16x128xi32, #tpu.memory_space<vmem>> -> memref<1x128xi32, #tpu.memory_space<vmem>>
      %dma_start3A_158 = tpu.memref_squeeze %dma_start3A_157 : memref<1x128xi32, #tpu.memory_space<vmem>> -> memref<128xi32, #tpu.memory_space<vmem>>
      %dma_start3A_159 = arith.constant 0 : i32
      %dma_start3A_160 = arith.constant 0 : i32
      %dma_start3A_161 = tpu.memref_slice %arg10[%dma_start3A_159, %dma_start3A_160] : memref<10240x128xf32, #tpu.memory_space<vmem_shared>> -> memref<10240x128xf32, #tpu.memory_space<vmem_shared>>
      tpu.enqueue_indirect_dma source(%dma_start3A_151 : memref<128x128xf32, #tpu.memory_space<vmem>>) target(%dma_start3A_161 : memref<10240x128xf32, #tpu.memory_space<vmem_shared>>) offsets(%dma_start3A_158 : memref<128xi32, #tpu.memory_space<vmem>>) semaphore(%arg12 : memref<!tpu.dma_semaphore, #tpu.memory_space<semaphore_mem>>) {add = true}
      %dma_wait3A_162 = arith.constant 1 : i32
      %dma_wait3A_163 = arith.constant 1 : i32
      %dma_wait3A_164 = arith.constant 0 : i32
      %dma_wait3A_165 = arith.constant 0 : i32
      %dma_wait3A_166 = tpu.memref_slice %arg9[%dma_wait3A_162, %dma_wait3A_164, %dma_wait3A_165] : memref<2x128x128xf32, #tpu.memory_space<vmem>> -> memref<1x128x128xf32, #tpu.memory_space<vmem>>
      %dma_wait3A_167 = tpu.memref_squeeze %dma_wait3A_166 : memref<1x128x128xf32, #tpu.memory_space<vmem>> -> memref<128x128xf32, #tpu.memory_space<vmem>>
      %dma_wait3A_168 = arith.constant 0 : i32
      %dma_wait3A_169 = arith.constant 0 : i32
      %dma_wait3A_170 = tpu.memref_slice %arg8[%rem3A_25, %dma_wait3A_168, %dma_wait3A_169] : memref<2x16x128xi32, #tpu.memory_space<vmem>> -> memref<1x16x128xi32, #tpu.memory_space<vmem>>
      %dma_wait3A_171 = tpu.memref_squeeze %dma_wait3A_170 : memref<1x16x128xi32, #tpu.memory_space<vmem>> -> memref<16x128xi32, #tpu.memory_space<vmem>>
      %dma_wait3A_172 = arith.constant 0 : i32
      %dma_wait3A_173 = tpu.memref_slice %dma_wait3A_171[%dma_wait3A_163, %dma_wait3A_172] : memref<16x128xi32, #tpu.memory_space<vmem>> -> memref<1x128xi32, #tpu.memory_space<vmem>>
      %dma_wait3A_174 = tpu.memref_squeeze %dma_wait3A_173 : memref<1x128xi32, #tpu.memory_space<vmem>> -> memref<128xi32, #tpu.memory_space<vmem>>
      %dma_wait3A_175 = arith.constant 0 : i32
      %dma_wait3A_176 = arith.constant 0 : i32
      %dma_wait3A_177 = tpu.memref_slice %arg10[%dma_wait3A_175, %dma_wait3A_176] : memref<10240x128xf32, #tpu.memory_space<vmem_shared>> -> memref<10240x128xf32, #tpu.memory_space<vmem_shared>>
      tpu.wait_indirect_dma semaphore(%arg12 : memref<!tpu.dma_semaphore, #tpu.memory_space<semaphore_mem>>) src(%dma_wait3A_167 : memref<128x128xf32, #tpu.memory_space<vmem>>) dst(%dma_wait3A_177 : memref<10240x128xf32, #tpu.memory_space<vmem_shared>>)
      %dma_wait3A_178 = arith.constant 0 : i32
      %dma_wait3A_179 = arith.constant 0 : i32
      %dma_wait3A_180 = arith.constant 0 : i32
      %dma_wait3A_181 = arith.constant 0 : i32
      %dma_wait3A_182 = tpu.memref_slice %arg9[%dma_wait3A_179, %dma_wait3A_180, %dma_wait3A_181] : memref<2x128x128xf32, #tpu.memory_space<vmem>> -> memref<1x128x128xf32, #tpu.memory_space<vmem>>
      %dma_wait3A_183 = tpu.memref_squeeze %dma_wait3A_182 : memref<1x128x128xf32, #tpu.memory_space<vmem>> -> memref<128x128xf32, #tpu.memory_space<vmem>>
      %dma_wait3A_184 = arith.constant 0 : i32
      %dma_wait3A_185 = arith.constant 0 : i32
      %dma_wait3A_186 = tpu.memref_slice %arg7[%rem3A_25, %dma_wait3A_184, %dma_wait3A_185] : memref<2x16x128xi32, #tpu.memory_space<vmem>> -> memref<1x16x128xi32, #tpu.memory_space<vmem>>
      %dma_wait3A_187 = tpu.memref_squeeze %dma_wait3A_186 : memref<1x16x128xi32, #tpu.memory_space<vmem>> -> memref<16x128xi32, #tpu.memory_space<vmem>>
      %dma_wait3A_188 = arith.constant 0 : i32
      %dma_wait3A_189 = tpu.memref_slice %dma_wait3A_187[%dma_wait3A_178, %dma_wait3A_188] : memref<16x128xi32, #tpu.memory_space<vmem>> -> memref<1x128xi32, #tpu.memory_space<vmem>>
      %dma_wait3A_190 = tpu.memref_squeeze %dma_wait3A_189 : memref<1x128xi32, #tpu.memory_space<vmem>> -> memref<128xi32, #tpu.memory_space<vmem>>
      %dma_wait3A_191 = arith.constant 0 : i32
      %dma_wait3A_192 = arith.constant 0 : i32
      %dma_wait3A_193 = tpu.memref_slice %arg2[%dma_wait3A_191, %dma_wait3A_192] : memref<10240x128xf32, #tpu.memory_space<hbm>> -> memref<10240x128xf32, #tpu.memory_space<hbm>>
      tpu.wait_indirect_dma semaphore(%arg11 : memref<!tpu.dma_semaphore, #tpu.memory_space<semaphore_mem>>) src(%dma_wait3A_193 : memref<10240x128xf32, #tpu.memory_space<hbm>>) dst(%dma_wait3A_183 : memref<128x128xf32, #tpu.memory_space<vmem>>)
      %dma_start3A_194 = arith.constant 3 : i32
      %dma_start3A_195 = arith.constant 1 : i32
      %dma_start3A_196 = arith.constant 0 : i32
      %dma_start3A_197 = arith.constant 0 : i32
      %dma_start3A_198 = tpu.memref_slice %arg9[%dma_start3A_195, %dma_start3A_196, %dma_start3A_197] : memref<2x128x128xf32, #tpu.memory_space<vmem>> -> memref<1x128x128xf32, #tpu.memory_space<vmem>>
      %dma_start3A_199 = tpu.memref_squeeze %dma_start3A_198 : memref<1x128x128xf32, #tpu.memory_space<vmem>> -> memref<128x128xf32, #tpu.memory_space<vmem>>
      %dma_start3A_200 = arith.constant 0 : i32
      %dma_start3A_201 = arith.constant 0 : i32
      %dma_start3A_202 = tpu.memref_slice %arg7[%rem3A_25, %dma_start3A_200, %dma_start3A_201] : memref<2x16x128xi32, #tpu.memory_space<vmem>> -> memref<1x16x128xi32, #tpu.memory_space<vmem>>
      %dma_start3A_203 = tpu.memref_squeeze %dma_start3A_202 : memref<1x16x128xi32, #tpu.memory_space<vmem>> -> memref<16x128xi32, #tpu.memory_space<vmem>>
      %dma_start3A_204 = arith.constant 0 : i32
      %dma_start3A_205 = tpu.memref_slice %dma_start3A_203[%dma_start3A_194, %dma_start3A_204] : memref<16x128xi32, #tpu.memory_space<vmem>> -> memref<1x128xi32, #tpu.memory_space<vmem>>
      %dma_start3A_206 = tpu.memref_squeeze %dma_start3A_205 : memref<1x128xi32, #tpu.memory_space<vmem>> -> memref<128xi32, #tpu.memory_space<vmem>>
      %dma_start3A_207 = arith.constant 0 : i32
      %dma_start3A_208 = arith.constant 0 : i32
      %dma_start3A_209 = tpu.memref_slice %arg2[%dma_start3A_207, %dma_start3A_208] : memref<10240x128xf32, #tpu.memory_space<hbm>> -> memref<10240x128xf32, #tpu.memory_space<hbm>>
      tpu.enqueue_indirect_dma source(%dma_start3A_209 : memref<10240x128xf32, #tpu.memory_space<hbm>>) target(%dma_start3A_199 : memref<128x128xf32, #tpu.memory_space<vmem>>) offsets(%dma_start3A_206 : memref<128xi32, #tpu.memory_space<vmem>>) semaphore(%arg11 : memref<!tpu.dma_semaphore, #tpu.memory_space<semaphore_mem>>)
      %dma_start3A_210 = arith.constant 0 : i32
      %dma_start3A_211 = arith.constant 2 : i32
      %dma_start3A_212 = arith.constant 0 : i32
      %dma_start3A_213 = arith.constant 0 : i32
      %dma_start3A_214 = tpu.memref_slice %arg9[%dma_start3A_210, %dma_start3A_212, %dma_start3A_213] : memref<2x128x128xf32, #tpu.memory_space<vmem>> -> memref<1x128x128xf32, #tpu.memory_space<vmem>>
      %dma_start3A_215 = tpu.memref_squeeze %dma_start3A_214 : memref<1x128x128xf32, #tpu.memory_space<vmem>> -> memref<128x128xf32, #tpu.memory_space<vmem>>
      %dma_start3A_216 = arith.constant 0 : i32
      %dma_start3A_217 = arith.constant 0 : i32
      %dma_start3A_218 = tpu.memref_slice %arg8[%rem3A_25, %dma_start3A_216, %dma_start3A_217] : memref<2x16x128xi32, #tpu.memory_space<vmem>> -> memref<1x16x128xi32, #tpu.memory_space<vmem>>
      %dma_start3A_219 = tpu.memref_squeeze %dma_start3A_218 : memref<1x16x128xi32, #tpu.memory_space<vmem>> -> memref<16x128xi32, #tpu.memory_space<vmem>>
      %dma_start3A_220 = arith.constant 0 : i32
      %dma_start3A_221 = tpu.memref_slice %dma_start3A_219[%dma_start3A_211, %dma_start3A_220] : memref<16x128xi32, #tpu.memory_space<vmem>> -> memref<1x128xi32, #tpu.memory_space<vmem>>
      %dma_start3A_222 = tpu.memref_squeeze %dma_start3A_221 : memref<1x128xi32, #tpu.memory_space<vmem>> -> memref<128xi32, #tpu.memory_space<vmem>>
      %dma_start3A_223 = arith.constant 0 : i32
      %dma_start3A_224 = arith.constant 0 : i32
      %dma_start3A_225 = tpu.memref_slice %arg10[%dma_start3A_223, %dma_start3A_224] : memref<10240x128xf32, #tpu.memory_space<vmem_shared>> -> memref<10240x128xf32, #tpu.memory_space<vmem_shared>>
      tpu.enqueue_indirect_dma source(%dma_start3A_215 : memref<128x128xf32, #tpu.memory_space<vmem>>) target(%dma_start3A_225 : memref<10240x128xf32, #tpu.memory_space<vmem_shared>>) offsets(%dma_start3A_222 : memref<128xi32, #tpu.memory_space<vmem>>) semaphore(%arg12 : memref<!tpu.dma_semaphore, #tpu.memory_space<semaphore_mem>>) {add = true}
      %dma_wait3A_226 = arith.constant 0 : i32
      %dma_wait3A_227 = arith.constant 2 : i32
      %dma_wait3A_228 = arith.constant 0 : i32
      %dma_wait3A_229 = arith.constant 0 : i32
      %dma_wait3A_230 = tpu.memref_slice %arg9[%dma_wait3A_226, %dma_wait3A_228, %dma_wait3A_229] : memref<2x128x128xf32, #tpu.memory_space<vmem>> -> memref<1x128x128xf32, #tpu.memory_space<vmem>>
      %dma_wait3A_231 = tpu.memref_squeeze %dma_wait3A_230 : memref<1x128x128xf32, #tpu.memory_space<vmem>> -> memref<128x128xf32, #tpu.memory_space<vmem>>
      %dma_wait3A_232 = arith.constant 0 : i32
      %dma_wait3A_233 = arith.constant 0 : i32
      %dma_wait3A_234 = tpu.memref_slice %arg8[%rem3A_25, %dma_wait3A_232, %dma_wait3A_233] : memref<2x16x128xi32, #tpu.memory_space<vmem>> -> memref<1x16x128xi32, #tpu.memory_space<vmem>>
      %dma_wait3A_235 = tpu.memref_squeeze %dma_wait3A_234 : memref<1x16x128xi32, #tpu.memory_space<vmem>> -> memref<16x128xi32, #tpu.memory_space<vmem>>
      %dma_wait3A_236 = arith.constant 0 : i32
      %dma_wait3A_237 = tpu.memref_slice %dma_wait3A_235[%dma_wait3A_227, %dma_wait3A_236] : memref<16x128xi32, #tpu.memory_space<vmem>> -> memref<1x128xi32, #tpu.memory_space<vmem>>
      %dma_wait3A_238 = tpu.memref_squeeze %dma_wait3A_237 : memref<1x128xi32, #tpu.memory_space<vmem>> -> memref<128xi32, #tpu.memory_space<vmem>>
      %dma_wait3A_239 = arith.constant 0 : i32
      %dma_wait3A_240 = arith.constant 0 : i32
      %dma_wait3A_241 = tpu.memref_slice %arg10[%dma_wait3A_239, %dma_wait3A_240] : memref<10240x128xf32, #tpu.memory_space<vmem_shared>> -> memref<10240x128xf32, #tpu.memory_space<vmem_shared>>
      tpu.wait_indirect_dma semaphore(%arg12 : memref<!tpu.dma_semaphore, #tpu.memory_space<semaphore_mem>>) src(%dma_wait3A_231 : memref<128x128xf32, #tpu.memory_space<vmem>>) dst(%dma_wait3A_241 : memref<10240x128xf32, #tpu.memory_space<vmem_shared>>)
      %dma_wait3A_242 = arith.constant 0 : i32
      %dma_wait3A_243 = arith.constant 1 : i32
      %dma_wait3A_244 = arith.constant 0 : i32
      %dma_wait3A_245 = arith.constant 0 : i32
      %dma_wait3A_246 = tpu.memref_slice %arg9[%dma_wait3A_243, %dma_wait3A_244, %dma_wait3A_245] : memref<2x128x128xf32, #tpu.memory_space<vmem>> -> memref<1x128x128xf32, #tpu.memory_space<vmem>>
      %dma_wait3A_247 = tpu.memref_squeeze %dma_wait3A_246 : memref<1x128x128xf32, #tpu.memory_space<vmem>> -> memref<128x128xf32, #tpu.memory_space<vmem>>
      %dma_wait3A_248 = arith.constant 0 : i32
      %dma_wait3A_249 = arith.constant 0 : i32
      %dma_wait3A_250 = tpu.memref_slice %arg7[%rem3A_25, %dma_wait3A_248, %dma_wait3A_249] : memref<2x16x128xi32, #tpu.memory_space<vmem>> -> memref<1x16x128xi32, #tpu.memory_space<vmem>>
      %dma_wait3A_251 = tpu.memref_squeeze %dma_wait3A_250 : memref<1x16x128xi32, #tpu.memory_space<vmem>> -> memref<16x128xi32, #tpu.memory_space<vmem>>
      %dma_wait3A_252 = arith.constant 0 : i32
      %dma_wait3A_253 = tpu.memref_slice %dma_wait3A_251[%dma_wait3A_242, %dma_wait3A_252] : memref<16x128xi32, #tpu.memory_space<vmem>> -> memref<1x128xi32, #tpu.memory_space<vmem>>
      %dma_wait3A_254 = tpu.memref_squeeze %dma_wait3A_253 : memref<1x128xi32, #tpu.memory_space<vmem>> -> memref<128xi32, #tpu.memory_space<vmem>>
      %dma_wait3A_255 = arith.constant 0 : i32
      %dma_wait3A_256 = arith.constant 0 : i32
      %dma_wait3A_257 = tpu.memref_slice %arg2[%dma_wait3A_255, %dma_wait3A_256] : memref<10240x128xf32, #tpu.memory_space<hbm>> -> memref<10240x128xf32, #tpu.memory_space<hbm>>
      tpu.wait_indirect_dma semaphore(%arg11 : memref<!tpu.dma_semaphore, #tpu.memory_space<semaphore_mem>>) src(%dma_wait3A_257 : memref<10240x128xf32, #tpu.memory_space<hbm>>) dst(%dma_wait3A_247 : memref<128x128xf32, #tpu.memory_space<vmem>>)
      %dma_start3A_258 = arith.constant 4 : i32
      %dma_start3A_259 = arith.constant 0 : i32
      %dma_start3A_260 = arith.constant 0 : i32
      %dma_start3A_261 = arith.constant 0 : i32
      %dma_start3A_262 = tpu.memref_slice %arg9[%dma_start3A_259, %dma_start3A_260, %dma_start3A_261] : memref<2x128x128xf32, #tpu.memory_space<vmem>> -> memref<1x128x128xf32, #tpu.memory_space<vmem>>
      %dma_start3A_263 = tpu.memref_squeeze %dma_start3A_262 : memref<1x128x128xf32, #tpu.memory_space<vmem>> -> memref<128x128xf32, #tpu.memory_space<vmem>>
      %dma_start3A_264 = arith.constant 0 : i32
      %dma_start3A_265 = arith.constant 0 : i32
      %dma_start3A_266 = tpu.memref_slice %arg7[%rem3A_25, %dma_start3A_264, %dma_start3A_265] : memref<2x16x128xi32, #tpu.memory_space<vmem>> -> memref<1x16x128xi32, #tpu.memory_space<vmem>>
      %dma_start3A_267 = tpu.memref_squeeze %dma_start3A_266 : memref<1x16x128xi32, #tpu.memory_space<vmem>> -> memref<16x128xi32, #tpu.memory_space<vmem>>
      %dma_start3A_268 = arith.constant 0 : i32
      %dma_start3A_269 = tpu.memref_slice %dma_start3A_267[%dma_start3A_258, %dma_start3A_268] : memref<16x128xi32, #tpu.memory_space<vmem>> -> memref<1x128xi32, #tpu.memory_space<vmem>>
      %dma_start3A_270 = tpu.memref_squeeze %dma_start3A_269 : memref<1x128xi32, #tpu.memory_space<vmem>> -> memref<128xi32, #tpu.memory_space<vmem>>
      %dma_start3A_271 = arith.constant 0 : i32
      %dma_start3A_272 = arith.constant 0 : i32
      %dma_start3A_273 = tpu.memref_slice %arg2[%dma_start3A_271, %dma_start3A_272] : memref<10240x128xf32, #tpu.memory_space<hbm>> -> memref<10240x128xf32, #tpu.memory_space<hbm>>
      tpu.enqueue_indirect_dma source(%dma_start3A_273 : memref<10240x128xf32, #tpu.memory_space<hbm>>) target(%dma_start3A_263 : memref<128x128xf32, #tpu.memory_space<vmem>>) offsets(%dma_start3A_270 : memref<128xi32, #tpu.memory_space<vmem>>) semaphore(%arg11 : memref<!tpu.dma_semaphore, #tpu.memory_space<semaphore_mem>>)
      %dma_start3A_274 = arith.constant 1 : i32
      %dma_start3A_275 = arith.constant 3 : i32
      %dma_start3A_276 = arith.constant 0 : i32
      %dma_start3A_277 = arith.constant 0 : i32
      %dma_start3A_278 = tpu.memref_slice %arg9[%dma_start3A_274, %dma_start3A_276, %dma_start3A_277] : memref<2x128x128xf32, #tpu.memory_space<vmem>> -> memref<1x128x128xf32, #tpu.memory_space<vmem>>
      %dma_start3A_279 = tpu.memref_squeeze %dma_start3A_278 : memref<1x128x128xf32, #tpu.memory_space<vmem>> -> memref<128x128xf32, #tpu.memory_space<vmem>>
      %dma_start3A_280 = arith.constant 0 : i32
      %dma_start3A_281 = arith.constant 0 : i32
      %dma_start3A_282 = tpu.memref_slice %arg8[%rem3A_25, %dma_start3A_280, %dma_start3A_281] : memref<2x16x128xi32, #tpu.memory_space<vmem>> -> memref<1x16x128xi32, #tpu.memory_space<vmem>>
      %dma_start3A_283 = tpu.memref_squeeze %dma_start3A_282 : memref<1x16x128xi32, #tpu.memory_space<vmem>> -> memref<16x128xi32, #tpu.memory_space<vmem>>
      %dma_start3A_284 = arith.constant 0 : i32
      %dma_start3A_285 = tpu.memref_slice %dma_start3A_283[%dma_start3A_275, %dma_start3A_284] : memref<16x128xi32, #tpu.memory_space<vmem>> -> memref<1x128xi32, #tpu.memory_space<vmem>>
      %dma_start3A_286 = tpu.memref_squeeze %dma_start3A_285 : memref<1x128xi32, #tpu.memory_space<vmem>> -> memref<128xi32, #tpu.memory_space<vmem>>
      %dma_start3A_287 = arith.constant 0 : i32
      %dma_start3A_288 = arith.constant 0 : i32
      %dma_start3A_289 = tpu.memref_slice %arg10[%dma_start3A_287, %dma_start3A_288] : memref<10240x128xf32, #tpu.memory_space<vmem_shared>> -> memref<10240x128xf32, #tpu.memory_space<vmem_shared>>
      tpu.enqueue_indirect_dma source(%dma_start3A_279 : memref<128x128xf32, #tpu.memory_space<vmem>>) target(%dma_start3A_289 : memref<10240x128xf32, #tpu.memory_space<vmem_shared>>) offsets(%dma_start3A_286 : memref<128xi32, #tpu.memory_space<vmem>>) semaphore(%arg12 : memref<!tpu.dma_semaphore, #tpu.memory_space<semaphore_mem>>) {add = true}
      %dma_wait3A_290 = arith.constant 1 : i32
      %dma_wait3A_291 = arith.constant 3 : i32
      %dma_wait3A_292 = arith.constant 0 : i32
      %dma_wait3A_293 = arith.constant 0 : i32
      %dma_wait3A_294 = tpu.memref_slice %arg9[%dma_wait3A_290, %dma_wait3A_292, %dma_wait3A_293] : memref<2x128x128xf32, #tpu.memory_space<vmem>> -> memref<1x128x128xf32, #tpu.memory_space<vmem>>
      %dma_wait3A_295 = tpu.memref_squeeze %dma_wait3A_294 : memref<1x128x128xf32, #tpu.memory_space<vmem>> -> memref<128x128xf32, #tpu.memory_space<vmem>>
      %dma_wait3A_296 = arith.constant 0 : i32
      %dma_wait3A_297 = arith.constant 0 : i32
      %dma_wait3A_298 = tpu.memref_slice %arg8[%rem3A_25, %dma_wait3A_296, %dma_wait3A_297] : memref<2x16x128xi32, #tpu.memory_space<vmem>> -> memref<1x16x128xi32, #tpu.memory_space<vmem>>
      %dma_wait3A_299 = tpu.memref_squeeze %dma_wait3A_298 : memref<1x16x128xi32, #tpu.memory_space<vmem>> -> memref<16x128xi32, #tpu.memory_space<vmem>>
      %dma_wait3A_300 = arith.constant 0 : i32
      %dma_wait3A_301 = tpu.memref_slice %dma_wait3A_299[%dma_wait3A_291, %dma_wait3A_300] : memref<16x128xi32, #tpu.memory_space<vmem>> -> memref<1x128xi32, #tpu.memory_space<vmem>>
      %dma_wait3A_302 = tpu.memref_squeeze %dma_wait3A_301 : memref<1x128xi32, #tpu.memory_space<vmem>> -> memref<128xi32, #tpu.memory_space<vmem>>
      %dma_wait3A_303 = arith.constant 0 : i32
      %dma_wait3A_304 = arith.constant 0 : i32
      %dma_wait3A_305 = tpu.memref_slice %arg10[%dma_wait3A_303, %dma_wait3A_304] : memref<10240x128xf32, #tpu.memory_space<vmem_shared>> -> memref<10240x128xf32, #tpu.memory_space<vmem_shared>>
      tpu.wait_indirect_dma semaphore(%arg12 : memref<!tpu.dma_semaphore, #tpu.memory_space<semaphore_mem>>) src(%dma_wait3A_295 : memref<128x128xf32, #tpu.memory_space<vmem>>) dst(%dma_wait3A_305 : memref<10240x128xf32, #tpu.memory_space<vmem_shared>>)
      %dma_wait3A_306 = arith.constant 0 : i32
      %dma_wait3A_307 = arith.constant 0 : i32
      %dma_wait3A_308 = arith.constant 0 : i32
      %dma_wait3A_309 = arith.constant 0 : i32
      %dma_wait3A_310 = tpu.memref_slice %arg9[%dma_wait3A_307, %dma_wait3A_308, %dma_wait3A_309] : memref<2x128x128xf32, #tpu.memory_space<vmem>> -> memref<1x128x128xf32, #tpu.memory_space<vmem>>
      %dma_wait3A_311 = tpu.memref_squeeze %dma_wait3A_310 : memref<1x128x128xf32, #tpu.memory_space<vmem>> -> memref<128x128xf32, #tpu.memory_space<vmem>>
      %dma_wait3A_312 = arith.constant 0 : i32
      %dma_wait3A_313 = arith.constant 0 : i32
      %dma_wait3A_314 = tpu.memref_slice %arg7[%rem3A_25, %dma_wait3A_312, %dma_wait3A_313] : memref<2x16x128xi32, #tpu.memory_space<vmem>> -> memref<1x16x128xi32, #tpu.memory_space<vmem>>
      %dma_wait3A_315 = tpu.memref_squeeze %dma_wait3A_314 : memref<1x16x128xi32, #tpu.memory_space<vmem>> -> memref<16x128xi32, #tpu.memory_space<vmem>>
      %dma_wait3A_316 = arith.constant 0 : i32
      %dma_wait3A_317 = tpu.memref_slice %dma_wait3A_315[%dma_wait3A_306, %dma_wait3A_316] : memref<16x128xi32, #tpu.memory_space<vmem>> -> memref<1x128xi32, #tpu.memory_space<vmem>>
      %dma_wait3A_318 = tpu.memref_squeeze %dma_wait3A_317 : memref<1x128xi32, #tpu.memory_space<vmem>> -> memref<128xi32, #tpu.memory_space<vmem>>
      %dma_wait3A_319 = arith.constant 0 : i32
      %dma_wait3A_320 = arith.constant 0 : i32
      %dma_wait3A_321 = tpu.memref_slice %arg2[%dma_wait3A_319, %dma_wait3A_320] : memref<10240x128xf32, #tpu.memory_space<hbm>> -> memref<10240x128xf32, #tpu.memory_space<hbm>>
      tpu.wait_indirect_dma semaphore(%arg11 : memref<!tpu.dma_semaphore, #tpu.memory_space<semaphore_mem>>) src(%dma_wait3A_321 : memref<10240x128xf32, #tpu.memory_space<hbm>>) dst(%dma_wait3A_311 : memref<128x128xf32, #tpu.memory_space<vmem>>)
      %dma_start3A_322 = arith.constant 5 : i32
      %dma_start3A_323 = arith.constant 1 : i32
      %dma_start3A_324 = arith.constant 0 : i32
      %dma_start3A_325 = arith.constant 0 : i32
      %dma_start3A_326 = tpu.memref_slice %arg9[%dma_start3A_323, %dma_start3A_324, %dma_start3A_325] : memref<2x128x128xf32, #tpu.memory_space<vmem>> -> memref<1x128x128xf32, #tpu.memory_space<vmem>>
      %dma_start3A_327 = tpu.memref_squeeze %dma_start3A_326 : memref<1x128x128xf32, #tpu.memory_space<vmem>> -> memref<128x128xf32, #tpu.memory_space<vmem>>
      %dma_start3A_328 = arith.constant 0 : i32
      %dma_start3A_329 = arith.constant 0 : i32
      %dma_start3A_330 = tpu.memref_slice %arg7[%rem3A_25, %dma_start3A_328, %dma_start3A_329] : memref<2x16x128xi32, #tpu.memory_space<vmem>> -> memref<1x16x128xi32, #tpu.memory_space<vmem>>
      %dma_start3A_331 = tpu.memref_squeeze %dma_start3A_330 : memref<1x16x128xi32, #tpu.memory_space<vmem>> -> memref<16x128xi32, #tpu.memory_space<vmem>>
      %dma_start3A_332 = arith.constant 0 : i32
      %dma_start3A_333 = tpu.memref_slice %dma_start3A_331[%dma_start3A_322, %dma_start3A_332] : memref<16x128xi32, #tpu.memory_space<vmem>> -> memref<1x128xi32, #tpu.memory_space<vmem>>
      %dma_start3A_334 = tpu.memref_squeeze %dma_start3A_333 : memref<1x128xi32, #tpu.memory_space<vmem>> -> memref<128xi32, #tpu.memory_space<vmem>>
      %dma_start3A_335 = arith.constant 0 : i32
      %dma_start3A_336 = arith.constant 0 : i32
      %dma_start3A_337 = tpu.memref_slice %arg2[%dma_start3A_335, %dma_start3A_336] : memref<10240x128xf32, #tpu.memory_space<hbm>> -> memref<10240x128xf32, #tpu.memory_space<hbm>>
      tpu.enqueue_indirect_dma source(%dma_start3A_337 : memref<10240x128xf32, #tpu.memory_space<hbm>>) target(%dma_start3A_327 : memref<128x128xf32, #tpu.memory_space<vmem>>) offsets(%dma_start3A_334 : memref<128xi32, #tpu.memory_space<vmem>>) semaphore(%arg11 : memref<!tpu.dma_semaphore, #tpu.memory_space<semaphore_mem>>)
      %dma_start3A_338 = arith.constant 0 : i32
      %dma_start3A_339 = arith.constant 4 : i32
      %dma_start3A_340 = arith.constant 0 : i32
      %dma_start3A_341 = arith.constant 0 : i32
      %dma_start3A_342 = tpu.memref_slice %arg9[%dma_start3A_338, %dma_start3A_340, %dma_start3A_341] : memref<2x128x128xf32, #tpu.memory_space<vmem>> -> memref<1x128x128xf32, #tpu.memory_space<vmem>>
      %dma_start3A_343 = tpu.memref_squeeze %dma_start3A_342 : memref<1x128x128xf32, #tpu.memory_space<vmem>> -> memref<128x128xf32, #tpu.memory_space<vmem>>
      %dma_start3A_344 = arith.constant 0 : i32
      %dma_start3A_345 = arith.constant 0 : i32
      %dma_start3A_346 = tpu.memref_slice %arg8[%rem3A_25, %dma_start3A_344, %dma_start3A_345] : memref<2x16x128xi32, #tpu.memory_space<vmem>> -> memref<1x16x128xi32, #tpu.memory_space<vmem>>
      %dma_start3A_347 = tpu.memref_squeeze %dma_start3A_346 : memref<1x16x128xi32, #tpu.memory_space<vmem>> -> memref<16x128xi32, #tpu.memory_space<vmem>>
      %dma_start3A_348 = arith.constant 0 : i32
      %dma_start3A_349 = tpu.memref_slice %dma_start3A_347[%dma_start3A_339, %dma_start3A_348] : memref<16x128xi32, #tpu.memory_space<vmem>> -> memref<1x128xi32, #tpu.memory_space<vmem>>
      %dma_start3A_350 = tpu.memref_squeeze %dma_start3A_349 : memref<1x128xi32, #tpu.memory_space<vmem>> -> memref<128xi32, #tpu.memory_space<vmem>>
      %dma_start3A_351 = arith.constant 0 : i32
      %dma_start3A_352 = arith.constant 0 : i32
      %dma_start3A_353 = tpu.memref_slice %arg10[%dma_start3A_351, %dma_start3A_352] : memref<10240x128xf32, #tpu.memory_space<vmem_shared>> -> memref<10240x128xf32, #tpu.memory_space<vmem_shared>>
      tpu.enqueue_indirect_dma source(%dma_start3A_343 : memref<128x128xf32, #tpu.memory_space<vmem>>) target(%dma_start3A_353 : memref<10240x128xf32, #tpu.memory_space<vmem_shared>>) offsets(%dma_start3A_350 : memref<128xi32, #tpu.memory_space<vmem>>) semaphore(%arg12 : memref<!tpu.dma_semaphore, #tpu.memory_space<semaphore_mem>>) {add = true}
      %dma_wait3A_354 = arith.constant 0 : i32
      %dma_wait3A_355 = arith.constant 4 : i32
      %dma_wait3A_356 = arith.constant 0 : i32
      %dma_wait3A_357 = arith.constant 0 : i32
      %dma_wait3A_358 = tpu.memref_slice %arg9[%dma_wait3A_354, %dma_wait3A_356, %dma_wait3A_357] : memref<2x128x128xf32, #tpu.memory_space<vmem>> -> memref<1x128x128xf32, #tpu.memory_space<vmem>>
      %dma_wait3A_359 = tpu.memref_squeeze %dma_wait3A_358 : memref<1x128x128xf32, #tpu.memory_space<vmem>> -> memref<128x128xf32, #tpu.memory_space<vmem>>
      %dma_wait3A_360 = arith.constant 0 : i32
      %dma_wait3A_361 = arith.constant 0 : i32
      %dma_wait3A_362 = tpu.memref_slice %arg8[%rem3A_25, %dma_wait3A_360, %dma_wait3A_361] : memref<2x16x128xi32, #tpu.memory_space<vmem>> -> memref<1x16x128xi32, #tpu.memory_space<vmem>>
      %dma_wait3A_363 = tpu.memref_squeeze %dma_wait3A_362 : memref<1x16x128xi32, #tpu.memory_space<vmem>> -> memref<16x128xi32, #tpu.memory_space<vmem>>
      %dma_wait3A_364 = arith.constant 0 : i32
      %dma_wait3A_365 = tpu.memref_slice %dma_wait3A_363[%dma_wait3A_355, %dma_wait3A_364] : memref<16x128xi32, #tpu.memory_space<vmem>> -> memref<1x128xi32, #tpu.memory_space<vmem>>
      %dma_wait3A_366 = tpu.memref_squeeze %dma_wait3A_365 : memref<1x128xi32, #tpu.memory_space<vmem>> -> memref<128xi32, #tpu.memory_space<vmem>>
      %dma_wait3A_367 = arith.constant 0 : i32
      %dma_wait3A_368 = arith.constant 0 : i32
      %dma_wait3A_369 = tpu.memref_slice %arg10[%dma_wait3A_367, %dma_wait3A_368] : memref<10240x128xf32, #tpu.memory_space<vmem_shared>> -> memref<10240x128xf32, #tpu.memory_space<vmem_shared>>
      tpu.wait_indirect_dma semaphore(%arg12 : memref<!tpu.dma_semaphore, #tpu.memory_space<semaphore_mem>>) src(%dma_wait3A_359 : memref<128x128xf32, #tpu.memory_space<vmem>>) dst(%dma_wait3A_369 : memref<10240x128xf32, #tpu.memory_space<vmem_shared>>)
      %dma_wait3A_370 = arith.constant 0 : i32
      %dma_wait3A_371 = arith.constant 1 : i32
      %dma_wait3A_372 = arith.constant 0 : i32
      %dma_wait3A_373 = arith.constant 0 : i32
      %dma_wait3A_374 = tpu.memref_slice %arg9[%dma_wait3A_371, %dma_wait3A_372, %dma_wait3A_373] : memref<2x128x128xf32, #tpu.memory_space<vmem>> -> memref<1x128x128xf32, #tpu.memory_space<vmem>>
      %dma_wait3A_375 = tpu.memref_squeeze %dma_wait3A_374 : memref<1x128x128xf32, #tpu.memory_space<vmem>> -> memref<128x128xf32, #tpu.memory_space<vmem>>
      %dma_wait3A_376 = arith.constant 0 : i32
      %dma_wait3A_377 = arith.constant 0 : i32
      %dma_wait3A_378 = tpu.memref_slice %arg7[%rem3A_25, %dma_wait3A_376, %dma_wait3A_377] : memref<2x16x128xi32, #tpu.memory_space<vmem>> -> memref<1x16x128xi32, #tpu.memory_space<vmem>>
      %dma_wait3A_379 = tpu.memref_squeeze %dma_wait3A_378 : memref<1x16x128xi32, #tpu.memory_space<vmem>> -> memref<16x128xi32, #tpu.memory_space<vmem>>
      %dma_wait3A_380 = arith.constant 0 : i32
      %dma_wait3A_381 = tpu.memref_slice %dma_wait3A_379[%dma_wait3A_370, %dma_wait3A_380] : memref<16x128xi32, #tpu.memory_space<vmem>> -> memref<1x128xi32, #tpu.memory_space<vmem>>
      %dma_wait3A_382 = tpu.memref_squeeze %dma_wait3A_381 : memref<1x128xi32, #tpu.memory_space<vmem>> -> memref<128xi32, #tpu.memory_space<vmem>>
      %dma_wait3A_383 = arith.constant 0 : i32
      %dma_wait3A_384 = arith.constant 0 : i32
      %dma_wait3A_385 = tpu.memref_slice %arg2[%dma_wait3A_383, %dma_wait3A_384] : memref<10240x128xf32, #tpu.memory_space<hbm>> -> memref<10240x128xf32, #tpu.memory_space<hbm>>
      tpu.wait_indirect_dma semaphore(%arg11 : memref<!tpu.dma_semaphore, #tpu.memory_space<semaphore_mem>>) src(%dma_wait3A_385 : memref<10240x128xf32, #tpu.memory_space<hbm>>) dst(%dma_wait3A_375 : memref<128x128xf32, #tpu.memory_space<vmem>>)
      %dma_start3A_386 = arith.constant 6 : i32
      %dma_start3A_387 = arith.constant 0 : i32
      %dma_start3A_388 = arith.constant 0 : i32
      %dma_start3A_389 = arith.constant 0 : i32
      %dma_start3A_390 = tpu.memref_slice %arg9[%dma_start3A_387, %dma_start3A_388, %dma_start3A_389] : memref<2x128x128xf32, #tpu.memory_space<vmem>> -> memref<1x128x128xf32, #tpu.memory_space<vmem>>
      %dma_start3A_391 = tpu.memref_squeeze %dma_start3A_390 : memref<1x128x128xf32, #tpu.memory_space<vmem>> -> memref<128x128xf32, #tpu.memory_space<vmem>>
      %dma_start3A_392 = arith.constant 0 : i32
      %dma_start3A_393 = arith.constant 0 : i32
      %dma_start3A_394 = tpu.memref_slice %arg7[%rem3A_25, %dma_start3A_392, %dma_start3A_393] : memref<2x16x128xi32, #tpu.memory_space<vmem>> -> memref<1x16x128xi32, #tpu.memory_space<vmem>>
      %dma_start3A_395 = tpu.memref_squeeze %dma_start3A_394 : memref<1x16x128xi32, #tpu.memory_space<vmem>> -> memref<16x128xi32, #tpu.memory_space<vmem>>
      %dma_start3A_396 = arith.constant 0 : i32
      %dma_start3A_397 = tpu.memref_slice %dma_start3A_395[%dma_start3A_386, %dma_start3A_396] : memref<16x128xi32, #tpu.memory_space<vmem>> -> memref<1x128xi32, #tpu.memory_space<vmem>>
      %dma_start3A_398 = tpu.memref_squeeze %dma_start3A_397 : memref<1x128xi32, #tpu.memory_space<vmem>> -> memref<128xi32, #tpu.memory_space<vmem>>
      %dma_start3A_399 = arith.constant 0 : i32
      %dma_start3A_400 = arith.constant 0 : i32
      %dma_start3A_401 = tpu.memref_slice %arg2[%dma_start3A_399, %dma_start3A_400] : memref<10240x128xf32, #tpu.memory_space<hbm>> -> memref<10240x128xf32, #tpu.memory_space<hbm>>
      tpu.enqueue_indirect_dma source(%dma_start3A_401 : memref<10240x128xf32, #tpu.memory_space<hbm>>) target(%dma_start3A_391 : memref<128x128xf32, #tpu.memory_space<vmem>>) offsets(%dma_start3A_398 : memref<128xi32, #tpu.memory_space<vmem>>) semaphore(%arg11 : memref<!tpu.dma_semaphore, #tpu.memory_space<semaphore_mem>>)
      %dma_start3A_402 = arith.constant 1 : i32
      %dma_start3A_403 = arith.constant 5 : i32
      %dma_start3A_404 = arith.constant 0 : i32
      %dma_start3A_405 = arith.constant 0 : i32
      %dma_start3A_406 = tpu.memref_slice %arg9[%dma_start3A_402, %dma_start3A_404, %dma_start3A_405] : memref<2x128x128xf32, #tpu.memory_space<vmem>> -> memref<1x128x128xf32, #tpu.memory_space<vmem>>
      %dma_start3A_407 = tpu.memref_squeeze %dma_start3A_406 : memref<1x128x128xf32, #tpu.memory_space<vmem>> -> memref<128x128xf32, #tpu.memory_space<vmem>>
      %dma_start3A_408 = arith.constant 0 : i32
      %dma_start3A_409 = arith.constant 0 : i32
      %dma_start3A_410 = tpu.memref_slice %arg8[%rem3A_25, %dma_start3A_408, %dma_start3A_409] : memref<2x16x128xi32, #tpu.memory_space<vmem>> -> memref<1x16x128xi32, #tpu.memory_space<vmem>>
      %dma_start3A_411 = tpu.memref_squeeze %dma_start3A_410 : memref<1x16x128xi32, #tpu.memory_space<vmem>> -> memref<16x128xi32, #tpu.memory_space<vmem>>
      %dma_start3A_412 = arith.constant 0 : i32
      %dma_start3A_413 = tpu.memref_slice %dma_start3A_411[%dma_start3A_403, %dma_start3A_412] : memref<16x128xi32, #tpu.memory_space<vmem>> -> memref<1x128xi32, #tpu.memory_space<vmem>>
      %dma_start3A_414 = tpu.memref_squeeze %dma_start3A_413 : memref<1x128xi32, #tpu.memory_space<vmem>> -> memref<128xi32, #tpu.memory_space<vmem>>
      %dma_start3A_415 = arith.constant 0 : i32
      %dma_start3A_416 = arith.constant 0 : i32
      %dma_start3A_417 = tpu.memref_slice %arg10[%dma_start3A_415, %dma_start3A_416] : memref<10240x128xf32, #tpu.memory_space<vmem_shared>> -> memref<10240x128xf32, #tpu.memory_space<vmem_shared>>
      tpu.enqueue_indirect_dma source(%dma_start3A_407 : memref<128x128xf32, #tpu.memory_space<vmem>>) target(%dma_start3A_417 : memref<10240x128xf32, #tpu.memory_space<vmem_shared>>) offsets(%dma_start3A_414 : memref<128xi32, #tpu.memory_space<vmem>>) semaphore(%arg12 : memref<!tpu.dma_semaphore, #tpu.memory_space<semaphore_mem>>) {add = true}
      %dma_wait3A_418 = arith.constant 1 : i32
      %dma_wait3A_419 = arith.constant 5 : i32
      %dma_wait3A_420 = arith.constant 0 : i32
      %dma_wait3A_421 = arith.constant 0 : i32
      %dma_wait3A_422 = tpu.memref_slice %arg9[%dma_wait3A_418, %dma_wait3A_420, %dma_wait3A_421] : memref<2x128x128xf32, #tpu.memory_space<vmem>> -> memref<1x128x128xf32, #tpu.memory_space<vmem>>
      %dma_wait3A_423 = tpu.memref_squeeze %dma_wait3A_422 : memref<1x128x128xf32, #tpu.memory_space<vmem>> -> memref<128x128xf32, #tpu.memory_space<vmem>>
      %dma_wait3A_424 = arith.constant 0 : i32
      %dma_wait3A_425 = arith.constant 0 : i32
      %dma_wait3A_426 = tpu.memref_slice %arg8[%rem3A_25, %dma_wait3A_424, %dma_wait3A_425] : memref<2x16x128xi32, #tpu.memory_space<vmem>> -> memref<1x16x128xi32, #tpu.memory_space<vmem>>
      %dma_wait3A_427 = tpu.memref_squeeze %dma_wait3A_426 : memref<1x16x128xi32, #tpu.memory_space<vmem>> -> memref<16x128xi32, #tpu.memory_space<vmem>>
      %dma_wait3A_428 = arith.constant 0 : i32
      %dma_wait3A_429 = tpu.memref_slice %dma_wait3A_427[%dma_wait3A_419, %dma_wait3A_428] : memref<16x128xi32, #tpu.memory_space<vmem>> -> memref<1x128xi32, #tpu.memory_space<vmem>>
      %dma_wait3A_430 = tpu.memref_squeeze %dma_wait3A_429 : memref<1x128xi32, #tpu.memory_space<vmem>> -> memref<128xi32, #tpu.memory_space<vmem>>
      %dma_wait3A_431 = arith.constant 0 : i32
      %dma_wait3A_432 = arith.constant 0 : i32
      %dma_wait3A_433 = tpu.memref_slice %arg10[%dma_wait3A_431, %dma_wait3A_432] : memref<10240x128xf32, #tpu.memory_space<vmem_shared>> -> memref<10240x128xf32, #tpu.memory_space<vmem_shared>>
      tpu.wait_indirect_dma semaphore(%arg12 : memref<!tpu.dma_semaphore, #tpu.memory_space<semaphore_mem>>) src(%dma_wait3A_423 : memref<128x128xf32, #tpu.memory_space<vmem>>) dst(%dma_wait3A_433 : memref<10240x128xf32, #tpu.memory_space<vmem_shared>>)
      %dma_wait3A_434 = arith.constant 0 : i32
      %dma_wait3A_435 = arith.constant 0 : i32
      %dma_wait3A_436 = arith.constant 0 : i32
      %dma_wait3A_437 = arith.constant 0 : i32
      %dma_wait3A_438 = tpu.memref_slice %arg9[%dma_wait3A_435, %dma_wait3A_436, %dma_wait3A_437] : memref<2x128x128xf32, #tpu.memory_space<vmem>> -> memref<1x128x128xf32, #tpu.memory_space<vmem>>
      %dma_wait3A_439 = tpu.memref_squeeze %dma_wait3A_438 : memref<1x128x128xf32, #tpu.memory_space<vmem>> -> memref<128x128xf32, #tpu.memory_space<vmem>>
      %dma_wait3A_440 = arith.constant 0 : i32
      %dma_wait3A_441 = arith.constant 0 : i32
      %dma_wait3A_442 = tpu.memref_slice %arg7[%rem3A_25, %dma_wait3A_440, %dma_wait3A_441] : memref<2x16x128xi32, #tpu.memory_space<vmem>> -> memref<1x16x128xi32, #tpu.memory_space<vmem>>
      %dma_wait3A_443 = tpu.memref_squeeze %dma_wait3A_442 : memref<1x16x128xi32, #tpu.memory_space<vmem>> -> memref<16x128xi32, #tpu.memory_space<vmem>>
      %dma_wait3A_444 = arith.constant 0 : i32
      %dma_wait3A_445 = tpu.memref_slice %dma_wait3A_443[%dma_wait3A_434, %dma_wait3A_444] : memref<16x128xi32, #tpu.memory_space<vmem>> -> memref<1x128xi32, #tpu.memory_space<vmem>>
      %dma_wait3A_446 = tpu.memref_squeeze %dma_wait3A_445 : memref<1x128xi32, #tpu.memory_space<vmem>> -> memref<128xi32, #tpu.memory_space<vmem>>
      %dma_wait3A_447 = arith.constant 0 : i32
      %dma_wait3A_448 = arith.constant 0 : i32
      %dma_wait3A_449 = tpu.memref_slice %arg2[%dma_wait3A_447, %dma_wait3A_448] : memref<10240x128xf32, #tpu.memory_space<hbm>> -> memref<10240x128xf32, #tpu.memory_space<hbm>>
      tpu.wait_indirect_dma semaphore(%arg11 : memref<!tpu.dma_semaphore, #tpu.memory_space<semaphore_mem>>) src(%dma_wait3A_449 : memref<10240x128xf32, #tpu.memory_space<hbm>>) dst(%dma_wait3A_439 : memref<128x128xf32, #tpu.memory_space<vmem>>)
      %dma_start3A_450 = arith.constant 7 : i32
      %dma_start3A_451 = arith.constant 1 : i32
      %dma_start3A_452 = arith.constant 0 : i32
      %dma_start3A_453 = arith.constant 0 : i32
      %dma_start3A_454 = tpu.memref_slice %arg9[%dma_start3A_451, %dma_start3A_452, %dma_start3A_453] : memref<2x128x128xf32, #tpu.memory_space<vmem>> -> memref<1x128x128xf32, #tpu.memory_space<vmem>>
      %dma_start3A_455 = tpu.memref_squeeze %dma_start3A_454 : memref<1x128x128xf32, #tpu.memory_space<vmem>> -> memref<128x128xf32, #tpu.memory_space<vmem>>
      %dma_start3A_456 = arith.constant 0 : i32
      %dma_start3A_457 = arith.constant 0 : i32
      %dma_start3A_458 = tpu.memref_slice %arg7[%rem3A_25, %dma_start3A_456, %dma_start3A_457] : memref<2x16x128xi32, #tpu.memory_space<vmem>> -> memref<1x16x128xi32, #tpu.memory_space<vmem>>
      %dma_start3A_459 = tpu.memref_squeeze %dma_start3A_458 : memref<1x16x128xi32, #tpu.memory_space<vmem>> -> memref<16x128xi32, #tpu.memory_space<vmem>>
      %dma_start3A_460 = arith.constant 0 : i32
      %dma_start3A_461 = tpu.memref_slice %dma_start3A_459[%dma_start3A_450, %dma_start3A_460] : memref<16x128xi32, #tpu.memory_space<vmem>> -> memref<1x128xi32, #tpu.memory_space<vmem>>
      %dma_start3A_462 = tpu.memref_squeeze %dma_start3A_461 : memref<1x128xi32, #tpu.memory_space<vmem>> -> memref<128xi32, #tpu.memory_space<vmem>>
      %dma_start3A_463 = arith.constant 0 : i32
      %dma_start3A_464 = arith.constant 0 : i32
      %dma_start3A_465 = tpu.memref_slice %arg2[%dma_start3A_463, %dma_start3A_464] : memref<10240x128xf32, #tpu.memory_space<hbm>> -> memref<10240x128xf32, #tpu.memory_space<hbm>>
      tpu.enqueue_indirect_dma source(%dma_start3A_465 : memref<10240x128xf32, #tpu.memory_space<hbm>>) target(%dma_start3A_455 : memref<128x128xf32, #tpu.memory_space<vmem>>) offsets(%dma_start3A_462 : memref<128xi32, #tpu.memory_space<vmem>>) semaphore(%arg11 : memref<!tpu.dma_semaphore, #tpu.memory_space<semaphore_mem>>)
      %dma_start3A_466 = arith.constant 0 : i32
      %dma_start3A_467 = arith.constant 6 : i32
      %dma_start3A_468 = arith.constant 0 : i32
      %dma_start3A_469 = arith.constant 0 : i32
      %dma_start3A_470 = tpu.memref_slice %arg9[%dma_start3A_466, %dma_start3A_468, %dma_start3A_469] : memref<2x128x128xf32, #tpu.memory_space<vmem>> -> memref<1x128x128xf32, #tpu.memory_space<vmem>>
      %dma_start3A_471 = tpu.memref_squeeze %dma_start3A_470 : memref<1x128x128xf32, #tpu.memory_space<vmem>> -> memref<128x128xf32, #tpu.memory_space<vmem>>
      %dma_start3A_472 = arith.constant 0 : i32
      %dma_start3A_473 = arith.constant 0 : i32
      %dma_start3A_474 = tpu.memref_slice %arg8[%rem3A_25, %dma_start3A_472, %dma_start3A_473] : memref<2x16x128xi32, #tpu.memory_space<vmem>> -> memref<1x16x128xi32, #tpu.memory_space<vmem>>
      %dma_start3A_475 = tpu.memref_squeeze %dma_start3A_474 : memref<1x16x128xi32, #tpu.memory_space<vmem>> -> memref<16x128xi32, #tpu.memory_space<vmem>>
      %dma_start3A_476 = arith.constant 0 : i32
      %dma_start3A_477 = tpu.memref_slice %dma_start3A_475[%dma_start3A_467, %dma_start3A_476] : memref<16x128xi32, #tpu.memory_space<vmem>> -> memref<1x128xi32, #tpu.memory_space<vmem>>
      %dma_start3A_478 = tpu.memref_squeeze %dma_start3A_477 : memref<1x128xi32, #tpu.memory_space<vmem>> -> memref<128xi32, #tpu.memory_space<vmem>>
      %dma_start3A_479 = arith.constant 0 : i32
      %dma_start3A_480 = arith.constant 0 : i32
      %dma_start3A_481 = tpu.memref_slice %arg10[%dma_start3A_479, %dma_start3A_480] : memref<10240x128xf32, #tpu.memory_space<vmem_shared>> -> memref<10240x128xf32, #tpu.memory_space<vmem_shared>>
      tpu.enqueue_indirect_dma source(%dma_start3A_471 : memref<128x128xf32, #tpu.memory_space<vmem>>) target(%dma_start3A_481 : memref<10240x128xf32, #tpu.memory_space<vmem_shared>>) offsets(%dma_start3A_478 : memref<128xi32, #tpu.memory_space<vmem>>) semaphore(%arg12 : memref<!tpu.dma_semaphore, #tpu.memory_space<semaphore_mem>>) {add = true}
      %dma_wait3A_482 = arith.constant 0 : i32
      %dma_wait3A_483 = arith.constant 6 : i32
      %dma_wait3A_484 = arith.constant 0 : i32
      %dma_wait3A_485 = arith.constant 0 : i32
      %dma_wait3A_486 = tpu.memref_slice %arg9[%dma_wait3A_482, %dma_wait3A_484, %dma_wait3A_485] : memref<2x128x128xf32, #tpu.memory_space<vmem>> -> memref<1x128x128xf32, #tpu.memory_space<vmem>>
      %dma_wait3A_487 = tpu.memref_squeeze %dma_wait3A_486 : memref<1x128x128xf32, #tpu.memory_space<vmem>> -> memref<128x128xf32, #tpu.memory_space<vmem>>
      %dma_wait3A_488 = arith.constant 0 : i32
      %dma_wait3A_489 = arith.constant 0 : i32
      %dma_wait3A_490 = tpu.memref_slice %arg8[%rem3A_25, %dma_wait3A_488, %dma_wait3A_489] : memref<2x16x128xi32, #tpu.memory_space<vmem>> -> memref<1x16x128xi32, #tpu.memory_space<vmem>>
      %dma_wait3A_491 = tpu.memref_squeeze %dma_wait3A_490 : memref<1x16x128xi32, #tpu.memory_space<vmem>> -> memref<16x128xi32, #tpu.memory_space<vmem>>
      %dma_wait3A_492 = arith.constant 0 : i32
      %dma_wait3A_493 = tpu.memref_slice %dma_wait3A_491[%dma_wait3A_483, %dma_wait3A_492] : memref<16x128xi32, #tpu.memory_space<vmem>> -> memref<1x128xi32, #tpu.memory_space<vmem>>
      %dma_wait3A_494 = tpu.memref_squeeze %dma_wait3A_493 : memref<1x128xi32, #tpu.memory_space<vmem>> -> memref<128xi32, #tpu.memory_space<vmem>>
      %dma_wait3A_495 = arith.constant 0 : i32
      %dma_wait3A_496 = arith.constant 0 : i32
      %dma_wait3A_497 = tpu.memref_slice %arg10[%dma_wait3A_495, %dma_wait3A_496] : memref<10240x128xf32, #tpu.memory_space<vmem_shared>> -> memref<10240x128xf32, #tpu.memory_space<vmem_shared>>
      tpu.wait_indirect_dma semaphore(%arg12 : memref<!tpu.dma_semaphore, #tpu.memory_space<semaphore_mem>>) src(%dma_wait3A_487 : memref<128x128xf32, #tpu.memory_space<vmem>>) dst(%dma_wait3A_497 : memref<10240x128xf32, #tpu.memory_space<vmem_shared>>)
      %dma_wait3A_498 = arith.constant 0 : i32
      %dma_wait3A_499 = arith.constant 1 : i32
      %dma_wait3A_500 = arith.constant 0 : i32
      %dma_wait3A_501 = arith.constant 0 : i32
      %dma_wait3A_502 = tpu.memref_slice %arg9[%dma_wait3A_499, %dma_wait3A_500, %dma_wait3A_501] : memref<2x128x128xf32, #tpu.memory_space<vmem>> -> memref<1x128x128xf32, #tpu.memory_space<vmem>>
      %dma_wait3A_503 = tpu.memref_squeeze %dma_wait3A_502 : memref<1x128x128xf32, #tpu.memory_space<vmem>> -> memref<128x128xf32, #tpu.memory_space<vmem>>
      %dma_wait3A_504 = arith.constant 0 : i32
      %dma_wait3A_505 = arith.constant 0 : i32
      %dma_wait3A_506 = tpu.memref_slice %arg7[%rem3A_25, %dma_wait3A_504, %dma_wait3A_505] : memref<2x16x128xi32, #tpu.memory_space<vmem>> -> memref<1x16x128xi32, #tpu.memory_space<vmem>>
      %dma_wait3A_507 = tpu.memref_squeeze %dma_wait3A_506 : memref<1x16x128xi32, #tpu.memory_space<vmem>> -> memref<16x128xi32, #tpu.memory_space<vmem>>
      %dma_wait3A_508 = arith.constant 0 : i32
      %dma_wait3A_509 = tpu.memref_slice %dma_wait3A_507[%dma_wait3A_498, %dma_wait3A_508] : memref<16x128xi32, #tpu.memory_space<vmem>> -> memref<1x128xi32, #tpu.memory_space<vmem>>
      %dma_wait3A_510 = tpu.memref_squeeze %dma_wait3A_509 : memref<1x128xi32, #tpu.memory_space<vmem>> -> memref<128xi32, #tpu.memory_space<vmem>>
      %dma_wait3A_511 = arith.constant 0 : i32
      %dma_wait3A_512 = arith.constant 0 : i32
      %dma_wait3A_513 = tpu.memref_slice %arg2[%dma_wait3A_511, %dma_wait3A_512] : memref<10240x128xf32, #tpu.memory_space<hbm>> -> memref<10240x128xf32, #tpu.memory_space<hbm>>
      tpu.wait_indirect_dma semaphore(%arg11 : memref<!tpu.dma_semaphore, #tpu.memory_space<semaphore_mem>>) src(%dma_wait3A_513 : memref<10240x128xf32, #tpu.memory_space<hbm>>) dst(%dma_wait3A_503 : memref<128x128xf32, #tpu.memory_space<vmem>>)
      %dma_start3A_514 = arith.constant 8 : i32
      %dma_start3A_515 = arith.constant 0 : i32
      %dma_start3A_516 = arith.constant 0 : i32
      %dma_start3A_517 = arith.constant 0 : i32
      %dma_start3A_518 = tpu.memref_slice %arg9[%dma_start3A_515, %dma_start3A_516, %dma_start3A_517] : memref<2x128x128xf32, #tpu.memory_space<vmem>> -> memref<1x128x128xf32, #tpu.memory_space<vmem>>
      %dma_start3A_519 = tpu.memref_squeeze %dma_start3A_518 : memref<1x128x128xf32, #tpu.memory_space<vmem>> -> memref<128x128xf32, #tpu.memory_space<vmem>>
      %dma_start3A_520 = arith.constant 0 : i32
      %dma_start3A_521 = arith.constant 0 : i32
      %dma_start3A_522 = tpu.memref_slice %arg7[%rem3A_25, %dma_start3A_520, %dma_start3A_521] : memref<2x16x128xi32, #tpu.memory_space<vmem>> -> memref<1x16x128xi32, #tpu.memory_space<vmem>>
      %dma_start3A_523 = tpu.memref_squeeze %dma_start3A_522 : memref<1x16x128xi32, #tpu.memory_space<vmem>> -> memref<16x128xi32, #tpu.memory_space<vmem>>
      %dma_start3A_524 = arith.constant 0 : i32
      %dma_start3A_525 = tpu.memref_slice %dma_start3A_523[%dma_start3A_514, %dma_start3A_524] : memref<16x128xi32, #tpu.memory_space<vmem>> -> memref<1x128xi32, #tpu.memory_space<vmem>>
      %dma_start3A_526 = tpu.memref_squeeze %dma_start3A_525 : memref<1x128xi32, #tpu.memory_space<vmem>> -> memref<128xi32, #tpu.memory_space<vmem>>
      %dma_start3A_527 = arith.constant 0 : i32
      %dma_start3A_528 = arith.constant 0 : i32
      %dma_start3A_529 = tpu.memref_slice %arg2[%dma_start3A_527, %dma_start3A_528] : memref<10240x128xf32, #tpu.memory_space<hbm>> -> memref<10240x128xf32, #tpu.memory_space<hbm>>
      tpu.enqueue_indirect_dma source(%dma_start3A_529 : memref<10240x128xf32, #tpu.memory_space<hbm>>) target(%dma_start3A_519 : memref<128x128xf32, #tpu.memory_space<vmem>>) offsets(%dma_start3A_526 : memref<128xi32, #tpu.memory_space<vmem>>) semaphore(%arg11 : memref<!tpu.dma_semaphore, #tpu.memory_space<semaphore_mem>>)
      %dma_start3A_530 = arith.constant 1 : i32
      %dma_start3A_531 = arith.constant 7 : i32
      %dma_start3A_532 = arith.constant 0 : i32
      %dma_start3A_533 = arith.constant 0 : i32
      %dma_start3A_534 = tpu.memref_slice %arg9[%dma_start3A_530, %dma_start3A_532, %dma_start3A_533] : memref<2x128x128xf32, #tpu.memory_space<vmem>> -> memref<1x128x128xf32, #tpu.memory_space<vmem>>
      %dma_start3A_535 = tpu.memref_squeeze %dma_start3A_534 : memref<1x128x128xf32, #tpu.memory_space<vmem>> -> memref<128x128xf32, #tpu.memory_space<vmem>>
      %dma_start3A_536 = arith.constant 0 : i32
      %dma_start3A_537 = arith.constant 0 : i32
      %dma_start3A_538 = tpu.memref_slice %arg8[%rem3A_25, %dma_start3A_536, %dma_start3A_537] : memref<2x16x128xi32, #tpu.memory_space<vmem>> -> memref<1x16x128xi32, #tpu.memory_space<vmem>>
      %dma_start3A_539 = tpu.memref_squeeze %dma_start3A_538 : memref<1x16x128xi32, #tpu.memory_space<vmem>> -> memref<16x128xi32, #tpu.memory_space<vmem>>
      %dma_start3A_540 = arith.constant 0 : i32
      %dma_start3A_541 = tpu.memref_slice %dma_start3A_539[%dma_start3A_531, %dma_start3A_540] : memref<16x128xi32, #tpu.memory_space<vmem>> -> memref<1x128xi32, #tpu.memory_space<vmem>>
      %dma_start3A_542 = tpu.memref_squeeze %dma_start3A_541 : memref<1x128xi32, #tpu.memory_space<vmem>> -> memref<128xi32, #tpu.memory_space<vmem>>
      %dma_start3A_543 = arith.constant 0 : i32
      %dma_start3A_544 = arith.constant 0 : i32
      %dma_start3A_545 = tpu.memref_slice %arg10[%dma_start3A_543, %dma_start3A_544] : memref<10240x128xf32, #tpu.memory_space<vmem_shared>> -> memref<10240x128xf32, #tpu.memory_space<vmem_shared>>
      tpu.enqueue_indirect_dma source(%dma_start3A_535 : memref<128x128xf32, #tpu.memory_space<vmem>>) target(%dma_start3A_545 : memref<10240x128xf32, #tpu.memory_space<vmem_shared>>) offsets(%dma_start3A_542 : memref<128xi32, #tpu.memory_space<vmem>>) semaphore(%arg12 : memref<!tpu.dma_semaphore, #tpu.memory_space<semaphore_mem>>) {add = true}
      %dma_wait3A_546 = arith.constant 1 : i32
      %dma_wait3A_547 = arith.constant 7 : i32
      %dma_wait3A_548 = arith.constant 0 : i32
      %dma_wait3A_549 = arith.constant 0 : i32
      %dma_wait3A_550 = tpu.memref_slice %arg9[%dma_wait3A_546, %dma_wait3A_548, %dma_wait3A_549] : memref<2x128x128xf32, #tpu.memory_space<vmem>> -> memref<1x128x128xf32, #tpu.memory_space<vmem>>
      %dma_wait3A_551 = tpu.memref_squeeze %dma_wait3A_550 : memref<1x128x128xf32, #tpu.memory_space<vmem>> -> memref<128x128xf32, #tpu.memory_space<vmem>>
      %dma_wait3A_552 = arith.constant 0 : i32
      %dma_wait3A_553 = arith.constant 0 : i32
      %dma_wait3A_554 = tpu.memref_slice %arg8[%rem3A_25, %dma_wait3A_552, %dma_wait3A_553] : memref<2x16x128xi32, #tpu.memory_space<vmem>> -> memref<1x16x128xi32, #tpu.memory_space<vmem>>
      %dma_wait3A_555 = tpu.memref_squeeze %dma_wait3A_554 : memref<1x16x128xi32, #tpu.memory_space<vmem>> -> memref<16x128xi32, #tpu.memory_space<vmem>>
      %dma_wait3A_556 = arith.constant 0 : i32
      %dma_wait3A_557 = tpu.memref_slice %dma_wait3A_555[%dma_wait3A_547, %dma_wait3A_556] : memref<16x128xi32, #tpu.memory_space<vmem>> -> memref<1x128xi32, #tpu.memory_space<vmem>>
      %dma_wait3A_558 = tpu.memref_squeeze %dma_wait3A_557 : memref<1x128xi32, #tpu.memory_space<vmem>> -> memref<128xi32, #tpu.memory_space<vmem>>
      %dma_wait3A_559 = arith.constant 0 : i32
      %dma_wait3A_560 = arith.constant 0 : i32
      %dma_wait3A_561 = tpu.memref_slice %arg10[%dma_wait3A_559, %dma_wait3A_560] : memref<10240x128xf32, #tpu.memory_space<vmem_shared>> -> memref<10240x128xf32, #tpu.memory_space<vmem_shared>>
      tpu.wait_indirect_dma semaphore(%arg12 : memref<!tpu.dma_semaphore, #tpu.memory_space<semaphore_mem>>) src(%dma_wait3A_551 : memref<128x128xf32, #tpu.memory_space<vmem>>) dst(%dma_wait3A_561 : memref<10240x128xf32, #tpu.memory_space<vmem_shared>>)
      %dma_wait3A_562 = arith.constant 0 : i32
      %dma_wait3A_563 = arith.constant 0 : i32
      %dma_wait3A_564 = arith.constant 0 : i32
      %dma_wait3A_565 = arith.constant 0 : i32
      %dma_wait3A_566 = tpu.memref_slice %arg9[%dma_wait3A_563, %dma_wait3A_564, %dma_wait3A_565] : memref<2x128x128xf32, #tpu.memory_space<vmem>> -> memref<1x128x128xf32, #tpu.memory_space<vmem>>
      %dma_wait3A_567 = tpu.memref_squeeze %dma_wait3A_566 : memref<1x128x128xf32, #tpu.memory_space<vmem>> -> memref<128x128xf32, #tpu.memory_space<vmem>>
      %dma_wait3A_568 = arith.constant 0 : i32
      %dma_wait3A_569 = arith.constant 0 : i32
      %dma_wait3A_570 = tpu.memref_slice %arg7[%rem3A_25, %dma_wait3A_568, %dma_wait3A_569] : memref<2x16x128xi32, #tpu.memory_space<vmem>> -> memref<1x16x128xi32, #tpu.memory_space<vmem>>
      %dma_wait3A_571 = tpu.memref_squeeze %dma_wait3A_570 : memref<1x16x128xi32, #tpu.memory_space<vmem>> -> memref<16x128xi32, #tpu.memory_space<vmem>>
      %dma_wait3A_572 = arith.constant 0 : i32
      %dma_wait3A_573 = tpu.memref_slice %dma_wait3A_571[%dma_wait3A_562, %dma_wait3A_572] : memref<16x128xi32, #tpu.memory_space<vmem>> -> memref<1x128xi32, #tpu.memory_space<vmem>>
      %dma_wait3A_574 = tpu.memref_squeeze %dma_wait3A_573 : memref<1x128xi32, #tpu.memory_space<vmem>> -> memref<128xi32, #tpu.memory_space<vmem>>
      %dma_wait3A_575 = arith.constant 0 : i32
      %dma_wait3A_576 = arith.constant 0 : i32
      %dma_wait3A_577 = tpu.memref_slice %arg2[%dma_wait3A_575, %dma_wait3A_576] : memref<10240x128xf32, #tpu.memory_space<hbm>> -> memref<10240x128xf32, #tpu.memory_space<hbm>>
      tpu.wait_indirect_dma semaphore(%arg11 : memref<!tpu.dma_semaphore, #tpu.memory_space<semaphore_mem>>) src(%dma_wait3A_577 : memref<10240x128xf32, #tpu.memory_space<hbm>>) dst(%dma_wait3A_567 : memref<128x128xf32, #tpu.memory_space<vmem>>)
      %dma_start3A_578 = arith.constant 9 : i32
      %dma_start3A_579 = arith.constant 1 : i32
      %dma_start3A_580 = arith.constant 0 : i32
      %dma_start3A_581 = arith.constant 0 : i32
      %dma_start3A_582 = tpu.memref_slice %arg9[%dma_start3A_579, %dma_start3A_580, %dma_start3A_581] : memref<2x128x128xf32, #tpu.memory_space<vmem>> -> memref<1x128x128xf32, #tpu.memory_space<vmem>>
      %dma_start3A_583 = tpu.memref_squeeze %dma_start3A_582 : memref<1x128x128xf32, #tpu.memory_space<vmem>> -> memref<128x128xf32, #tpu.memory_space<vmem>>
      %dma_start3A_584 = arith.constant 0 : i32
      %dma_start3A_585 = arith.constant 0 : i32
      %dma_start3A_586 = tpu.memref_slice %arg7[%rem3A_25, %dma_start3A_584, %dma_start3A_585] : memref<2x16x128xi32, #tpu.memory_space<vmem>> -> memref<1x16x128xi32, #tpu.memory_space<vmem>>
      %dma_start3A_587 = tpu.memref_squeeze %dma_start3A_586 : memref<1x16x128xi32, #tpu.memory_space<vmem>> -> memref<16x128xi32, #tpu.memory_space<vmem>>
      %dma_start3A_588 = arith.constant 0 : i32
      %dma_start3A_589 = tpu.memref_slice %dma_start3A_587[%dma_start3A_578, %dma_start3A_588] : memref<16x128xi32, #tpu.memory_space<vmem>> -> memref<1x128xi32, #tpu.memory_space<vmem>>
      %dma_start3A_590 = tpu.memref_squeeze %dma_start3A_589 : memref<1x128xi32, #tpu.memory_space<vmem>> -> memref<128xi32, #tpu.memory_space<vmem>>
      %dma_start3A_591 = arith.constant 0 : i32
      %dma_start3A_592 = arith.constant 0 : i32
      %dma_start3A_593 = tpu.memref_slice %arg2[%dma_start3A_591, %dma_start3A_592] : memref<10240x128xf32, #tpu.memory_space<hbm>> -> memref<10240x128xf32, #tpu.memory_space<hbm>>
      tpu.enqueue_indirect_dma source(%dma_start3A_593 : memref<10240x128xf32, #tpu.memory_space<hbm>>) target(%dma_start3A_583 : memref<128x128xf32, #tpu.memory_space<vmem>>) offsets(%dma_start3A_590 : memref<128xi32, #tpu.memory_space<vmem>>) semaphore(%arg11 : memref<!tpu.dma_semaphore, #tpu.memory_space<semaphore_mem>>)
      %dma_start3A_594 = arith.constant 0 : i32
      %dma_start3A_595 = arith.constant 8 : i32
      %dma_start3A_596 = arith.constant 0 : i32
      %dma_start3A_597 = arith.constant 0 : i32
      %dma_start3A_598 = tpu.memref_slice %arg9[%dma_start3A_594, %dma_start3A_596, %dma_start3A_597] : memref<2x128x128xf32, #tpu.memory_space<vmem>> -> memref<1x128x128xf32, #tpu.memory_space<vmem>>
      %dma_start3A_599 = tpu.memref_squeeze %dma_start3A_598 : memref<1x128x128xf32, #tpu.memory_space<vmem>> -> memref<128x128xf32, #tpu.memory_space<vmem>>
      %dma_start3A_600 = arith.constant 0 : i32
      %dma_start3A_601 = arith.constant 0 : i32
      %dma_start3A_602 = tpu.memref_slice %arg8[%rem3A_25, %dma_start3A_600, %dma_start3A_601] : memref<2x16x128xi32, #tpu.memory_space<vmem>> -> memref<1x16x128xi32, #tpu.memory_space<vmem>>
      %dma_start3A_603 = tpu.memref_squeeze %dma_start3A_602 : memref<1x16x128xi32, #tpu.memory_space<vmem>> -> memref<16x128xi32, #tpu.memory_space<vmem>>
      %dma_start3A_604 = arith.constant 0 : i32
      %dma_start3A_605 = tpu.memref_slice %dma_start3A_603[%dma_start3A_595, %dma_start3A_604] : memref<16x128xi32, #tpu.memory_space<vmem>> -> memref<1x128xi32, #tpu.memory_space<vmem>>
      %dma_start3A_606 = tpu.memref_squeeze %dma_start3A_605 : memref<1x128xi32, #tpu.memory_space<vmem>> -> memref<128xi32, #tpu.memory_space<vmem>>
      %dma_start3A_607 = arith.constant 0 : i32
      %dma_start3A_608 = arith.constant 0 : i32
      %dma_start3A_609 = tpu.memref_slice %arg10[%dma_start3A_607, %dma_start3A_608] : memref<10240x128xf32, #tpu.memory_space<vmem_shared>> -> memref<10240x128xf32, #tpu.memory_space<vmem_shared>>
      tpu.enqueue_indirect_dma source(%dma_start3A_599 : memref<128x128xf32, #tpu.memory_space<vmem>>) target(%dma_start3A_609 : memref<10240x128xf32, #tpu.memory_space<vmem_shared>>) offsets(%dma_start3A_606 : memref<128xi32, #tpu.memory_space<vmem>>) semaphore(%arg12 : memref<!tpu.dma_semaphore, #tpu.memory_space<semaphore_mem>>) {add = true}
      %dma_wait3A_610 = arith.constant 0 : i32
      %dma_wait3A_611 = arith.constant 8 : i32
      %dma_wait3A_612 = arith.constant 0 : i32
      %dma_wait3A_613 = arith.constant 0 : i32
      %dma_wait3A_614 = tpu.memref_slice %arg9[%dma_wait3A_610, %dma_wait3A_612, %dma_wait3A_613] : memref<2x128x128xf32, #tpu.memory_space<vmem>> -> memref<1x128x128xf32, #tpu.memory_space<vmem>>
      %dma_wait3A_615 = tpu.memref_squeeze %dma_wait3A_614 : memref<1x128x128xf32, #tpu.memory_space<vmem>> -> memref<128x128xf32, #tpu.memory_space<vmem>>
      %dma_wait3A_616 = arith.constant 0 : i32
      %dma_wait3A_617 = arith.constant 0 : i32
      %dma_wait3A_618 = tpu.memref_slice %arg8[%rem3A_25, %dma_wait3A_616, %dma_wait3A_617] : memref<2x16x128xi32, #tpu.memory_space<vmem>> -> memref<1x16x128xi32, #tpu.memory_space<vmem>>
      %dma_wait3A_619 = tpu.memref_squeeze %dma_wait3A_618 : memref<1x16x128xi32, #tpu.memory_space<vmem>> -> memref<16x128xi32, #tpu.memory_space<vmem>>
      %dma_wait3A_620 = arith.constant 0 : i32
      %dma_wait3A_621 = tpu.memref_slice %dma_wait3A_619[%dma_wait3A_611, %dma_wait3A_620] : memref<16x128xi32, #tpu.memory_space<vmem>> -> memref<1x128xi32, #tpu.memory_space<vmem>>
      %dma_wait3A_622 = tpu.memref_squeeze %dma_wait3A_621 : memref<1x128xi32, #tpu.memory_space<vmem>> -> memref<128xi32, #tpu.memory_space<vmem>>
      %dma_wait3A_623 = arith.constant 0 : i32
      %dma_wait3A_624 = arith.constant 0 : i32
      %dma_wait3A_625 = tpu.memref_slice %arg10[%dma_wait3A_623, %dma_wait3A_624] : memref<10240x128xf32, #tpu.memory_space<vmem_shared>> -> memref<10240x128xf32, #tpu.memory_space<vmem_shared>>
      tpu.wait_indirect_dma semaphore(%arg12 : memref<!tpu.dma_semaphore, #tpu.memory_space<semaphore_mem>>) src(%dma_wait3A_615 : memref<128x128xf32, #tpu.memory_space<vmem>>) dst(%dma_wait3A_625 : memref<10240x128xf32, #tpu.memory_space<vmem_shared>>)
      %dma_wait3A_626 = arith.constant 0 : i32
      %dma_wait3A_627 = arith.constant 1 : i32
      %dma_wait3A_628 = arith.constant 0 : i32
      %dma_wait3A_629 = arith.constant 0 : i32
      %dma_wait3A_630 = tpu.memref_slice %arg9[%dma_wait3A_627, %dma_wait3A_628, %dma_wait3A_629] : memref<2x128x128xf32, #tpu.memory_space<vmem>> -> memref<1x128x128xf32, #tpu.memory_space<vmem>>
      %dma_wait3A_631 = tpu.memref_squeeze %dma_wait3A_630 : memref<1x128x128xf32, #tpu.memory_space<vmem>> -> memref<128x128xf32, #tpu.memory_space<vmem>>
      %dma_wait3A_632 = arith.constant 0 : i32
      %dma_wait3A_633 = arith.constant 0 : i32
      %dma_wait3A_634 = tpu.memref_slice %arg7[%rem3A_25, %dma_wait3A_632, %dma_wait3A_633] : memref<2x16x128xi32, #tpu.memory_space<vmem>> -> memref<1x16x128xi32, #tpu.memory_space<vmem>>
      %dma_wait3A_635 = tpu.memref_squeeze %dma_wait3A_634 : memref<1x16x128xi32, #tpu.memory_space<vmem>> -> memref<16x128xi32, #tpu.memory_space<vmem>>
      %dma_wait3A_636 = arith.constant 0 : i32
      %dma_wait3A_637 = tpu.memref_slice %dma_wait3A_635[%dma_wait3A_626, %dma_wait3A_636] : memref<16x128xi32, #tpu.memory_space<vmem>> -> memref<1x128xi32, #tpu.memory_space<vmem>>
      %dma_wait3A_638 = tpu.memref_squeeze %dma_wait3A_637 : memref<1x128xi32, #tpu.memory_space<vmem>> -> memref<128xi32, #tpu.memory_space<vmem>>
      %dma_wait3A_639 = arith.constant 0 : i32
      %dma_wait3A_640 = arith.constant 0 : i32
      %dma_wait3A_641 = tpu.memref_slice %arg2[%dma_wait3A_639, %dma_wait3A_640] : memref<10240x128xf32, #tpu.memory_space<hbm>> -> memref<10240x128xf32, #tpu.memory_space<hbm>>
      tpu.wait_indirect_dma semaphore(%arg11 : memref<!tpu.dma_semaphore, #tpu.memory_space<semaphore_mem>>) src(%dma_wait3A_641 : memref<10240x128xf32, #tpu.memory_space<hbm>>) dst(%dma_wait3A_631 : memref<128x128xf32, #tpu.memory_space<vmem>>)
      %dma_start3A_642 = arith.constant 10 : i32
      %dma_start3A_643 = arith.constant 0 : i32
      %dma_start3A_644 = arith.constant 0 : i32
      %dma_start3A_645 = arith.constant 0 : i32
      %dma_start3A_646 = tpu.memref_slice %arg9[%dma_start3A_643, %dma_start3A_644, %dma_start3A_645] : memref<2x128x128xf32, #tpu.memory_space<vmem>> -> memref<1x128x128xf32, #tpu.memory_space<vmem>>
      %dma_start3A_647 = tpu.memref_squeeze %dma_start3A_646 : memref<1x128x128xf32, #tpu.memory_space<vmem>> -> memref<128x128xf32, #tpu.memory_space<vmem>>
      %dma_start3A_648 = arith.constant 0 : i32
      %dma_start3A_649 = arith.constant 0 : i32
      %dma_start3A_650 = tpu.memref_slice %arg7[%rem3A_25, %dma_start3A_648, %dma_start3A_649] : memref<2x16x128xi32, #tpu.memory_space<vmem>> -> memref<1x16x128xi32, #tpu.memory_space<vmem>>
      %dma_start3A_651 = tpu.memref_squeeze %dma_start3A_650 : memref<1x16x128xi32, #tpu.memory_space<vmem>> -> memref<16x128xi32, #tpu.memory_space<vmem>>
      %dma_start3A_652 = arith.constant 0 : i32
      %dma_start3A_653 = tpu.memref_slice %dma_start3A_651[%dma_start3A_642, %dma_start3A_652] : memref<16x128xi32, #tpu.memory_space<vmem>> -> memref<1x128xi32, #tpu.memory_space<vmem>>
      %dma_start3A_654 = tpu.memref_squeeze %dma_start3A_653 : memref<1x128xi32, #tpu.memory_space<vmem>> -> memref<128xi32, #tpu.memory_space<vmem>>
      %dma_start3A_655 = arith.constant 0 : i32
      %dma_start3A_656 = arith.constant 0 : i32
      %dma_start3A_657 = tpu.memref_slice %arg2[%dma_start3A_655, %dma_start3A_656] : memref<10240x128xf32, #tpu.memory_space<hbm>> -> memref<10240x128xf32, #tpu.memory_space<hbm>>
      tpu.enqueue_indirect_dma source(%dma_start3A_657 : memref<10240x128xf32, #tpu.memory_space<hbm>>) target(%dma_start3A_647 : memref<128x128xf32, #tpu.memory_space<vmem>>) offsets(%dma_start3A_654 : memref<128xi32, #tpu.memory_space<vmem>>) semaphore(%arg11 : memref<!tpu.dma_semaphore, #tpu.memory_space<semaphore_mem>>)
      %dma_start3A_658 = arith.constant 1 : i32
      %dma_start3A_659 = arith.constant 9 : i32
      %dma_start3A_660 = arith.constant 0 : i32
      %dma_start3A_661 = arith.constant 0 : i32
      %dma_start3A_662 = tpu.memref_slice %arg9[%dma_start3A_658, %dma_start3A_660, %dma_start3A_661] : memref<2x128x128xf32, #tpu.memory_space<vmem>> -> memref<1x128x128xf32, #tpu.memory_space<vmem>>
      %dma_start3A_663 = tpu.memref_squeeze %dma_start3A_662 : memref<1x128x128xf32, #tpu.memory_space<vmem>> -> memref<128x128xf32, #tpu.memory_space<vmem>>
      %dma_start3A_664 = arith.constant 0 : i32
      %dma_start3A_665 = arith.constant 0 : i32
      %dma_start3A_666 = tpu.memref_slice %arg8[%rem3A_25, %dma_start3A_664, %dma_start3A_665] : memref<2x16x128xi32, #tpu.memory_space<vmem>> -> memref<1x16x128xi32, #tpu.memory_space<vmem>>
      %dma_start3A_667 = tpu.memref_squeeze %dma_start3A_666 : memref<1x16x128xi32, #tpu.memory_space<vmem>> -> memref<16x128xi32, #tpu.memory_space<vmem>>
      %dma_start3A_668 = arith.constant 0 : i32
      %dma_start3A_669 = tpu.memref_slice %dma_start3A_667[%dma_start3A_659, %dma_start3A_668] : memref<16x128xi32, #tpu.memory_space<vmem>> -> memref<1x128xi32, #tpu.memory_space<vmem>>
      %dma_start3A_670 = tpu.memref_squeeze %dma_start3A_669 : memref<1x128xi32, #tpu.memory_space<vmem>> -> memref<128xi32, #tpu.memory_space<vmem>>
      %dma_start3A_671 = arith.constant 0 : i32
      %dma_start3A_672 = arith.constant 0 : i32
      %dma_start3A_673 = tpu.memref_slice %arg10[%dma_start3A_671, %dma_start3A_672] : memref<10240x128xf32, #tpu.memory_space<vmem_shared>> -> memref<10240x128xf32, #tpu.memory_space<vmem_shared>>
      tpu.enqueue_indirect_dma source(%dma_start3A_663 : memref<128x128xf32, #tpu.memory_space<vmem>>) target(%dma_start3A_673 : memref<10240x128xf32, #tpu.memory_space<vmem_shared>>) offsets(%dma_start3A_670 : memref<128xi32, #tpu.memory_space<vmem>>) semaphore(%arg12 : memref<!tpu.dma_semaphore, #tpu.memory_space<semaphore_mem>>) {add = true}
      %dma_wait3A_674 = arith.constant 1 : i32
      %dma_wait3A_675 = arith.constant 9 : i32
      %dma_wait3A_676 = arith.constant 0 : i32
      %dma_wait3A_677 = arith.constant 0 : i32
      %dma_wait3A_678 = tpu.memref_slice %arg9[%dma_wait3A_674, %dma_wait3A_676, %dma_wait3A_677] : memref<2x128x128xf32, #tpu.memory_space<vmem>> -> memref<1x128x128xf32, #tpu.memory_space<vmem>>
      %dma_wait3A_679 = tpu.memref_squeeze %dma_wait3A_678 : memref<1x128x128xf32, #tpu.memory_space<vmem>> -> memref<128x128xf32, #tpu.memory_space<vmem>>
      %dma_wait3A_680 = arith.constant 0 : i32
      %dma_wait3A_681 = arith.constant 0 : i32
      %dma_wait3A_682 = tpu.memref_slice %arg8[%rem3A_25, %dma_wait3A_680, %dma_wait3A_681] : memref<2x16x128xi32, #tpu.memory_space<vmem>> -> memref<1x16x128xi32, #tpu.memory_space<vmem>>
      %dma_wait3A_683 = tpu.memref_squeeze %dma_wait3A_682 : memref<1x16x128xi32, #tpu.memory_space<vmem>> -> memref<16x128xi32, #tpu.memory_space<vmem>>
      %dma_wait3A_684 = arith.constant 0 : i32
      %dma_wait3A_685 = tpu.memref_slice %dma_wait3A_683[%dma_wait3A_675, %dma_wait3A_684] : memref<16x128xi32, #tpu.memory_space<vmem>> -> memref<1x128xi32, #tpu.memory_space<vmem>>
      %dma_wait3A_686 = tpu.memref_squeeze %dma_wait3A_685 : memref<1x128xi32, #tpu.memory_space<vmem>> -> memref<128xi32, #tpu.memory_space<vmem>>
      %dma_wait3A_687 = arith.constant 0 : i32
      %dma_wait3A_688 = arith.constant 0 : i32
      %dma_wait3A_689 = tpu.memref_slice %arg10[%dma_wait3A_687, %dma_wait3A_688] : memref<10240x128xf32, #tpu.memory_space<vmem_shared>> -> memref<10240x128xf32, #tpu.memory_space<vmem_shared>>
      tpu.wait_indirect_dma semaphore(%arg12 : memref<!tpu.dma_semaphore, #tpu.memory_space<semaphore_mem>>) src(%dma_wait3A_679 : memref<128x128xf32, #tpu.memory_space<vmem>>) dst(%dma_wait3A_689 : memref<10240x128xf32, #tpu.memory_space<vmem_shared>>)
      %dma_wait3A_690 = arith.constant 0 : i32
      %dma_wait3A_691 = arith.constant 0 : i32
      %dma_wait3A_692 = arith.constant 0 : i32
      %dma_wait3A_693 = arith.constant 0 : i32
      %dma_wait3A_694 = tpu.memref_slice %arg9[%dma_wait3A_691, %dma_wait3A_692, %dma_wait3A_693] : memref<2x128x128xf32, #tpu.memory_space<vmem>> -> memref<1x128x128xf32, #tpu.memory_space<vmem>>
      %dma_wait3A_695 = tpu.memref_squeeze %dma_wait3A_694 : memref<1x128x128xf32, #tpu.memory_space<vmem>> -> memref<128x128xf32, #tpu.memory_space<vmem>>
      %dma_wait3A_696 = arith.constant 0 : i32
      %dma_wait3A_697 = arith.constant 0 : i32
      %dma_wait3A_698 = tpu.memref_slice %arg7[%rem3A_25, %dma_wait3A_696, %dma_wait3A_697] : memref<2x16x128xi32, #tpu.memory_space<vmem>> -> memref<1x16x128xi32, #tpu.memory_space<vmem>>
      %dma_wait3A_699 = tpu.memref_squeeze %dma_wait3A_698 : memref<1x16x128xi32, #tpu.memory_space<vmem>> -> memref<16x128xi32, #tpu.memory_space<vmem>>
      %dma_wait3A_700 = arith.constant 0 : i32
      %dma_wait3A_701 = tpu.memref_slice %dma_wait3A_699[%dma_wait3A_690, %dma_wait3A_700] : memref<16x128xi32, #tpu.memory_space<vmem>> -> memref<1x128xi32, #tpu.memory_space<vmem>>
      %dma_wait3A_702 = tpu.memref_squeeze %dma_wait3A_701 : memref<1x128xi32, #tpu.memory_space<vmem>> -> memref<128xi32, #tpu.memory_space<vmem>>
      %dma_wait3A_703 = arith.constant 0 : i32
      %dma_wait3A_704 = arith.constant 0 : i32
      %dma_wait3A_705 = tpu.memref_slice %arg2[%dma_wait3A_703, %dma_wait3A_704] : memref<10240x128xf32, #tpu.memory_space<hbm>> -> memref<10240x128xf32, #tpu.memory_space<hbm>>
      tpu.wait_indirect_dma semaphore(%arg11 : memref<!tpu.dma_semaphore, #tpu.memory_space<semaphore_mem>>) src(%dma_wait3A_705 : memref<10240x128xf32, #tpu.memory_space<hbm>>) dst(%dma_wait3A_695 : memref<128x128xf32, #tpu.memory_space<vmem>>)
      %dma_start3A_706 = arith.constant 11 : i32
      %dma_start3A_707 = arith.constant 1 : i32
      %dma_start3A_708 = arith.constant 0 : i32
      %dma_start3A_709 = arith.constant 0 : i32
      %dma_start3A_710 = tpu.memref_slice %arg9[%dma_start3A_707, %dma_start3A_708, %dma_start3A_709] : memref<2x128x128xf32, #tpu.memory_space<vmem>> -> memref<1x128x128xf32, #tpu.memory_space<vmem>>
      %dma_start3A_711 = tpu.memref_squeeze %dma_start3A_710 : memref<1x128x128xf32, #tpu.memory_space<vmem>> -> memref<128x128xf32, #tpu.memory_space<vmem>>
      %dma_start3A_712 = arith.constant 0 : i32
      %dma_start3A_713 = arith.constant 0 : i32
      %dma_start3A_714 = tpu.memref_slice %arg7[%rem3A_25, %dma_start3A_712, %dma_start3A_713] : memref<2x16x128xi32, #tpu.memory_space<vmem>> -> memref<1x16x128xi32, #tpu.memory_space<vmem>>
      %dma_start3A_715 = tpu.memref_squeeze %dma_start3A_714 : memref<1x16x128xi32, #tpu.memory_space<vmem>> -> memref<16x128xi32, #tpu.memory_space<vmem>>
      %dma_start3A_716 = arith.constant 0 : i32
      %dma_start3A_717 = tpu.memref_slice %dma_start3A_715[%dma_start3A_706, %dma_start3A_716] : memref<16x128xi32, #tpu.memory_space<vmem>> -> memref<1x128xi32, #tpu.memory_space<vmem>>
      %dma_start3A_718 = tpu.memref_squeeze %dma_start3A_717 : memref<1x128xi32, #tpu.memory_space<vmem>> -> memref<128xi32, #tpu.memory_space<vmem>>
      %dma_start3A_719 = arith.constant 0 : i32
      %dma_start3A_720 = arith.constant 0 : i32
      %dma_start3A_721 = tpu.memref_slice %arg2[%dma_start3A_719, %dma_start3A_720] : memref<10240x128xf32, #tpu.memory_space<hbm>> -> memref<10240x128xf32, #tpu.memory_space<hbm>>
      tpu.enqueue_indirect_dma source(%dma_start3A_721 : memref<10240x128xf32, #tpu.memory_space<hbm>>) target(%dma_start3A_711 : memref<128x128xf32, #tpu.memory_space<vmem>>) offsets(%dma_start3A_718 : memref<128xi32, #tpu.memory_space<vmem>>) semaphore(%arg11 : memref<!tpu.dma_semaphore, #tpu.memory_space<semaphore_mem>>)
      %dma_start3A_722 = arith.constant 0 : i32
      %dma_start3A_723 = arith.constant 10 : i32
      %dma_start3A_724 = arith.constant 0 : i32
      %dma_start3A_725 = arith.constant 0 : i32
      %dma_start3A_726 = tpu.memref_slice %arg9[%dma_start3A_722, %dma_start3A_724, %dma_start3A_725] : memref<2x128x128xf32, #tpu.memory_space<vmem>> -> memref<1x128x128xf32, #tpu.memory_space<vmem>>
      %dma_start3A_727 = tpu.memref_squeeze %dma_start3A_726 : memref<1x128x128xf32, #tpu.memory_space<vmem>> -> memref<128x128xf32, #tpu.memory_space<vmem>>
      %dma_start3A_728 = arith.constant 0 : i32
      %dma_start3A_729 = arith.constant 0 : i32
      %dma_start3A_730 = tpu.memref_slice %arg8[%rem3A_25, %dma_start3A_728, %dma_start3A_729] : memref<2x16x128xi32, #tpu.memory_space<vmem>> -> memref<1x16x128xi32, #tpu.memory_space<vmem>>
      %dma_start3A_731 = tpu.memref_squeeze %dma_start3A_730 : memref<1x16x128xi32, #tpu.memory_space<vmem>> -> memref<16x128xi32, #tpu.memory_space<vmem>>
      %dma_start3A_732 = arith.constant 0 : i32
      %dma_start3A_733 = tpu.memref_slice %dma_start3A_731[%dma_start3A_723, %dma_start3A_732] : memref<16x128xi32, #tpu.memory_space<vmem>> -> memref<1x128xi32, #tpu.memory_space<vmem>>
      %dma_start3A_734 = tpu.memref_squeeze %dma_start3A_733 : memref<1x128xi32, #tpu.memory_space<vmem>> -> memref<128xi32, #tpu.memory_space<vmem>>
      %dma_start3A_735 = arith.constant 0 : i32
      %dma_start3A_736 = arith.constant 0 : i32
      %dma_start3A_737 = tpu.memref_slice %arg10[%dma_start3A_735, %dma_start3A_736] : memref<10240x128xf32, #tpu.memory_space<vmem_shared>> -> memref<10240x128xf32, #tpu.memory_space<vmem_shared>>
      tpu.enqueue_indirect_dma source(%dma_start3A_727 : memref<128x128xf32, #tpu.memory_space<vmem>>) target(%dma_start3A_737 : memref<10240x128xf32, #tpu.memory_space<vmem_shared>>) offsets(%dma_start3A_734 : memref<128xi32, #tpu.memory_space<vmem>>) semaphore(%arg12 : memref<!tpu.dma_semaphore, #tpu.memory_space<semaphore_mem>>) {add = true}
      %dma_wait3A_738 = arith.constant 0 : i32
      %dma_wait3A_739 = arith.constant 10 : i32
      %dma_wait3A_740 = arith.constant 0 : i32
      %dma_wait3A_741 = arith.constant 0 : i32
      %dma_wait3A_742 = tpu.memref_slice %arg9[%dma_wait3A_738, %dma_wait3A_740, %dma_wait3A_741] : memref<2x128x128xf32, #tpu.memory_space<vmem>> -> memref<1x128x128xf32, #tpu.memory_space<vmem>>
      %dma_wait3A_743 = tpu.memref_squeeze %dma_wait3A_742 : memref<1x128x128xf32, #tpu.memory_space<vmem>> -> memref<128x128xf32, #tpu.memory_space<vmem>>
      %dma_wait3A_744 = arith.constant 0 : i32
      %dma_wait3A_745 = arith.constant 0 : i32
      %dma_wait3A_746 = tpu.memref_slice %arg8[%rem3A_25, %dma_wait3A_744, %dma_wait3A_745] : memref<2x16x128xi32, #tpu.memory_space<vmem>> -> memref<1x16x128xi32, #tpu.memory_space<vmem>>
      %dma_wait3A_747 = tpu.memref_squeeze %dma_wait3A_746 : memref<1x16x128xi32, #tpu.memory_space<vmem>> -> memref<16x128xi32, #tpu.memory_space<vmem>>
      %dma_wait3A_748 = arith.constant 0 : i32
      %dma_wait3A_749 = tpu.memref_slice %dma_wait3A_747[%dma_wait3A_739, %dma_wait3A_748] : memref<16x128xi32, #tpu.memory_space<vmem>> -> memref<1x128xi32, #tpu.memory_space<vmem>>
      %dma_wait3A_750 = tpu.memref_squeeze %dma_wait3A_749 : memref<1x128xi32, #tpu.memory_space<vmem>> -> memref<128xi32, #tpu.memory_space<vmem>>
      %dma_wait3A_751 = arith.constant 0 : i32
      %dma_wait3A_752 = arith.constant 0 : i32
      %dma_wait3A_753 = tpu.memref_slice %arg10[%dma_wait3A_751, %dma_wait3A_752] : memref<10240x128xf32, #tpu.memory_space<vmem_shared>> -> memref<10240x128xf32, #tpu.memory_space<vmem_shared>>
      tpu.wait_indirect_dma semaphore(%arg12 : memref<!tpu.dma_semaphore, #tpu.memory_space<semaphore_mem>>) src(%dma_wait3A_743 : memref<128x128xf32, #tpu.memory_space<vmem>>) dst(%dma_wait3A_753 : memref<10240x128xf32, #tpu.memory_space<vmem_shared>>)
      %dma_wait3A_754 = arith.constant 0 : i32
      %dma_wait3A_755 = arith.constant 1 : i32
      %dma_wait3A_756 = arith.constant 0 : i32
      %dma_wait3A_757 = arith.constant 0 : i32
      %dma_wait3A_758 = tpu.memref_slice %arg9[%dma_wait3A_755, %dma_wait3A_756, %dma_wait3A_757] : memref<2x128x128xf32, #tpu.memory_space<vmem>> -> memref<1x128x128xf32, #tpu.memory_space<vmem>>
      %dma_wait3A_759 = tpu.memref_squeeze %dma_wait3A_758 : memref<1x128x128xf32, #tpu.memory_space<vmem>> -> memref<128x128xf32, #tpu.memory_space<vmem>>
      %dma_wait3A_760 = arith.constant 0 : i32
      %dma_wait3A_761 = arith.constant 0 : i32
      %dma_wait3A_762 = tpu.memref_slice %arg7[%rem3A_25, %dma_wait3A_760, %dma_wait3A_761] : memref<2x16x128xi32, #tpu.memory_space<vmem>> -> memref<1x16x128xi32, #tpu.memory_space<vmem>>
      %dma_wait3A_763 = tpu.memref_squeeze %dma_wait3A_762 : memref<1x16x128xi32, #tpu.memory_space<vmem>> -> memref<16x128xi32, #tpu.memory_space<vmem>>
      %dma_wait3A_764 = arith.constant 0 : i32
      %dma_wait3A_765 = tpu.memref_slice %dma_wait3A_763[%dma_wait3A_754, %dma_wait3A_764] : memref<16x128xi32, #tpu.memory_space<vmem>> -> memref<1x128xi32, #tpu.memory_space<vmem>>
      %dma_wait3A_766 = tpu.memref_squeeze %dma_wait3A_765 : memref<1x128xi32, #tpu.memory_space<vmem>> -> memref<128xi32, #tpu.memory_space<vmem>>
      %dma_wait3A_767 = arith.constant 0 : i32
      %dma_wait3A_768 = arith.constant 0 : i32
      %dma_wait3A_769 = tpu.memref_slice %arg2[%dma_wait3A_767, %dma_wait3A_768] : memref<10240x128xf32, #tpu.memory_space<hbm>> -> memref<10240x128xf32, #tpu.memory_space<hbm>>
      tpu.wait_indirect_dma semaphore(%arg11 : memref<!tpu.dma_semaphore, #tpu.memory_space<semaphore_mem>>) src(%dma_wait3A_769 : memref<10240x128xf32, #tpu.memory_space<hbm>>) dst(%dma_wait3A_759 : memref<128x128xf32, #tpu.memory_space<vmem>>)
      %dma_start3A_770 = arith.constant 12 : i32
      %dma_start3A_771 = arith.constant 0 : i32
      %dma_start3A_772 = arith.constant 0 : i32
      %dma_start3A_773 = arith.constant 0 : i32
      %dma_start3A_774 = tpu.memref_slice %arg9[%dma_start3A_771, %dma_start3A_772, %dma_start3A_773] : memref<2x128x128xf32, #tpu.memory_space<vmem>> -> memref<1x128x128xf32, #tpu.memory_space<vmem>>
      %dma_start3A_775 = tpu.memref_squeeze %dma_start3A_774 : memref<1x128x128xf32, #tpu.memory_space<vmem>> -> memref<128x128xf32, #tpu.memory_space<vmem>>
      %dma_start3A_776 = arith.constant 0 : i32
      %dma_start3A_777 = arith.constant 0 : i32
      %dma_start3A_778 = tpu.memref_slice %arg7[%rem3A_25, %dma_start3A_776, %dma_start3A_777] : memref<2x16x128xi32, #tpu.memory_space<vmem>> -> memref<1x16x128xi32, #tpu.memory_space<vmem>>
      %dma_start3A_779 = tpu.memref_squeeze %dma_start3A_778 : memref<1x16x128xi32, #tpu.memory_space<vmem>> -> memref<16x128xi32, #tpu.memory_space<vmem>>
      %dma_start3A_780 = arith.constant 0 : i32
      %dma_start3A_781 = tpu.memref_slice %dma_start3A_779[%dma_start3A_770, %dma_start3A_780] : memref<16x128xi32, #tpu.memory_space<vmem>> -> memref<1x128xi32, #tpu.memory_space<vmem>>
      %dma_start3A_782 = tpu.memref_squeeze %dma_start3A_781 : memref<1x128xi32, #tpu.memory_space<vmem>> -> memref<128xi32, #tpu.memory_space<vmem>>
      %dma_start3A_783 = arith.constant 0 : i32
      %dma_start3A_784 = arith.constant 0 : i32
      %dma_start3A_785 = tpu.memref_slice %arg2[%dma_start3A_783, %dma_start3A_784] : memref<10240x128xf32, #tpu.memory_space<hbm>> -> memref<10240x128xf32, #tpu.memory_space<hbm>>
      tpu.enqueue_indirect_dma source(%dma_start3A_785 : memref<10240x128xf32, #tpu.memory_space<hbm>>) target(%dma_start3A_775 : memref<128x128xf32, #tpu.memory_space<vmem>>) offsets(%dma_start3A_782 : memref<128xi32, #tpu.memory_space<vmem>>) semaphore(%arg11 : memref<!tpu.dma_semaphore, #tpu.memory_space<semaphore_mem>>)
      %dma_start3A_786 = arith.constant 1 : i32
      %dma_start3A_787 = arith.constant 11 : i32
      %dma_start3A_788 = arith.constant 0 : i32
      %dma_start3A_789 = arith.constant 0 : i32
      %dma_start3A_790 = tpu.memref_slice %arg9[%dma_start3A_786, %dma_start3A_788, %dma_start3A_789] : memref<2x128x128xf32, #tpu.memory_space<vmem>> -> memref<1x128x128xf32, #tpu.memory_space<vmem>>
      %dma_start3A_791 = tpu.memref_squeeze %dma_start3A_790 : memref<1x128x128xf32, #tpu.memory_space<vmem>> -> memref<128x128xf32, #tpu.memory_space<vmem>>
      %dma_start3A_792 = arith.constant 0 : i32
      %dma_start3A_793 = arith.constant 0 : i32
      %dma_start3A_794 = tpu.memref_slice %arg8[%rem3A_25, %dma_start3A_792, %dma_start3A_793] : memref<2x16x128xi32, #tpu.memory_space<vmem>> -> memref<1x16x128xi32, #tpu.memory_space<vmem>>
      %dma_start3A_795 = tpu.memref_squeeze %dma_start3A_794 : memref<1x16x128xi32, #tpu.memory_space<vmem>> -> memref<16x128xi32, #tpu.memory_space<vmem>>
      %dma_start3A_796 = arith.constant 0 : i32
      %dma_start3A_797 = tpu.memref_slice %dma_start3A_795[%dma_start3A_787, %dma_start3A_796] : memref<16x128xi32, #tpu.memory_space<vmem>> -> memref<1x128xi32, #tpu.memory_space<vmem>>
      %dma_start3A_798 = tpu.memref_squeeze %dma_start3A_797 : memref<1x128xi32, #tpu.memory_space<vmem>> -> memref<128xi32, #tpu.memory_space<vmem>>
      %dma_start3A_799 = arith.constant 0 : i32
      %dma_start3A_800 = arith.constant 0 : i32
      %dma_start3A_801 = tpu.memref_slice %arg10[%dma_start3A_799, %dma_start3A_800] : memref<10240x128xf32, #tpu.memory_space<vmem_shared>> -> memref<10240x128xf32, #tpu.memory_space<vmem_shared>>
      tpu.enqueue_indirect_dma source(%dma_start3A_791 : memref<128x128xf32, #tpu.memory_space<vmem>>) target(%dma_start3A_801 : memref<10240x128xf32, #tpu.memory_space<vmem_shared>>) offsets(%dma_start3A_798 : memref<128xi32, #tpu.memory_space<vmem>>) semaphore(%arg12 : memref<!tpu.dma_semaphore, #tpu.memory_space<semaphore_mem>>) {add = true}
      %dma_wait3A_802 = arith.constant 1 : i32
      %dma_wait3A_803 = arith.constant 11 : i32
      %dma_wait3A_804 = arith.constant 0 : i32
      %dma_wait3A_805 = arith.constant 0 : i32
      %dma_wait3A_806 = tpu.memref_slice %arg9[%dma_wait3A_802, %dma_wait3A_804, %dma_wait3A_805] : memref<2x128x128xf32, #tpu.memory_space<vmem>> -> memref<1x128x128xf32, #tpu.memory_space<vmem>>
      %dma_wait3A_807 = tpu.memref_squeeze %dma_wait3A_806 : memref<1x128x128xf32, #tpu.memory_space<vmem>> -> memref<128x128xf32, #tpu.memory_space<vmem>>
      %dma_wait3A_808 = arith.constant 0 : i32
      %dma_wait3A_809 = arith.constant 0 : i32
      %dma_wait3A_810 = tpu.memref_slice %arg8[%rem3A_25, %dma_wait3A_808, %dma_wait3A_809] : memref<2x16x128xi32, #tpu.memory_space<vmem>> -> memref<1x16x128xi32, #tpu.memory_space<vmem>>
      %dma_wait3A_811 = tpu.memref_squeeze %dma_wait3A_810 : memref<1x16x128xi32, #tpu.memory_space<vmem>> -> memref<16x128xi32, #tpu.memory_space<vmem>>
      %dma_wait3A_812 = arith.constant 0 : i32
      %dma_wait3A_813 = tpu.memref_slice %dma_wait3A_811[%dma_wait3A_803, %dma_wait3A_812] : memref<16x128xi32, #tpu.memory_space<vmem>> -> memref<1x128xi32, #tpu.memory_space<vmem>>
      %dma_wait3A_814 = tpu.memref_squeeze %dma_wait3A_813 : memref<1x128xi32, #tpu.memory_space<vmem>> -> memref<128xi32, #tpu.memory_space<vmem>>
      %dma_wait3A_815 = arith.constant 0 : i32
      %dma_wait3A_816 = arith.constant 0 : i32
      %dma_wait3A_817 = tpu.memref_slice %arg10[%dma_wait3A_815, %dma_wait3A_816] : memref<10240x128xf32, #tpu.memory_space<vmem_shared>> -> memref<10240x128xf32, #tpu.memory_space<vmem_shared>>
      tpu.wait_indirect_dma semaphore(%arg12 : memref<!tpu.dma_semaphore, #tpu.memory_space<semaphore_mem>>) src(%dma_wait3A_807 : memref<128x128xf32, #tpu.memory_space<vmem>>) dst(%dma_wait3A_817 : memref<10240x128xf32, #tpu.memory_space<vmem_shared>>)
      %dma_wait3A_818 = arith.constant 0 : i32
      %dma_wait3A_819 = arith.constant 0 : i32
      %dma_wait3A_820 = arith.constant 0 : i32
      %dma_wait3A_821 = arith.constant 0 : i32
      %dma_wait3A_822 = tpu.memref_slice %arg9[%dma_wait3A_819, %dma_wait3A_820, %dma_wait3A_821] : memref<2x128x128xf32, #tpu.memory_space<vmem>> -> memref<1x128x128xf32, #tpu.memory_space<vmem>>
      %dma_wait3A_823 = tpu.memref_squeeze %dma_wait3A_822 : memref<1x128x128xf32, #tpu.memory_space<vmem>> -> memref<128x128xf32, #tpu.memory_space<vmem>>
      %dma_wait3A_824 = arith.constant 0 : i32
      %dma_wait3A_825 = arith.constant 0 : i32
      %dma_wait3A_826 = tpu.memref_slice %arg7[%rem3A_25, %dma_wait3A_824, %dma_wait3A_825] : memref<2x16x128xi32, #tpu.memory_space<vmem>> -> memref<1x16x128xi32, #tpu.memory_space<vmem>>
      %dma_wait3A_827 = tpu.memref_squeeze %dma_wait3A_826 : memref<1x16x128xi32, #tpu.memory_space<vmem>> -> memref<16x128xi32, #tpu.memory_space<vmem>>
      %dma_wait3A_828 = arith.constant 0 : i32
      %dma_wait3A_829 = tpu.memref_slice %dma_wait3A_827[%dma_wait3A_818, %dma_wait3A_828] : memref<16x128xi32, #tpu.memory_space<vmem>> -> memref<1x128xi32, #tpu.memory_space<vmem>>
      %dma_wait3A_830 = tpu.memref_squeeze %dma_wait3A_829 : memref<1x128xi32, #tpu.memory_space<vmem>> -> memref<128xi32, #tpu.memory_space<vmem>>
      %dma_wait3A_831 = arith.constant 0 : i32
      %dma_wait3A_832 = arith.constant 0 : i32
      %dma_wait3A_833 = tpu.memref_slice %arg2[%dma_wait3A_831, %dma_wait3A_832] : memref<10240x128xf32, #tpu.memory_space<hbm>> -> memref<10240x128xf32, #tpu.memory_space<hbm>>
      tpu.wait_indirect_dma semaphore(%arg11 : memref<!tpu.dma_semaphore, #tpu.memory_space<semaphore_mem>>) src(%dma_wait3A_833 : memref<10240x128xf32, #tpu.memory_space<hbm>>) dst(%dma_wait3A_823 : memref<128x128xf32, #tpu.memory_space<vmem>>)
      %dma_start3A_834 = arith.constant 13 : i32
      %dma_start3A_835 = arith.constant 1 : i32
      %dma_start3A_836 = arith.constant 0 : i32
      %dma_start3A_837 = arith.constant 0 : i32
      %dma_start3A_838 = tpu.memref_slice %arg9[%dma_start3A_835, %dma_start3A_836, %dma_start3A_837] : memref<2x128x128xf32, #tpu.memory_space<vmem>> -> memref<1x128x128xf32, #tpu.memory_space<vmem>>
      %dma_start3A_839 = tpu.memref_squeeze %dma_start3A_838 : memref<1x128x128xf32, #tpu.memory_space<vmem>> -> memref<128x128xf32, #tpu.memory_space<vmem>>
      %dma_start3A_840 = arith.constant 0 : i32
      %dma_start3A_841 = arith.constant 0 : i32
      %dma_start3A_842 = tpu.memref_slice %arg7[%rem3A_25, %dma_start3A_840, %dma_start3A_841] : memref<2x16x128xi32, #tpu.memory_space<vmem>> -> memref<1x16x128xi32, #tpu.memory_space<vmem>>
      %dma_start3A_843 = tpu.memref_squeeze %dma_start3A_842 : memref<1x16x128xi32, #tpu.memory_space<vmem>> -> memref<16x128xi32, #tpu.memory_space<vmem>>
      %dma_start3A_844 = arith.constant 0 : i32
      %dma_start3A_845 = tpu.memref_slice %dma_start3A_843[%dma_start3A_834, %dma_start3A_844] : memref<16x128xi32, #tpu.memory_space<vmem>> -> memref<1x128xi32, #tpu.memory_space<vmem>>
      %dma_start3A_846 = tpu.memref_squeeze %dma_start3A_845 : memref<1x128xi32, #tpu.memory_space<vmem>> -> memref<128xi32, #tpu.memory_space<vmem>>
      %dma_start3A_847 = arith.constant 0 : i32
      %dma_start3A_848 = arith.constant 0 : i32
      %dma_start3A_849 = tpu.memref_slice %arg2[%dma_start3A_847, %dma_start3A_848] : memref<10240x128xf32, #tpu.memory_space<hbm>> -> memref<10240x128xf32, #tpu.memory_space<hbm>>
      tpu.enqueue_indirect_dma source(%dma_start3A_849 : memref<10240x128xf32, #tpu.memory_space<hbm>>) target(%dma_start3A_839 : memref<128x128xf32, #tpu.memory_space<vmem>>) offsets(%dma_start3A_846 : memref<128xi32, #tpu.memory_space<vmem>>) semaphore(%arg11 : memref<!tpu.dma_semaphore, #tpu.memory_space<semaphore_mem>>)
      %dma_start3A_850 = arith.constant 0 : i32
      %dma_start3A_851 = arith.constant 12 : i32
      %dma_start3A_852 = arith.constant 0 : i32
      %dma_start3A_853 = arith.constant 0 : i32
      %dma_start3A_854 = tpu.memref_slice %arg9[%dma_start3A_850, %dma_start3A_852, %dma_start3A_853] : memref<2x128x128xf32, #tpu.memory_space<vmem>> -> memref<1x128x128xf32, #tpu.memory_space<vmem>>
      %dma_start3A_855 = tpu.memref_squeeze %dma_start3A_854 : memref<1x128x128xf32, #tpu.memory_space<vmem>> -> memref<128x128xf32, #tpu.memory_space<vmem>>
      %dma_start3A_856 = arith.constant 0 : i32
      %dma_start3A_857 = arith.constant 0 : i32
      %dma_start3A_858 = tpu.memref_slice %arg8[%rem3A_25, %dma_start3A_856, %dma_start3A_857] : memref<2x16x128xi32, #tpu.memory_space<vmem>> -> memref<1x16x128xi32, #tpu.memory_space<vmem>>
      %dma_start3A_859 = tpu.memref_squeeze %dma_start3A_858 : memref<1x16x128xi32, #tpu.memory_space<vmem>> -> memref<16x128xi32, #tpu.memory_space<vmem>>
      %dma_start3A_860 = arith.constant 0 : i32
      %dma_start3A_861 = tpu.memref_slice %dma_start3A_859[%dma_start3A_851, %dma_start3A_860] : memref<16x128xi32, #tpu.memory_space<vmem>> -> memref<1x128xi32, #tpu.memory_space<vmem>>
      %dma_start3A_862 = tpu.memref_squeeze %dma_start3A_861 : memref<1x128xi32, #tpu.memory_space<vmem>> -> memref<128xi32, #tpu.memory_space<vmem>>
      %dma_start3A_863 = arith.constant 0 : i32
      %dma_start3A_864 = arith.constant 0 : i32
      %dma_start3A_865 = tpu.memref_slice %arg10[%dma_start3A_863, %dma_start3A_864] : memref<10240x128xf32, #tpu.memory_space<vmem_shared>> -> memref<10240x128xf32, #tpu.memory_space<vmem_shared>>
      tpu.enqueue_indirect_dma source(%dma_start3A_855 : memref<128x128xf32, #tpu.memory_space<vmem>>) target(%dma_start3A_865 : memref<10240x128xf32, #tpu.memory_space<vmem_shared>>) offsets(%dma_start3A_862 : memref<128xi32, #tpu.memory_space<vmem>>) semaphore(%arg12 : memref<!tpu.dma_semaphore, #tpu.memory_space<semaphore_mem>>) {add = true}
      %dma_wait3A_866 = arith.constant 0 : i32
      %dma_wait3A_867 = arith.constant 12 : i32
      %dma_wait3A_868 = arith.constant 0 : i32
      %dma_wait3A_869 = arith.constant 0 : i32
      %dma_wait3A_870 = tpu.memref_slice %arg9[%dma_wait3A_866, %dma_wait3A_868, %dma_wait3A_869] : memref<2x128x128xf32, #tpu.memory_space<vmem>> -> memref<1x128x128xf32, #tpu.memory_space<vmem>>
      %dma_wait3A_871 = tpu.memref_squeeze %dma_wait3A_870 : memref<1x128x128xf32, #tpu.memory_space<vmem>> -> memref<128x128xf32, #tpu.memory_space<vmem>>
      %dma_wait3A_872 = arith.constant 0 : i32
      %dma_wait3A_873 = arith.constant 0 : i32
      %dma_wait3A_874 = tpu.memref_slice %arg8[%rem3A_25, %dma_wait3A_872, %dma_wait3A_873] : memref<2x16x128xi32, #tpu.memory_space<vmem>> -> memref<1x16x128xi32, #tpu.memory_space<vmem>>
      %dma_wait3A_875 = tpu.memref_squeeze %dma_wait3A_874 : memref<1x16x128xi32, #tpu.memory_space<vmem>> -> memref<16x128xi32, #tpu.memory_space<vmem>>
      %dma_wait3A_876 = arith.constant 0 : i32
      %dma_wait3A_877 = tpu.memref_slice %dma_wait3A_875[%dma_wait3A_867, %dma_wait3A_876] : memref<16x128xi32, #tpu.memory_space<vmem>> -> memref<1x128xi32, #tpu.memory_space<vmem>>
      %dma_wait3A_878 = tpu.memref_squeeze %dma_wait3A_877 : memref<1x128xi32, #tpu.memory_space<vmem>> -> memref<128xi32, #tpu.memory_space<vmem>>
      %dma_wait3A_879 = arith.constant 0 : i32
      %dma_wait3A_880 = arith.constant 0 : i32
      %dma_wait3A_881 = tpu.memref_slice %arg10[%dma_wait3A_879, %dma_wait3A_880] : memref<10240x128xf32, #tpu.memory_space<vmem_shared>> -> memref<10240x128xf32, #tpu.memory_space<vmem_shared>>
      tpu.wait_indirect_dma semaphore(%arg12 : memref<!tpu.dma_semaphore, #tpu.memory_space<semaphore_mem>>) src(%dma_wait3A_871 : memref<128x128xf32, #tpu.memory_space<vmem>>) dst(%dma_wait3A_881 : memref<10240x128xf32, #tpu.memory_space<vmem_shared>>)
      %dma_wait3A_882 = arith.constant 0 : i32
      %dma_wait3A_883 = arith.constant 1 : i32
      %dma_wait3A_884 = arith.constant 0 : i32
      %dma_wait3A_885 = arith.constant 0 : i32
      %dma_wait3A_886 = tpu.memref_slice %arg9[%dma_wait3A_883, %dma_wait3A_884, %dma_wait3A_885] : memref<2x128x128xf32, #tpu.memory_space<vmem>> -> memref<1x128x128xf32, #tpu.memory_space<vmem>>
      %dma_wait3A_887 = tpu.memref_squeeze %dma_wait3A_886 : memref<1x128x128xf32, #tpu.memory_space<vmem>> -> memref<128x128xf32, #tpu.memory_space<vmem>>
      %dma_wait3A_888 = arith.constant 0 : i32
      %dma_wait3A_889 = arith.constant 0 : i32
      %dma_wait3A_890 = tpu.memref_slice %arg7[%rem3A_25, %dma_wait3A_888, %dma_wait3A_889] : memref<2x16x128xi32, #tpu.memory_space<vmem>> -> memref<1x16x128xi32, #tpu.memory_space<vmem>>
      %dma_wait3A_891 = tpu.memref_squeeze %dma_wait3A_890 : memref<1x16x128xi32, #tpu.memory_space<vmem>> -> memref<16x128xi32, #tpu.memory_space<vmem>>
      %dma_wait3A_892 = arith.constant 0 : i32
      %dma_wait3A_893 = tpu.memref_slice %dma_wait3A_891[%dma_wait3A_882, %dma_wait3A_892] : memref<16x128xi32, #tpu.memory_space<vmem>> -> memref<1x128xi32, #tpu.memory_space<vmem>>
      %dma_wait3A_894 = tpu.memref_squeeze %dma_wait3A_893 : memref<1x128xi32, #tpu.memory_space<vmem>> -> memref<128xi32, #tpu.memory_space<vmem>>
      %dma_wait3A_895 = arith.constant 0 : i32
      %dma_wait3A_896 = arith.constant 0 : i32
      %dma_wait3A_897 = tpu.memref_slice %arg2[%dma_wait3A_895, %dma_wait3A_896] : memref<10240x128xf32, #tpu.memory_space<hbm>> -> memref<10240x128xf32, #tpu.memory_space<hbm>>
      tpu.wait_indirect_dma semaphore(%arg11 : memref<!tpu.dma_semaphore, #tpu.memory_space<semaphore_mem>>) src(%dma_wait3A_897 : memref<10240x128xf32, #tpu.memory_space<hbm>>) dst(%dma_wait3A_887 : memref<128x128xf32, #tpu.memory_space<vmem>>)
      %dma_start3A_898 = arith.constant 14 : i32
      %dma_start3A_899 = arith.constant 0 : i32
      %dma_start3A_900 = arith.constant 0 : i32
      %dma_start3A_901 = arith.constant 0 : i32
      %dma_start3A_902 = tpu.memref_slice %arg9[%dma_start3A_899, %dma_start3A_900, %dma_start3A_901] : memref<2x128x128xf32, #tpu.memory_space<vmem>> -> memref<1x128x128xf32, #tpu.memory_space<vmem>>
      %dma_start3A_903 = tpu.memref_squeeze %dma_start3A_902 : memref<1x128x128xf32, #tpu.memory_space<vmem>> -> memref<128x128xf32, #tpu.memory_space<vmem>>
      %dma_start3A_904 = arith.constant 0 : i32
      %dma_start3A_905 = arith.constant 0 : i32
      %dma_start3A_906 = tpu.memref_slice %arg7[%rem3A_25, %dma_start3A_904, %dma_start3A_905] : memref<2x16x128xi32, #tpu.memory_space<vmem>> -> memref<1x16x128xi32, #tpu.memory_space<vmem>>
      %dma_start3A_907 = tpu.memref_squeeze %dma_start3A_906 : memref<1x16x128xi32, #tpu.memory_space<vmem>> -> memref<16x128xi32, #tpu.memory_space<vmem>>
      %dma_start3A_908 = arith.constant 0 : i32
      %dma_start3A_909 = tpu.memref_slice %dma_start3A_907[%dma_start3A_898, %dma_start3A_908] : memref<16x128xi32, #tpu.memory_space<vmem>> -> memref<1x128xi32, #tpu.memory_space<vmem>>
      %dma_start3A_910 = tpu.memref_squeeze %dma_start3A_909 : memref<1x128xi32, #tpu.memory_space<vmem>> -> memref<128xi32, #tpu.memory_space<vmem>>
      %dma_start3A_911 = arith.constant 0 : i32
      %dma_start3A_912 = arith.constant 0 : i32
      %dma_start3A_913 = tpu.memref_slice %arg2[%dma_start3A_911, %dma_start3A_912] : memref<10240x128xf32, #tpu.memory_space<hbm>> -> memref<10240x128xf32, #tpu.memory_space<hbm>>
      tpu.enqueue_indirect_dma source(%dma_start3A_913 : memref<10240x128xf32, #tpu.memory_space<hbm>>) target(%dma_start3A_903 : memref<128x128xf32, #tpu.memory_space<vmem>>) offsets(%dma_start3A_910 : memref<128xi32, #tpu.memory_space<vmem>>) semaphore(%arg11 : memref<!tpu.dma_semaphore, #tpu.memory_space<semaphore_mem>>)
      %dma_start3A_914 = arith.constant 1 : i32
      %dma_start3A_915 = arith.constant 13 : i32
      %dma_start3A_916 = arith.constant 0 : i32
      %dma_start3A_917 = arith.constant 0 : i32
      %dma_start3A_918 = tpu.memref_slice %arg9[%dma_start3A_914, %dma_start3A_916, %dma_start3A_917] : memref<2x128x128xf32, #tpu.memory_space<vmem>> -> memref<1x128x128xf32, #tpu.memory_space<vmem>>
      %dma_start3A_919 = tpu.memref_squeeze %dma_start3A_918 : memref<1x128x128xf32, #tpu.memory_space<vmem>> -> memref<128x128xf32, #tpu.memory_space<vmem>>
      %dma_start3A_920 = arith.constant 0 : i32
      %dma_start3A_921 = arith.constant 0 : i32
      %dma_start3A_922 = tpu.memref_slice %arg8[%rem3A_25, %dma_start3A_920, %dma_start3A_921] : memref<2x16x128xi32, #tpu.memory_space<vmem>> -> memref<1x16x128xi32, #tpu.memory_space<vmem>>
      %dma_start3A_923 = tpu.memref_squeeze %dma_start3A_922 : memref<1x16x128xi32, #tpu.memory_space<vmem>> -> memref<16x128xi32, #tpu.memory_space<vmem>>
      %dma_start3A_924 = arith.constant 0 : i32
      %dma_start3A_925 = tpu.memref_slice %dma_start3A_923[%dma_start3A_915, %dma_start3A_924] : memref<16x128xi32, #tpu.memory_space<vmem>> -> memref<1x128xi32, #tpu.memory_space<vmem>>
      %dma_start3A_926 = tpu.memref_squeeze %dma_start3A_925 : memref<1x128xi32, #tpu.memory_space<vmem>> -> memref<128xi32, #tpu.memory_space<vmem>>
      %dma_start3A_927 = arith.constant 0 : i32
      %dma_start3A_928 = arith.constant 0 : i32
      %dma_start3A_929 = tpu.memref_slice %arg10[%dma_start3A_927, %dma_start3A_928] : memref<10240x128xf32, #tpu.memory_space<vmem_shared>> -> memref<10240x128xf32, #tpu.memory_space<vmem_shared>>
      tpu.enqueue_indirect_dma source(%dma_start3A_919 : memref<128x128xf32, #tpu.memory_space<vmem>>) target(%dma_start3A_929 : memref<10240x128xf32, #tpu.memory_space<vmem_shared>>) offsets(%dma_start3A_926 : memref<128xi32, #tpu.memory_space<vmem>>) semaphore(%arg12 : memref<!tpu.dma_semaphore, #tpu.memory_space<semaphore_mem>>) {add = true}
      %dma_wait3A_930 = arith.constant 1 : i32
      %dma_wait3A_931 = arith.constant 13 : i32
      %dma_wait3A_932 = arith.constant 0 : i32
      %dma_wait3A_933 = arith.constant 0 : i32
      %dma_wait3A_934 = tpu.memref_slice %arg9[%dma_wait3A_930, %dma_wait3A_932, %dma_wait3A_933] : memref<2x128x128xf32, #tpu.memory_space<vmem>> -> memref<1x128x128xf32, #tpu.memory_space<vmem>>
      %dma_wait3A_935 = tpu.memref_squeeze %dma_wait3A_934 : memref<1x128x128xf32, #tpu.memory_space<vmem>> -> memref<128x128xf32, #tpu.memory_space<vmem>>
      %dma_wait3A_936 = arith.constant 0 : i32
      %dma_wait3A_937 = arith.constant 0 : i32
      %dma_wait3A_938 = tpu.memref_slice %arg8[%rem3A_25, %dma_wait3A_936, %dma_wait3A_937] : memref<2x16x128xi32, #tpu.memory_space<vmem>> -> memref<1x16x128xi32, #tpu.memory_space<vmem>>
      %dma_wait3A_939 = tpu.memref_squeeze %dma_wait3A_938 : memref<1x16x128xi32, #tpu.memory_space<vmem>> -> memref<16x128xi32, #tpu.memory_space<vmem>>
      %dma_wait3A_940 = arith.constant 0 : i32
      %dma_wait3A_941 = tpu.memref_slice %dma_wait3A_939[%dma_wait3A_931, %dma_wait3A_940] : memref<16x128xi32, #tpu.memory_space<vmem>> -> memref<1x128xi32, #tpu.memory_space<vmem>>
      %dma_wait3A_942 = tpu.memref_squeeze %dma_wait3A_941 : memref<1x128xi32, #tpu.memory_space<vmem>> -> memref<128xi32, #tpu.memory_space<vmem>>
      %dma_wait3A_943 = arith.constant 0 : i32
      %dma_wait3A_944 = arith.constant 0 : i32
      %dma_wait3A_945 = tpu.memref_slice %arg10[%dma_wait3A_943, %dma_wait3A_944] : memref<10240x128xf32, #tpu.memory_space<vmem_shared>> -> memref<10240x128xf32, #tpu.memory_space<vmem_shared>>
      tpu.wait_indirect_dma semaphore(%arg12 : memref<!tpu.dma_semaphore, #tpu.memory_space<semaphore_mem>>) src(%dma_wait3A_935 : memref<128x128xf32, #tpu.memory_space<vmem>>) dst(%dma_wait3A_945 : memref<10240x128xf32, #tpu.memory_space<vmem_shared>>)
      %dma_wait3A_946 = arith.constant 0 : i32
      %dma_wait3A_947 = arith.constant 0 : i32
      %dma_wait3A_948 = arith.constant 0 : i32
      %dma_wait3A_949 = arith.constant 0 : i32
      %dma_wait3A_950 = tpu.memref_slice %arg9[%dma_wait3A_947, %dma_wait3A_948, %dma_wait3A_949] : memref<2x128x128xf32, #tpu.memory_space<vmem>> -> memref<1x128x128xf32, #tpu.memory_space<vmem>>
      %dma_wait3A_951 = tpu.memref_squeeze %dma_wait3A_950 : memref<1x128x128xf32, #tpu.memory_space<vmem>> -> memref<128x128xf32, #tpu.memory_space<vmem>>
      %dma_wait3A_952 = arith.constant 0 : i32
      %dma_wait3A_953 = arith.constant 0 : i32
      %dma_wait3A_954 = tpu.memref_slice %arg7[%rem3A_25, %dma_wait3A_952, %dma_wait3A_953] : memref<2x16x128xi32, #tpu.memory_space<vmem>> -> memref<1x16x128xi32, #tpu.memory_space<vmem>>
      %dma_wait3A_955 = tpu.memref_squeeze %dma_wait3A_954 : memref<1x16x128xi32, #tpu.memory_space<vmem>> -> memref<16x128xi32, #tpu.memory_space<vmem>>
      %dma_wait3A_956 = arith.constant 0 : i32
      %dma_wait3A_957 = tpu.memref_slice %dma_wait3A_955[%dma_wait3A_946, %dma_wait3A_956] : memref<16x128xi32, #tpu.memory_space<vmem>> -> memref<1x128xi32, #tpu.memory_space<vmem>>
      %dma_wait3A_958 = tpu.memref_squeeze %dma_wait3A_957 : memref<1x128xi32, #tpu.memory_space<vmem>> -> memref<128xi32, #tpu.memory_space<vmem>>
      %dma_wait3A_959 = arith.constant 0 : i32
      %dma_wait3A_960 = arith.constant 0 : i32
      %dma_wait3A_961 = tpu.memref_slice %arg2[%dma_wait3A_959, %dma_wait3A_960] : memref<10240x128xf32, #tpu.memory_space<hbm>> -> memref<10240x128xf32, #tpu.memory_space<hbm>>
      tpu.wait_indirect_dma semaphore(%arg11 : memref<!tpu.dma_semaphore, #tpu.memory_space<semaphore_mem>>) src(%dma_wait3A_961 : memref<10240x128xf32, #tpu.memory_space<hbm>>) dst(%dma_wait3A_951 : memref<128x128xf32, #tpu.memory_space<vmem>>)
      %dma_start3A_962 = arith.constant 15 : i32
      %dma_start3A_963 = arith.constant 1 : i32
      %dma_start3A_964 = arith.constant 0 : i32
      %dma_start3A_965 = arith.constant 0 : i32
      %dma_start3A_966 = tpu.memref_slice %arg9[%dma_start3A_963, %dma_start3A_964, %dma_start3A_965] : memref<2x128x128xf32, #tpu.memory_space<vmem>> -> memref<1x128x128xf32, #tpu.memory_space<vmem>>
      %dma_start3A_967 = tpu.memref_squeeze %dma_start3A_966 : memref<1x128x128xf32, #tpu.memory_space<vmem>> -> memref<128x128xf32, #tpu.memory_space<vmem>>
      %dma_start3A_968 = arith.constant 0 : i32
      %dma_start3A_969 = arith.constant 0 : i32
      %dma_start3A_970 = tpu.memref_slice %arg7[%rem3A_25, %dma_start3A_968, %dma_start3A_969] : memref<2x16x128xi32, #tpu.memory_space<vmem>> -> memref<1x16x128xi32, #tpu.memory_space<vmem>>
      %dma_start3A_971 = tpu.memref_squeeze %dma_start3A_970 : memref<1x16x128xi32, #tpu.memory_space<vmem>> -> memref<16x128xi32, #tpu.memory_space<vmem>>
      %dma_start3A_972 = arith.constant 0 : i32
      %dma_start3A_973 = tpu.memref_slice %dma_start3A_971[%dma_start3A_962, %dma_start3A_972] : memref<16x128xi32, #tpu.memory_space<vmem>> -> memref<1x128xi32, #tpu.memory_space<vmem>>
      %dma_start3A_974 = tpu.memref_squeeze %dma_start3A_973 : memref<1x128xi32, #tpu.memory_space<vmem>> -> memref<128xi32, #tpu.memory_space<vmem>>
      %dma_start3A_975 = arith.constant 0 : i32
      %dma_start3A_976 = arith.constant 0 : i32
      %dma_start3A_977 = tpu.memref_slice %arg2[%dma_start3A_975, %dma_start3A_976] : memref<10240x128xf32, #tpu.memory_space<hbm>> -> memref<10240x128xf32, #tpu.memory_space<hbm>>
      tpu.enqueue_indirect_dma source(%dma_start3A_977 : memref<10240x128xf32, #tpu.memory_space<hbm>>) target(%dma_start3A_967 : memref<128x128xf32, #tpu.memory_space<vmem>>) offsets(%dma_start3A_974 : memref<128xi32, #tpu.memory_space<vmem>>) semaphore(%arg11 : memref<!tpu.dma_semaphore, #tpu.memory_space<semaphore_mem>>)
      %dma_start3A_978 = arith.constant 0 : i32
      %dma_start3A_979 = arith.constant 14 : i32
      %dma_start3A_980 = arith.constant 0 : i32
      %dma_start3A_981 = arith.constant 0 : i32
      %dma_start3A_982 = tpu.memref_slice %arg9[%dma_start3A_978, %dma_start3A_980, %dma_start3A_981] : memref<2x128x128xf32, #tpu.memory_space<vmem>> -> memref<1x128x128xf32, #tpu.memory_space<vmem>>
      %dma_start3A_983 = tpu.memref_squeeze %dma_start3A_982 : memref<1x128x128xf32, #tpu.memory_space<vmem>> -> memref<128x128xf32, #tpu.memory_space<vmem>>
      %dma_start3A_984 = arith.constant 0 : i32
      %dma_start3A_985 = arith.constant 0 : i32
      %dma_start3A_986 = tpu.memref_slice %arg8[%rem3A_25, %dma_start3A_984, %dma_start3A_985] : memref<2x16x128xi32, #tpu.memory_space<vmem>> -> memref<1x16x128xi32, #tpu.memory_space<vmem>>
      %dma_start3A_987 = tpu.memref_squeeze %dma_start3A_986 : memref<1x16x128xi32, #tpu.memory_space<vmem>> -> memref<16x128xi32, #tpu.memory_space<vmem>>
      %dma_start3A_988 = arith.constant 0 : i32
      %dma_start3A_989 = tpu.memref_slice %dma_start3A_987[%dma_start3A_979, %dma_start3A_988] : memref<16x128xi32, #tpu.memory_space<vmem>> -> memref<1x128xi32, #tpu.memory_space<vmem>>
      %dma_start3A_990 = tpu.memref_squeeze %dma_start3A_989 : memref<1x128xi32, #tpu.memory_space<vmem>> -> memref<128xi32, #tpu.memory_space<vmem>>
      %dma_start3A_991 = arith.constant 0 : i32
      %dma_start3A_992 = arith.constant 0 : i32
      %dma_start3A_993 = tpu.memref_slice %arg10[%dma_start3A_991, %dma_start3A_992] : memref<10240x128xf32, #tpu.memory_space<vmem_shared>> -> memref<10240x128xf32, #tpu.memory_space<vmem_shared>>
      tpu.enqueue_indirect_dma source(%dma_start3A_983 : memref<128x128xf32, #tpu.memory_space<vmem>>) target(%dma_start3A_993 : memref<10240x128xf32, #tpu.memory_space<vmem_shared>>) offsets(%dma_start3A_990 : memref<128xi32, #tpu.memory_space<vmem>>) semaphore(%arg12 : memref<!tpu.dma_semaphore, #tpu.memory_space<semaphore_mem>>) {add = true}
      %dma_wait3A_994 = arith.constant 0 : i32
      %dma_wait3A_995 = arith.constant 14 : i32
      %dma_wait3A_996 = arith.constant 0 : i32
      %dma_wait3A_997 = arith.constant 0 : i32
      %dma_wait3A_998 = tpu.memref_slice %arg9[%dma_wait3A_994, %dma_wait3A_996, %dma_wait3A_997] : memref<2x128x128xf32, #tpu.memory_space<vmem>> -> memref<1x128x128xf32, #tpu.memory_space<vmem>>
      %dma_wait3A_999 = tpu.memref_squeeze %dma_wait3A_998 : memref<1x128x128xf32, #tpu.memory_space<vmem>> -> memref<128x128xf32, #tpu.memory_space<vmem>>
      %dma_wait3A_1000 = arith.constant 0 : i32
      %dma_wait3A_1001 = arith.constant 0 : i32
      %dma_wait3A_1002 = tpu.memref_slice %arg8[%rem3A_25, %dma_wait3A_1000, %dma_wait3A_1001] : memref<2x16x128xi32, #tpu.memory_space<vmem>> -> memref<1x16x128xi32, #tpu.memory_space<vmem>>
      %dma_wait3A_1003 = tpu.memref_squeeze %dma_wait3A_1002 : memref<1x16x128xi32, #tpu.memory_space<vmem>> -> memref<16x128xi32, #tpu.memory_space<vmem>>
      %dma_wait3A_1004 = arith.constant 0 : i32
      %dma_wait3A_1005 = tpu.memref_slice %dma_wait3A_1003[%dma_wait3A_995, %dma_wait3A_1004] : memref<16x128xi32, #tpu.memory_space<vmem>> -> memref<1x128xi32, #tpu.memory_space<vmem>>
      %dma_wait3A_1006 = tpu.memref_squeeze %dma_wait3A_1005 : memref<1x128xi32, #tpu.memory_space<vmem>> -> memref<128xi32, #tpu.memory_space<vmem>>
      %dma_wait3A_1007 = arith.constant 0 : i32
      %dma_wait3A_1008 = arith.constant 0 : i32
      %dma_wait3A_1009 = tpu.memref_slice %arg10[%dma_wait3A_1007, %dma_wait3A_1008] : memref<10240x128xf32, #tpu.memory_space<vmem_shared>> -> memref<10240x128xf32, #tpu.memory_space<vmem_shared>>
      tpu.wait_indirect_dma semaphore(%arg12 : memref<!tpu.dma_semaphore, #tpu.memory_space<semaphore_mem>>) src(%dma_wait3A_999 : memref<128x128xf32, #tpu.memory_space<vmem>>) dst(%dma_wait3A_1009 : memref<10240x128xf32, #tpu.memory_space<vmem_shared>>)
      %dma_wait3A_1010 = arith.constant 0 : i32
      %dma_wait3A_1011 = arith.constant 1 : i32
      %dma_wait3A_1012 = arith.constant 0 : i32
      %dma_wait3A_1013 = arith.constant 0 : i32
      %dma_wait3A_1014 = tpu.memref_slice %arg9[%dma_wait3A_1011, %dma_wait3A_1012, %dma_wait3A_1013] : memref<2x128x128xf32, #tpu.memory_space<vmem>> -> memref<1x128x128xf32, #tpu.memory_space<vmem>>
      %dma_wait3A_1015 = tpu.memref_squeeze %dma_wait3A_1014 : memref<1x128x128xf32, #tpu.memory_space<vmem>> -> memref<128x128xf32, #tpu.memory_space<vmem>>
      %dma_wait3A_1016 = arith.constant 0 : i32
      %dma_wait3A_1017 = arith.constant 0 : i32
      %dma_wait3A_1018 = tpu.memref_slice %arg7[%rem3A_25, %dma_wait3A_1016, %dma_wait3A_1017] : memref<2x16x128xi32, #tpu.memory_space<vmem>> -> memref<1x16x128xi32, #tpu.memory_space<vmem>>
      %dma_wait3A_1019 = tpu.memref_squeeze %dma_wait3A_1018 : memref<1x16x128xi32, #tpu.memory_space<vmem>> -> memref<16x128xi32, #tpu.memory_space<vmem>>
      %dma_wait3A_1020 = arith.constant 0 : i32
      %dma_wait3A_1021 = tpu.memref_slice %dma_wait3A_1019[%dma_wait3A_1010, %dma_wait3A_1020] : memref<16x128xi32, #tpu.memory_space<vmem>> -> memref<1x128xi32, #tpu.memory_space<vmem>>
      %dma_wait3A_1022 = tpu.memref_squeeze %dma_wait3A_1021 : memref<1x128xi32, #tpu.memory_space<vmem>> -> memref<128xi32, #tpu.memory_space<vmem>>
      %dma_wait3A_1023 = arith.constant 0 : i32
      %dma_wait3A_1024 = arith.constant 0 : i32
      %dma_wait3A_1025 = tpu.memref_slice %arg2[%dma_wait3A_1023, %dma_wait3A_1024] : memref<10240x128xf32, #tpu.memory_space<hbm>> -> memref<10240x128xf32, #tpu.memory_space<hbm>>
      tpu.wait_indirect_dma semaphore(%arg11 : memref<!tpu.dma_semaphore, #tpu.memory_space<semaphore_mem>>) src(%dma_wait3A_1025 : memref<10240x128xf32, #tpu.memory_space<hbm>>) dst(%dma_wait3A_1015 : memref<128x128xf32, #tpu.memory_space<vmem>>)
      %dma_start3A_1026 = arith.constant 1 : i32
      %dma_start3A_1027 = arith.constant 15 : i32
      %dma_start3A_1028 = arith.constant 0 : i32
      %dma_start3A_1029 = arith.constant 0 : i32
      %dma_start3A_1030 = tpu.memref_slice %arg9[%dma_start3A_1026, %dma_start3A_1028, %dma_start3A_1029] : memref<2x128x128xf32, #tpu.memory_space<vmem>> -> memref<1x128x128xf32, #tpu.memory_space<vmem>>
      %dma_start3A_1031 = tpu.memref_squeeze %dma_start3A_1030 : memref<1x128x128xf32, #tpu.memory_space<vmem>> -> memref<128x128xf32, #tpu.memory_space<vmem>>
      %dma_start3A_1032 = arith.constant 0 : i32
      %dma_start3A_1033 = arith.constant 0 : i32
      %dma_start3A_1034 = tpu.memref_slice %arg8[%rem3A_25, %dma_start3A_1032, %dma_start3A_1033] : memref<2x16x128xi32, #tpu.memory_space<vmem>> -> memref<1x16x128xi32, #tpu.memory_space<vmem>>
      %dma_start3A_1035 = tpu.memref_squeeze %dma_start3A_1034 : memref<1x16x128xi32, #tpu.memory_space<vmem>> -> memref<16x128xi32, #tpu.memory_space<vmem>>
      %dma_start3A_1036 = arith.constant 0 : i32
      %dma_start3A_1037 = tpu.memref_slice %dma_start3A_1035[%dma_start3A_1027, %dma_start3A_1036] : memref<16x128xi32, #tpu.memory_space<vmem>> -> memref<1x128xi32, #tpu.memory_space<vmem>>
      %dma_start3A_1038 = tpu.memref_squeeze %dma_start3A_1037 : memref<1x128xi32, #tpu.memory_space<vmem>> -> memref<128xi32, #tpu.memory_space<vmem>>
      %dma_start3A_1039 = arith.constant 0 : i32
      %dma_start3A_1040 = arith.constant 0 : i32
      %dma_start3A_1041 = tpu.memref_slice %arg10[%dma_start3A_1039, %dma_start3A_1040] : memref<10240x128xf32, #tpu.memory_space<vmem_shared>> -> memref<10240x128xf32, #tpu.memory_space<vmem_shared>>
      tpu.enqueue_indirect_dma source(%dma_start3A_1031 : memref<128x128xf32, #tpu.memory_space<vmem>>) target(%dma_start3A_1041 : memref<10240x128xf32, #tpu.memory_space<vmem_shared>>) offsets(%dma_start3A_1038 : memref<128xi32, #tpu.memory_space<vmem>>) semaphore(%arg12 : memref<!tpu.dma_semaphore, #tpu.memory_space<semaphore_mem>>) {add = true}
      %dma_wait3A_1042 = arith.constant 1 : i32
      %dma_wait3A_1043 = arith.constant 15 : i32
      %dma_wait3A_1044 = arith.constant 0 : i32
      %dma_wait3A_1045 = arith.constant 0 : i32
      %dma_wait3A_1046 = tpu.memref_slice %arg9[%dma_wait3A_1042, %dma_wait3A_1044, %dma_wait3A_1045] : memref<2x128x128xf32, #tpu.memory_space<vmem>> -> memref<1x128x128xf32, #tpu.memory_space<vmem>>
      %dma_wait3A_1047 = tpu.memref_squeeze %dma_wait3A_1046 : memref<1x128x128xf32, #tpu.memory_space<vmem>> -> memref<128x128xf32, #tpu.memory_space<vmem>>
      %dma_wait3A_1048 = arith.constant 0 : i32
      %dma_wait3A_1049 = arith.constant 0 : i32
      %dma_wait3A_1050 = tpu.memref_slice %arg8[%rem3A_25, %dma_wait3A_1048, %dma_wait3A_1049] : memref<2x16x128xi32, #tpu.memory_space<vmem>> -> memref<1x16x128xi32, #tpu.memory_space<vmem>>
      %dma_wait3A_1051 = tpu.memref_squeeze %dma_wait3A_1050 : memref<1x16x128xi32, #tpu.memory_space<vmem>> -> memref<16x128xi32, #tpu.memory_space<vmem>>
      %dma_wait3A_1052 = arith.constant 0 : i32
      %dma_wait3A_1053 = tpu.memref_slice %dma_wait3A_1051[%dma_wait3A_1043, %dma_wait3A_1052] : memref<16x128xi32, #tpu.memory_space<vmem>> -> memref<1x128xi32, #tpu.memory_space<vmem>>
      %dma_wait3A_1054 = tpu.memref_squeeze %dma_wait3A_1053 : memref<1x128xi32, #tpu.memory_space<vmem>> -> memref<128xi32, #tpu.memory_space<vmem>>
      %dma_wait3A_1055 = arith.constant 0 : i32
      %dma_wait3A_1056 = arith.constant 0 : i32
      %dma_wait3A_1057 = tpu.memref_slice %arg10[%dma_wait3A_1055, %dma_wait3A_1056] : memref<10240x128xf32, #tpu.memory_space<vmem_shared>> -> memref<10240x128xf32, #tpu.memory_space<vmem_shared>>
      tpu.wait_indirect_dma semaphore(%arg12 : memref<!tpu.dma_semaphore, #tpu.memory_space<semaphore_mem>>) src(%dma_wait3A_1047 : memref<128x128xf32, #tpu.memory_space<vmem>>) dst(%dma_wait3A_1057 : memref<10240x128xf32, #tpu.memory_space<vmem_shared>>)
      %add3A_1058 = arith.constant 1 : i32
      %add3A_1059 = arith.addi %scan3A_23, %add3A_1058 : i32
      %lt3A_1060 = arith.constant 5 : i32
      %lt3A_1061 = arith.cmpi slt, %add3A_1059, %lt3A_1060 : i32
      %convert_element_type3A_1062 = arith.extui %lt3A_1061 : i1 to i32
      %cond3A_1063 = arith.constant 0 : i32
      %cond3A_1064 = arith.cmpi ne, %convert_element_type3A_1062, %cond3A_1063 : i32
      scf.if %cond3A_1064 {
        %dma_wait3A_1066 = arith.constant 0 : i32
        %dma_wait3A_1067 = arith.constant 0 : i32
        %dma_wait3A_1068 = tpu.memref_slice %arg7[%rem3A_29, %dma_wait3A_1066, %dma_wait3A_1067] : memref<2x16x128xi32, #tpu.memory_space<vmem>> -> memref<1x16x128xi32, #tpu.memory_space<vmem>>
        %dma_wait3A_1069 = tpu.memref_squeeze %dma_wait3A_1068 : memref<1x16x128xi32, #tpu.memory_space<vmem>> -> memref<16x128xi32, #tpu.memory_space<vmem>>
        %dma_wait3A_1070 = arith.constant 0 : i32
        %dma_wait3A_1071 = arith.constant 0 : i32
        %dma_wait3A_1072 = tpu.memref_slice %arg3[%add3A, %dma_wait3A_1070, %dma_wait3A_1071] : memref<32x80x128xi32, #tpu.memory_space<hbm>> -> memref<1x16x128xi32, #tpu.memory_space<hbm>>
        %dma_wait3A_1073 = tpu.memref_squeeze %dma_wait3A_1072 : memref<1x16x128xi32, #tpu.memory_space<hbm>> -> memref<16x128xi32, #tpu.memory_space<hbm>>
        %dma_wait3A_1074 = arith.constant 0 : i32
        %dma_wait3A_1075 = arith.constant 0 : i32
        %dma_wait3A_1076 = tpu.memref_slice %arg7[%rem3A_29, %dma_wait3A_1074, %dma_wait3A_1075] : memref<2x16x128xi32, #tpu.memory_space<vmem>> -> memref<1x16x128xi32, #tpu.memory_space<vmem>>
        %dma_wait3A_1077 = tpu.memref_squeeze %dma_wait3A_1076 : memref<1x16x128xi32, #tpu.memory_space<vmem>> -> memref<16x128xi32, #tpu.memory_space<vmem>>
        %dma_wait3A_1078 = arith.constant 0 : i32
        %dma_wait3A_1079 = arith.constant 0 : i32
        %dma_wait3A_1080 = tpu.memref_slice %arg3[%add3A, %dma_wait3A_1078, %dma_wait3A_1079] : memref<32x80x128xi32, #tpu.memory_space<hbm>> -> memref<1x16x128xi32, #tpu.memory_space<hbm>>
        %dma_wait3A_1081 = tpu.memref_squeeze %dma_wait3A_1080 : memref<1x16x128xi32, #tpu.memory_space<hbm>> -> memref<16x128xi32, #tpu.memory_space<hbm>>
        tpu.wait_dma2 semaphore(%arg13 : memref<!tpu.dma_semaphore, #tpu.memory_space<semaphore_mem>>) src(%dma_wait3A_1081 : memref<16x128xi32, #tpu.memory_space<hbm>>) dst(%dma_wait3A_1077 : memref<16x128xi32, #tpu.memory_space<vmem>>)
        %dma_wait3A_1082 = arith.constant 0 : i32
        %dma_wait3A_1083 = arith.constant 0 : i32
        %dma_wait3A_1084 = tpu.memref_slice %arg8[%rem3A_29, %dma_wait3A_1082, %dma_wait3A_1083] : memref<2x16x128xi32, #tpu.memory_space<vmem>> -> memref<1x16x128xi32, #tpu.memory_space<vmem>>
        %dma_wait3A_1085 = tpu.memref_squeeze %dma_wait3A_1084 : memref<1x16x128xi32, #tpu.memory_space<vmem>> -> memref<16x128xi32, #tpu.memory_space<vmem>>
        %dma_wait3A_1086 = arith.constant 0 : i32
        %dma_wait3A_1087 = arith.constant 0 : i32
        %dma_wait3A_1088 = tpu.memref_slice %arg4[%add3A, %dma_wait3A_1086, %dma_wait3A_1087] : memref<32x80x128xi32, #tpu.memory_space<hbm>> -> memref<1x16x128xi32, #tpu.memory_space<hbm>>
        %dma_wait3A_1089 = tpu.memref_squeeze %dma_wait3A_1088 : memref<1x16x128xi32, #tpu.memory_space<hbm>> -> memref<16x128xi32, #tpu.memory_space<hbm>>
        %dma_wait3A_1090 = arith.constant 0 : i32
        %dma_wait3A_1091 = arith.constant 0 : i32
        %dma_wait3A_1092 = tpu.memref_slice %arg8[%rem3A_29, %dma_wait3A_1090, %dma_wait3A_1091] : memref<2x16x128xi32, #tpu.memory_space<vmem>> -> memref<1x16x128xi32, #tpu.memory_space<vmem>>
        %dma_wait3A_1093 = tpu.memref_squeeze %dma_wait3A_1092 : memref<1x16x128xi32, #tpu.memory_space<vmem>> -> memref<16x128xi32, #tpu.memory_space<vmem>>
        %dma_wait3A_1094 = arith.constant 0 : i32
        %dma_wait3A_1095 = arith.constant 0 : i32
        %dma_wait3A_1096 = tpu.memref_slice %arg4[%add3A, %dma_wait3A_1094, %dma_wait3A_1095] : memref<32x80x128xi32, #tpu.memory_space<hbm>> -> memref<1x16x128xi32, #tpu.memory_space<hbm>>
        %dma_wait3A_1097 = tpu.memref_squeeze %dma_wait3A_1096 : memref<1x16x128xi32, #tpu.memory_space<hbm>> -> memref<16x128xi32, #tpu.memory_space<hbm>>
        tpu.wait_dma2 semaphore(%arg13 : memref<!tpu.dma_semaphore, #tpu.memory_space<semaphore_mem>>) src(%dma_wait3A_1097 : memref<16x128xi32, #tpu.memory_space<hbm>>) dst(%dma_wait3A_1093 : memref<16x128xi32, #tpu.memory_space<vmem>>)
      } else {
      }
      %scan3A_1065 = arith.constant 0 : i32
      scf.yield %scan3A_1065 : i32
    }
    %scan3A_17 = arith.constant 5 : i32
    %barrier3A_18 = arith.constant 0 : index
    tpu.barrier barrier_id(%barrier3A_18)
    %mul3A_19 = arith.constant 640 : i32
    %mul3A_20 = arith.muli %arg1, %mul3A_19 : i32
    %mul3A_21 = arith.constant 640 : i32
    %mul3A_22 = arith.muli %arg1, %mul3A_21 : i32
    "tpu.region"() ({
      %run_scoped3A_23 = tpu.sem_alloc : memref<!tpu.dma_semaphore, #tpu.memory_space<semaphore_mem>>
      %dma_start3A_24 = arith.constant 0 : i32
      %dma_start3A_25 = tpu.memref_slice %arg6[%arg0, %mul3A_22, %dma_start3A_24] : memref<2x10240x128xf32, #tpu.memory_space<hbm>> -> memref<1x640x128xf32, #tpu.memory_space<hbm>>
      %dma_start3A_26 = tpu.memref_squeeze %dma_start3A_25 : memref<1x640x128xf32, #tpu.memory_space<hbm>> -> memref<640x128xf32, #tpu.memory_space<hbm>>
      %dma_start3A_27 = arith.constant 0 : i32
      %dma_start3A_28 = tpu.memref_slice %arg10[%mul3A_20, %dma_start3A_27] : memref<10240x128xf32, #tpu.memory_space<vmem_shared>> -> memref<640x128xf32, #tpu.memory_space<vmem_shared>>
      tpu.enqueue_dma source(%dma_start3A_28 : memref<640x128xf32, #tpu.memory_space<vmem_shared>>) target(%dma_start3A_26 : memref<640x128xf32, #tpu.memory_space<hbm>>) target_semaphore(%run_scoped3A_23 : memref<!tpu.dma_semaphore, #tpu.memory_space<semaphore_mem>>)
      %dma_wait3A_29 = arith.constant 0 : i32
      %dma_wait3A_30 = tpu.memref_slice %arg6[%arg0, %mul3A_22, %dma_wait3A_29] : memref<2x10240x128xf32, #tpu.memory_space<hbm>> -> memref<1x640x128xf32, #tpu.memory_space<hbm>>
      %dma_wait3A_31 = tpu.memref_squeeze %dma_wait3A_30 : memref<1x640x128xf32, #tpu.memory_space<hbm>> -> memref<640x128xf32, #tpu.memory_space<hbm>>
      %dma_wait3A_32 = arith.constant 0 : i32
      %dma_wait3A_33 = tpu.memref_slice %arg10[%mul3A_20, %dma_wait3A_32] : memref<10240x128xf32, #tpu.memory_space<vmem_shared>> -> memref<640x128xf32, #tpu.memory_space<vmem_shared>>
      tpu.wait_dma2 semaphore(%run_scoped3A_23 : memref<!tpu.dma_semaphore, #tpu.memory_space<semaphore_mem>>) src(%dma_wait3A_33 : memref<640x128xf32, #tpu.memory_space<vmem_shared>>) dst(%dma_wait3A_31 : memref<640x128xf32, #tpu.memory_space<hbm>>)
      tpu.yield
    }) : () -> ()
    return
  }
}

#map = affine_map<(d0, d1) -> (0, 0, 0)>
#map1 = affine_map<(d0, d1) -> (0)>
module attributes {stable_mosaic.version = 14 : i64} {
  func.func @_deg_kernel(%arg0: i32, %arg1: i32, %arg2: memref<32x80x128xi32, #tpu.memory_space<hbm>>, %arg3: memref<128xf32, #tpu.memory_space<hbm>>, %arg4: memref<10240xf32, #tpu.memory_space<hbm>>, %arg5: memref<10240xf32, #tpu.memory_space<hbm>>, %arg6: memref<10240xf32, #tpu.memory_space<hbm>>, %arg7: memref<80x128xi32, #tpu.memory_space<vmem>>, %arg8: memref<128xf32, #tpu.memory_space<vmem>>, %arg9: memref<10240xf32, #tpu.memory_space<vmem_shared>>, %arg10: memref<!tpu.dma_semaphore, #tpu.memory_space<semaphore_mem>>) attributes {dimension_semantics = [#tpu.dimension_semantics<core_parallel>, #tpu.dimension_semantics<subcore_parallel>], iteration_bounds = array<i64: 2, 16>, scalar_prefetch = 0 : i64, scratch_operands = 4 : i64, tpu.core_type = #tpu.core_type<sc_vector_subcore>, window_params = [{transform_indices = #map}, {transform_indices = #map1}, {transform_indices = #map1}, {transform_indices = #map1}, {transform_indices = #map1}]} {
    %mul3A = arith.constant 16 : i32
    %mul3A_0 = arith.muli %arg0, %mul3A : i32
    %add3A = arith.addi %mul3A_0, %arg1 : i32
    %eq3A = arith.constant 0 : i32
    %eq3A_1 = arith.cmpi eq, %arg1, %eq3A : i32
    %convert_element_type3A = arith.extui %eq3A_1 : i1 to i32
    %cond3A = arith.constant 0 : i32
    %cond3A_2 = arith.cmpi ne, %convert_element_type3A, %cond3A : i32
    scf.if %cond3A_2 {
      "tpu.region"() ({
        %run_scoped3A = tpu.sem_alloc : memref<!tpu.dma_semaphore, #tpu.memory_space<semaphore_mem>>
        tpu.enqueue_dma source(%arg4 : memref<10240xf32, #tpu.memory_space<hbm>>) target(%arg9 : memref<10240xf32, #tpu.memory_space<vmem_shared>>) target_semaphore(%run_scoped3A : memref<!tpu.dma_semaphore, #tpu.memory_space<semaphore_mem>>)
        tpu.wait_dma2 semaphore(%run_scoped3A : memref<!tpu.dma_semaphore, #tpu.memory_space<semaphore_mem>>) src(%arg4 : memref<10240xf32, #tpu.memory_space<hbm>>) dst(%arg9 : memref<10240xf32, #tpu.memory_space<vmem_shared>>)
        tpu.yield
      }) : () -> ()
    } else {
    }
    "tpu.region"() ({
      %run_scoped3A = tpu.sem_alloc : memref<!tpu.dma_semaphore, #tpu.memory_space<semaphore_mem>>
      tpu.enqueue_dma source(%arg3 : memref<128xf32, #tpu.memory_space<hbm>>) target(%arg8 : memref<128xf32, #tpu.memory_space<vmem>>) target_semaphore(%run_scoped3A : memref<!tpu.dma_semaphore, #tpu.memory_space<semaphore_mem>>)
      tpu.wait_dma2 semaphore(%run_scoped3A : memref<!tpu.dma_semaphore, #tpu.memory_space<semaphore_mem>>) src(%arg3 : memref<128xf32, #tpu.memory_space<hbm>>) dst(%arg8 : memref<128xf32, #tpu.memory_space<vmem>>)
      tpu.yield
    }) : () -> ()
    "tpu.region"() ({
      %run_scoped3A = tpu.sem_alloc : memref<!tpu.dma_semaphore, #tpu.memory_space<semaphore_mem>>
      %dma_start3A_30 = arith.constant 0 : i32
      %dma_start3A_31 = arith.constant 0 : i32
      %dma_start3A_32 = tpu.memref_slice %arg2[%add3A, %dma_start3A_30, %dma_start3A_31] : memref<32x80x128xi32, #tpu.memory_space<hbm>> -> memref<1x80x128xi32, #tpu.memory_space<hbm>>
      %dma_start3A_33 = tpu.memref_squeeze %dma_start3A_32 : memref<1x80x128xi32, #tpu.memory_space<hbm>> -> memref<80x128xi32, #tpu.memory_space<hbm>>
      %dma_start3A_34 = arith.constant 0 : i32
      %dma_start3A_35 = arith.constant 0 : i32
      %dma_start3A_36 = tpu.memref_slice %arg2[%add3A, %dma_start3A_34, %dma_start3A_35] : memref<32x80x128xi32, #tpu.memory_space<hbm>> -> memref<1x80x128xi32, #tpu.memory_space<hbm>>
      %dma_start3A_37 = tpu.memref_squeeze %dma_start3A_36 : memref<1x80x128xi32, #tpu.memory_space<hbm>> -> memref<80x128xi32, #tpu.memory_space<hbm>>
      tpu.enqueue_dma source(%dma_start3A_37 : memref<80x128xi32, #tpu.memory_space<hbm>>) target(%arg7 : memref<80x128xi32, #tpu.memory_space<vmem>>) target_semaphore(%run_scoped3A : memref<!tpu.dma_semaphore, #tpu.memory_space<semaphore_mem>>)
      %dma_wait3A = arith.constant 0 : i32
      %dma_wait3A_38 = arith.constant 0 : i32
      %dma_wait3A_39 = tpu.memref_slice %arg2[%add3A, %dma_wait3A, %dma_wait3A_38] : memref<32x80x128xi32, #tpu.memory_space<hbm>> -> memref<1x80x128xi32, #tpu.memory_space<hbm>>
      %dma_wait3A_40 = tpu.memref_squeeze %dma_wait3A_39 : memref<1x80x128xi32, #tpu.memory_space<hbm>> -> memref<80x128xi32, #tpu.memory_space<hbm>>
      %dma_wait3A_41 = arith.constant 0 : i32
      %dma_wait3A_42 = arith.constant 0 : i32
      %dma_wait3A_43 = tpu.memref_slice %arg2[%add3A, %dma_wait3A_41, %dma_wait3A_42] : memref<32x80x128xi32, #tpu.memory_space<hbm>> -> memref<1x80x128xi32, #tpu.memory_space<hbm>>
      %dma_wait3A_44 = tpu.memref_squeeze %dma_wait3A_43 : memref<1x80x128xi32, #tpu.memory_space<hbm>> -> memref<80x128xi32, #tpu.memory_space<hbm>>
      tpu.wait_dma2 semaphore(%run_scoped3A : memref<!tpu.dma_semaphore, #tpu.memory_space<semaphore_mem>>) src(%dma_wait3A_44 : memref<80x128xi32, #tpu.memory_space<hbm>>) dst(%arg7 : memref<80x128xi32, #tpu.memory_space<vmem>>)
      tpu.yield
    }) : () -> ()
    %barrier3A = arith.constant 0 : index
    tpu.barrier barrier_id(%barrier3A)
    %dma_start3A = arith.constant 0 : i32
    %dma_start3A_3 = arith.constant 0 : i32
    %dma_start3A_4 = tpu.memref_slice %arg7[%dma_start3A, %dma_start3A_3] : memref<80x128xi32, #tpu.memory_space<vmem>> -> memref<1x128xi32, #tpu.memory_space<vmem>>
    %dma_start3A_5 = tpu.memref_squeeze %dma_start3A_4 : memref<1x128xi32, #tpu.memory_space<vmem>> -> memref<128xi32, #tpu.memory_space<vmem>>
    %dma_start3A_6 = arith.constant 0 : i32
    %dma_start3A_7 = tpu.memref_slice %arg9[%dma_start3A_6] : memref<10240xf32, #tpu.memory_space<vmem_shared>> -> memref<10240xf32, #tpu.memory_space<vmem_shared>>
    tpu.enqueue_indirect_dma source(%arg8 : memref<128xf32, #tpu.memory_space<vmem>>) target(%dma_start3A_7 : memref<10240xf32, #tpu.memory_space<vmem_shared>>) offsets(%dma_start3A_5 : memref<128xi32, #tpu.memory_space<vmem>>) semaphore(%arg10 : memref<!tpu.dma_semaphore, #tpu.memory_space<semaphore_mem>>) {add = true}
    %scan3A = arith.constant 0 : i32
    %scan3A_8 = arith.constant 0 : i32
    %scan3A_9 = arith.constant 80 : i32
    %scan3A_10 = arith.addi %scan3A_8, %scan3A_9 : i32
    %scan3A_11 = arith.constant 1 : i32
    %scan3A_12 = scf.for %scan3A_30 = %scan3A_8 to %scan3A_10 step %scan3A_11 iter_args(%scan3A_31 = %scan3A) -> (i32)  : i32 {
      %add3A_32 = arith.constant 1 : i32
      %add3A_33 = arith.addi %scan3A_30, %add3A_32 : i32
      %lt3A = arith.constant 80 : i32
      %lt3A_34 = arith.cmpi slt, %add3A_33, %lt3A : i32
      %convert_element_type3A_35 = arith.extui %lt3A_34 : i1 to i32
      %cond3A_36 = arith.constant 0 : i32
      %cond3A_37 = arith.cmpi ne, %convert_element_type3A_35, %cond3A_36 : i32
      scf.if %cond3A_37 {
        %add3A_43 = arith.constant 1 : i32
        %add3A_44 = arith.addi %scan3A_30, %add3A_43 : i32
        %dma_start3A_45 = arith.constant 0 : i32
        %dma_start3A_46 = tpu.memref_slice %arg7[%add3A_44, %dma_start3A_45] : memref<80x128xi32, #tpu.memory_space<vmem>> -> memref<1x128xi32, #tpu.memory_space<vmem>>
        %dma_start3A_47 = tpu.memref_squeeze %dma_start3A_46 : memref<1x128xi32, #tpu.memory_space<vmem>> -> memref<128xi32, #tpu.memory_space<vmem>>
        %dma_start3A_48 = arith.constant 0 : i32
        %dma_start3A_49 = tpu.memref_slice %arg9[%dma_start3A_48] : memref<10240xf32, #tpu.memory_space<vmem_shared>> -> memref<10240xf32, #tpu.memory_space<vmem_shared>>
        tpu.enqueue_indirect_dma source(%arg8 : memref<128xf32, #tpu.memory_space<vmem>>) target(%dma_start3A_49 : memref<10240xf32, #tpu.memory_space<vmem_shared>>) offsets(%dma_start3A_47 : memref<128xi32, #tpu.memory_space<vmem>>) semaphore(%arg10 : memref<!tpu.dma_semaphore, #tpu.memory_space<semaphore_mem>>) {add = true}
      } else {
      }
      %dma_wait3A = arith.constant 0 : i32
      %dma_wait3A_38 = tpu.memref_slice %arg7[%scan3A_30, %dma_wait3A] : memref<80x128xi32, #tpu.memory_space<vmem>> -> memref<1x128xi32, #tpu.memory_space<vmem>>
      %dma_wait3A_39 = tpu.memref_squeeze %dma_wait3A_38 : memref<1x128xi32, #tpu.memory_space<vmem>> -> memref<128xi32, #tpu.memory_space<vmem>>
      %dma_wait3A_40 = arith.constant 0 : i32
      %dma_wait3A_41 = tpu.memref_slice %arg9[%dma_wait3A_40] : memref<10240xf32, #tpu.memory_space<vmem_shared>> -> memref<10240xf32, #tpu.memory_space<vmem_shared>>
      tpu.wait_indirect_dma semaphore(%arg10 : memref<!tpu.dma_semaphore, #tpu.memory_space<semaphore_mem>>) src(%arg8 : memref<128xf32, #tpu.memory_space<vmem>>) dst(%dma_wait3A_41 : memref<10240xf32, #tpu.memory_space<vmem_shared>>)
      %scan3A_42 = arith.constant 0 : i32
      scf.yield %scan3A_42 : i32
    }
    %scan3A_13 = arith.constant 80 : i32
    %barrier3A_14 = arith.constant 0 : index
    tpu.barrier barrier_id(%barrier3A_14)
    %eq3A_15 = arith.constant 0 : i32
    %eq3A_16 = arith.cmpi eq, %arg0, %eq3A_15 : i32
    %eq3A_17 = arith.constant 0 : i32
    %eq3A_18 = arith.cmpi eq, %arg1, %eq3A_17 : i32
    %and3A = arith.andi %eq3A_16, %eq3A_18 : i1
    %convert_element_type3A_19 = arith.extui %and3A : i1 to i32
    %cond3A_20 = arith.constant 0 : i32
    %cond3A_21 = arith.cmpi ne, %convert_element_type3A_19, %cond3A_20 : i32
    scf.if %cond3A_21 {
      "tpu.region"() ({
        %run_scoped3A = tpu.sem_alloc : memref<!tpu.dma_semaphore, #tpu.memory_space<semaphore_mem>>
        tpu.enqueue_dma source(%arg9 : memref<10240xf32, #tpu.memory_space<vmem_shared>>) target(%arg5 : memref<10240xf32, #tpu.memory_space<hbm>>) target_semaphore(%run_scoped3A : memref<!tpu.dma_semaphore, #tpu.memory_space<semaphore_mem>>)
        tpu.wait_dma2 semaphore(%run_scoped3A : memref<!tpu.dma_semaphore, #tpu.memory_space<semaphore_mem>>) src(%arg9 : memref<10240xf32, #tpu.memory_space<vmem_shared>>) dst(%arg5 : memref<10240xf32, #tpu.memory_space<hbm>>)
        tpu.yield
      }) : () -> ()
    } else {
    }
    %eq3A_22 = arith.constant 1 : i32
    %eq3A_23 = arith.cmpi eq, %arg0, %eq3A_22 : i32
    %eq3A_24 = arith.constant 0 : i32
    %eq3A_25 = arith.cmpi eq, %arg1, %eq3A_24 : i32
    %and3A_26 = arith.andi %eq3A_23, %eq3A_25 : i1
    %convert_element_type3A_27 = arith.extui %and3A_26 : i1 to i32
    %cond3A_28 = arith.constant 0 : i32
    %cond3A_29 = arith.cmpi ne, %convert_element_type3A_27, %cond3A_28 : i32
    scf.if %cond3A_29 {
      "tpu.region"() ({
        %run_scoped3A = tpu.sem_alloc : memref<!tpu.dma_semaphore, #tpu.memory_space<semaphore_mem>>
        tpu.enqueue_dma source(%arg9 : memref<10240xf32, #tpu.memory_space<vmem_shared>>) target(%arg6 : memref<10240xf32, #tpu.memory_space<hbm>>) target_semaphore(%run_scoped3A : memref<!tpu.dma_semaphore, #tpu.memory_space<semaphore_mem>>)
        tpu.wait_dma2 semaphore(%run_scoped3A : memref<!tpu.dma_semaphore, #tpu.memory_space<semaphore_mem>>) src(%arg9 : memref<10240xf32, #tpu.memory_space<vmem_shared>>) dst(%arg6 : memref<10240xf32, #tpu.memory_space<hbm>>)
        tpu.yield
      }) : () -> ()
    } else {
    }
    return
  }
}

module attributes {stable_mosaic.version = 14 : i64} {
  func.func @_matmul_body(%arg0: i32, %arg1: memref<2560x128xf32, #tpu.memory_space<vmem>>, %arg2: memref<128x128xf32, #tpu.memory_space<vmem>>, %arg3: memref<2560x128xf32, #tpu.memory_space<vmem>>) attributes {dimension_semantics = [#tpu.dimension_semantics<arbitrary>], iteration_bounds = array<i64: 4>, scalar_prefetch = 0 : i64, scratch_operands = 0 : i64, tpu.core_type = #tpu.core_type<tc>, window_params = [{transform_indices = @transform_0, window_bounds = array<i64: 2560, 128>}, {pipeline_mode = #tpu.pipeline_mode<synchronous>, transform_indices = @transform_1, window_bounds = array<i64: 128, 128>}, {transform_indices = @transform_2, window_bounds = array<i64: 2560, 128>}]} {
    %get3A = arith.constant 0 : index
    %get3A_0 = arith.constant 0 : index
    %get3A_1 = vector.load %arg1[%get3A, %get3A_0] : memref<2560x128xf32, #tpu.memory_space<vmem>>, vector<2560x128xf32>
    %get3A_2 = arith.constant 0 : index
    %get3A_3 = arith.constant 0 : index
    %get3A_4 = vector.load %arg2[%get3A_2, %get3A_3] : memref<128x128xf32, #tpu.memory_space<vmem>>, vector<128x128xf32>
    %dot_general3A = arith.constant dense<0.000000e+00> : vector<2560x128xf32>
    %dot_general3A_5 = tpu.matmul %get3A_1, %get3A_4, %dot_general3A {dimension_numbers = #tpu.dot_dimension_numbers<[1], [0], [0], [1], [0, 0, 1, 1], [], []>, transpose_lhs_hint = false} : vector<2560x128xf32>, vector<128x128xf32>, vector<2560x128xf32> -> vector<2560x128xf32>
    %swap3A = arith.constant 0 : index
    %swap3A_6 = arith.constant 0 : index
    %swap3A_7 = vector.load %arg3[%swap3A, %swap3A_6] : memref<2560x128xf32, #tpu.memory_space<vmem>>, vector<2560x128xf32>
    tpu.vector_store %arg3[%swap3A, %swap3A_6], %dot_general3A_5 {strides = array<i32>} : memref<2560x128xf32, #tpu.memory_space<vmem>>, vector<2560x128xf32>,
    return
  }
  func.func @transform_0(%arg0: i32) -> (i32, i32) {
    %c0_i32 = arith.constant 0 : i32
    %c0_i32_0 = arith.constant 0 : i32
    return %arg0, %c0_i32 : i32, i32
  }
  func.func @transform_1(%arg0: i32) -> (i32, i32) {
    %c0_i32 = arith.constant 0 : i32
    %c0_i32_0 = arith.constant 0 : i32
    %c0_i32_1 = arith.constant 0 : i32
    return %c0_i32, %c0_i32_0 : i32, i32
  }
  func.func @transform_2(%arg0: i32) -> (i32, i32) {
    %c0_i32 = arith.constant 0 : i32
    %c0_i32_0 = arith.constant 0 : i32
    return %arg0, %c0_i32 : i32, i32
  }
}

module attributes {stable_mosaic.version = 14 : i64} {
  func.func @_prep_body(%arg0: i32, %arg1: memref<2x163840xi32, #tpu.memory_space<vmem>>, %arg2: memref<1x163840xi32, #tpu.memory_space<vmem>>, %arg3: memref<1x163840xi32, #tpu.memory_space<vmem>>) attributes {dimension_semantics = [#tpu.dimension_semantics<arbitrary>], iteration_bounds = array<i64: 2>, scalar_prefetch = 0 : i64, scratch_operands = 0 : i64, tpu.core_type = #tpu.core_type<tc>, window_params = [{transform_indices = @transform_0, window_bounds = array<i64: 2, 163840>}, {transform_indices = @transform_1, window_bounds = array<i64: 1, 163840>}, {transform_indices = @transform_2, window_bounds = array<i64: 1, 163840>}]} {
    %mul3A = arith.constant 163840 : i32
    %mul3A_0 = arith.muli %arg0, %mul3A : i32
    %iota3A = tpu.iota {dimensions = array<i32: 1>} : vector<1x163840xi32>
    %add3A = vector.broadcast %mul3A_0 : i32 to vector<1x163840xi32>
    %add3A_1 = arith.addi %add3A, %iota3A : vector<1x163840xi32>
    %lt3A = arith.constant 320000 : i32
    %lt3A_2 = vector.broadcast %lt3A : i32 to vector<1x163840xi32>
    %lt3A_3 = arith.cmpi slt, %add3A_1, %lt3A_2 : vector<1x163840xi32>
    %jit3A = arith.constant 240 : i32
    %eq3A = arith.constant 0 : i32
    %eq3A_4 = arith.cmpi eq, %jit3A, %eq3A : i32
    %jit3A_5 = arith.constant 1 : i32
    %select_n3A = arith.select %eq3A_4, %jit3A_5, %jit3A : i32
    %rem3A = vector.broadcast %select_n3A : i32 to vector<1x163840xi32>
    %rem3A_6 = arith.remsi %add3A_1, %rem3A : vector<1x163840xi32>
    %ne3A = arith.constant 0 : i32
    %ne3A_7 = vector.broadcast %ne3A : i32 to vector<1x163840xi32>
    %ne3A_8 = arith.cmpi ne, %rem3A_6, %ne3A_7 : vector<1x163840xi32>
    %lt3A_9 = arith.constant 0 : i32
    %lt3A_10 = vector.broadcast %lt3A_9 : i32 to vector<1x163840xi32>
    %lt3A_11 = arith.cmpi slt, %rem3A_6, %lt3A_10 : vector<1x163840xi32>
    %lt3A_12 = arith.constant 0 : i32
    %lt3A_13 = arith.cmpi slt, %select_n3A, %lt3A_12 : i32
    %ne3A_14 = vector.broadcast %lt3A_13 : i1 to vector<1x163840xi1>
    %ne3A_15 = vector.broadcast %ne3A_14 : vector<1x163840xi1> to vector<1x163840xi1>
    %ne3A_16 = arith.xori %lt3A_11, %ne3A_15 : vector<1x163840xi1>
    %and3A = arith.andi %ne3A_16, %ne3A_8 : vector<1x163840xi1>
    %add3A_17 = vector.broadcast %select_n3A : i32 to vector<1x163840xi32>
    %add3A_18 = arith.addi %rem3A_6, %add3A_17 : vector<1x163840xi32>
    %select_n3A_19 = arith.select %and3A, %add3A_18, %rem3A_6 : vector<1x163840xi1>, vector<1x163840xi32>
    %add3A_20 = arith.constant 10000 : i32
    %add3A_21 = vector.broadcast %add3A_20 : i32 to vector<1x163840xi32>
    %add3A_22 = arith.addi %add3A_21, %select_n3A_19 : vector<1x163840xi32>
    %get3A = arith.constant 0 : index
    %get3A_23 = arith.constant 0 : index
    %get3A_24 = vector.load %arg1[%get3A, %get3A_23] : memref<2x163840xi32, #tpu.memory_space<vmem>>, vector<1x163840xi32>
    %select_n3A_25 = arith.select %lt3A_3, %get3A_24, %add3A_22 : vector<1x163840xi1>, vector<1x163840xi32>
    %swap3A = arith.constant 0 : index
    %swap3A_26 = arith.constant 0 : index
    %swap3A_27 = vector.load %arg2[%swap3A, %swap3A_26] : memref<1x163840xi32, #tpu.memory_space<vmem>>, vector<1x163840xi32>
    tpu.vector_store %arg2[%swap3A, %swap3A_26], %select_n3A_25 {strides = array<i32>} : memref<1x163840xi32, #tpu.memory_space<vmem>>, vector<1x163840xi32>,
    %get3A_28 = arith.constant 1 : index
    %get3A_29 = arith.constant 0 : index
    %get3A_30 = vector.load %arg1[%get3A_28, %get3A_29] : memref<2x163840xi32, #tpu.memory_space<vmem>>, vector<1x163840xi32>
    %select_n3A_31 = arith.select %lt3A_3, %get3A_30, %add3A_22 : vector<1x163840xi1>, vector<1x163840xi32>
    %swap3A_32 = arith.constant 0 : index
    %swap3A_33 = arith.constant 0 : index
    %swap3A_34 = vector.load %arg3[%swap3A_32, %swap3A_33] : memref<1x163840xi32, #tpu.memory_space<vmem>>, vector<1x163840xi32>
    tpu.vector_store %arg3[%swap3A_32, %swap3A_33], %select_n3A_31 {strides = array<i32>} : memref<1x163840xi32, #tpu.memory_space<vmem>>, vector<1x163840xi32>,
    return
  }
  func.func @transform_0(%arg0: i32) -> (i32, i32) {
    %c0_i32 = arith.constant 0 : i32
    %c0_i32_0 = arith.constant 0 : i32
    return %c0_i32, %arg0 : i32, i32
  }
  func.func @transform_1(%arg0: i32) -> (i32, i32) {
    %c0_i32 = arith.constant 0 : i32
    %c0_i32_0 = arith.constant 0 : i32
    return %c0_i32, %arg0 : i32, i32
  }
  func.func @transform_2(%arg0: i32) -> (i32, i32) {
    %c0_i32 = arith.constant 0 : i32
    %c0_i32_0 = arith.constant 0 : i32
    return %c0_i32, %arg0 : i32, i32
  }
}

module attributes {stable_mosaic.version = 14 : i64} {
  func.func @_scale_body(%arg0: i32, %arg1: memref<2560x128xf32, #tpu.memory_space<vmem>>, %arg2: memref<2560x128xf32, #tpu.memory_space<vmem>>, %arg3: memref<2560x128xf32, #tpu.memory_space<vmem>>) attributes {dimension_semantics = [#tpu.dimension_semantics<arbitrary>], iteration_bounds = array<i64: 4>, scalar_prefetch = 0 : i64, scratch_operands = 0 : i64, tpu.core_type = #tpu.core_type<tc>, window_params = [{transform_indices = @transform_0, window_bounds = array<i64: 2560, 128>}, {transform_indices = @transform_1, window_bounds = array<i64: 2560, 128>}, {transform_indices = @transform_2, window_bounds = array<i64: 2560, 128>}]} {
    %get3A = arith.constant 0 : index
    %get3A_0 = arith.constant 0 : index
    %get3A_1 = vector.load %arg1[%get3A, %get3A_0] : memref<2560x128xf32, #tpu.memory_space<vmem>>, vector<2560x128xf32>
    %get3A_2 = arith.constant 0 : index
    %get3A_3 = arith.constant 0 : index
    %get3A_4 = vector.load %arg2[%get3A_2, %get3A_3] : memref<2560x128xf32, #tpu.memory_space<vmem>>, vector<2560x128xf32>
    %rsqrt3A = math.rsqrt %get3A_4 : vector<2560x128xf32>
    %mul3A = arith.mulf %get3A_1, %rsqrt3A : vector<2560x128xf32>
    %swap3A = arith.constant 0 : index
    %swap3A_5 = arith.constant 0 : index
    %swap3A_6 = vector.load %arg3[%swap3A, %swap3A_5] : memref<2560x128xf32, #tpu.memory_space<vmem>>, vector<2560x128xf32>
    tpu.vector_store %arg3[%swap3A, %swap3A_5], %mul3A {strides = array<i32>} : memref<2560x128xf32, #tpu.memory_space<vmem>>, vector<2560x128xf32>,
    return
  }
  func.func @transform_0(%arg0: i32) -> (i32, i32) {
    %c0_i32 = arith.constant 0 : i32
    %c0_i32_0 = arith.constant 0 : i32
    return %arg0, %c0_i32 : i32, i32
  }
  func.func @transform_1(%arg0: i32) -> (i32, i32) {
    %c0_i32 = arith.constant 0 : i32
    %c0_i32_0 = arith.constant 0 : i32
    return %arg0, %c0_i32 : i32, i32
  }
  func.func @transform_2(%arg0: i32) -> (i32, i32) {
    %c0_i32 = arith.constant 0 : i32
    %c0_i32_0 = arith.constant 0 : i32
    return %arg0, %c0_i32 : i32, i32
  }
}

module attributes {stable_mosaic.version = 14 : i64} {
  func.func @_epilogue_body(%arg0: i32, %arg1: memref<2x2560x128xf32, #tpu.memory_space<vmem>>, %arg2: memref<2560x128xf32, #tpu.memory_space<vmem>>, %arg3: memref<2560x128xf32, #tpu.memory_space<vmem>>, %arg4: memref<128xf32, #tpu.memory_space<vmem>>, %arg5: memref<2560x128xf32, #tpu.memory_space<vmem>>) attributes {dimension_semantics = [#tpu.dimension_semantics<arbitrary>], iteration_bounds = array<i64: 4>, scalar_prefetch = 0 : i64, scratch_operands = 0 : i64, tpu.core_type = #tpu.core_type<tc>, window_params = [{transform_indices = @transform_0, window_bounds = array<i64: 2, 2560, 128>}, {transform_indices = @transform_1, window_bounds = array<i64: 2560, 128>}, {transform_indices = @transform_2, window_bounds = array<i64: 2560, 128>}, {pipeline_mode = #tpu.pipeline_mode<synchronous>, transform_indices = @transform_3, window_bounds = array<i64: 128>}, {transform_indices = @transform_4, window_bounds = array<i64: 2560, 128>}]} {
    %get3A = arith.constant 0 : index
    %get3A_0 = arith.constant 0 : index
    %get3A_1 = vector.load %arg3[%get3A, %get3A_0] : memref<2560x128xf32, #tpu.memory_space<vmem>>, vector<2560x128xf32>
    %rsqrt3A = math.rsqrt %get3A_1 : vector<2560x128xf32>
    %get3A_2 = arith.constant 0 : index
    %get3A_3 = arith.constant 0 : index
    %get3A_4 = arith.constant 0 : index
    %get3A_5 = vector.load %arg1[%get3A_2, %get3A_3, %get3A_4] : memref<2x2560x128xf32, #tpu.memory_space<vmem>>, vector<1x2560x128xf32>
    %get3A_6 = vector.shape_cast %get3A_5 : vector<1x2560x128xf32> to vector<2560x128xf32>
    %get3A_7 = arith.constant 1 : index
    %get3A_8 = arith.constant 0 : index
    %get3A_9 = arith.constant 0 : index
    %get3A_10 = vector.load %arg1[%get3A_7, %get3A_8, %get3A_9] : memref<2x2560x128xf32, #tpu.memory_space<vmem>>, vector<1x2560x128xf32>
    %get3A_11 = vector.shape_cast %get3A_10 : vector<1x2560x128xf32> to vector<2560x128xf32>
    %add3A = arith.addf %get3A_6, %get3A_11 : vector<2560x128xf32>
    %get3A_12 = arith.constant 0 : index
    %get3A_13 = arith.constant 0 : index
    %get3A_14 = vector.load %arg2[%get3A_12, %get3A_13] : memref<2560x128xf32, #tpu.memory_space<vmem>>, vector<2560x128xf32>
    %add3A_15 = arith.addf %add3A, %get3A_14 : vector<2560x128xf32>
    %mul3A = arith.mulf %add3A_15, %rsqrt3A : vector<2560x128xf32>
    %get3A_16 = arith.constant 0 : index
    %get3A_17 = vector.load %arg4[%get3A_16] : memref<128xf32, #tpu.memory_space<vmem>>, vector<128xf32>
    %broadcast_in_dim3A = vector.shape_cast %get3A_17 : vector<128xf32> to vector<1x128xf32>
    %add3A_18 = vector.broadcast %broadcast_in_dim3A : vector<1x128xf32> to vector<2560x128xf32>
    %add3A_19 = arith.addf %mul3A, %add3A_18 : vector<2560x128xf32>
    %max3A = arith.constant 0.000000e+00 : f32
    %max3A_20 = vector.broadcast %max3A : f32 to vector<2560x128xf32>
    %max3A_21 = arith.maximumf %add3A_19, %max3A_20 : vector<2560x128xf32>
    %swap3A = arith.constant 0 : index
    %swap3A_22 = arith.constant 0 : index
    %swap3A_23 = vector.load %arg5[%swap3A, %swap3A_22] : memref<2560x128xf32, #tpu.memory_space<vmem>>, vector<2560x128xf32>
    tpu.vector_store %arg5[%swap3A, %swap3A_22], %max3A_21 {strides = array<i32>} : memref<2560x128xf32, #tpu.memory_space<vmem>>, vector<2560x128xf32>,
    return
  }
  func.func @transform_0(%arg0: i32) -> (i32, i32, i32) {
    %c0_i32 = arith.constant 0 : i32
    %c0_i32_0 = arith.constant 0 : i32
    %c0_i32_1 = arith.constant 0 : i32
    return %c0_i32, %arg0, %c0_i32_0 : i32, i32, i32
  }
  func.func @transform_1(%arg0: i32) -> (i32, i32) {
    %c0_i32 = arith.constant 0 : i32
    %c0_i32_0 = arith.constant 0 : i32
    return %arg0, %c0_i32 : i32, i32
  }
  func.func @transform_2(%arg0: i32) -> (i32, i32) {
    %c0_i32 = arith.constant 0 : i32
    %c0_i32_0 = arith.constant 0 : i32
    return %arg0, %c0_i32 : i32, i32
  }
  func.func @transform_3(%arg0: i32) -> i32 {
    %c0_i32 = arith.constant 0 : i32
    %c0_i32_0 = arith.constant 0 : i32
    return %c0_i32 : i32
  }
  func.func @transform_4(%arg0: i32) -> (i32, i32) {
    %c0_i32 = arith.constant 0 : i32
    %c0_i32_0 = arith.constant 0 : i32
    return %arg0, %c0_i32 : i32, i32
  }
}

</mosaic_0001>

<sc_bundles>
// kernel: kernel.11.cloned.1.call-start
scs
__scs_entry_jumppad:
0x0: {  	(pc) =	sbr.rel $0x88, $3  }
0x1: {  	(tag) =	ssettag $0x0;
	lr =	simm.s32 $0x1  }
0x2: {  	[smem:$0x3F9D] =	sst lr;
	_ =	strace $0xD0000000  }
0x3: {  	_ = 	snop  }
0x4: {  	_ = 	snop  }
0x5: {  	_ = 	snop  }
0x6: {  	_ = 	snop  }
0x7: {  	_ = 	snop  }
__scs_overlays_trampoline_lowered:
0x8: {  	[smem:$0x3FAC] =	sst s0  }
0x9: {  	[smem:$0x3FAD] =	sst s1  }
0xa: {  	[smem:$0x3FAE] =	sst s2  }
0xb: {  	[smem:$0x3FAF] =	sst s3  }
0xc: {  	[smem:$0x3FB0] =	sst s4  }
0xd: {  	[smem:$0x3FB1] =	sst s5  }
0xe: {  	[smem:$0x3FB2] =	sst s6  }
0xf: {  	[smem:$0x3FB3] =	sst s7  }
0x10: {  	[smem:$0x3FB4] =	sst s8  }
0x11: {  	[smem:$0x3FB5] =	sst s9;
	s0 =	simm.s32 @!p0 $0x0  }
0x12: {  	s1 =	sld [smem:$0x3F9B];
	s0 =	simm.s32 @p0 $0x1  }
0x13: {  	[smem:$0x3FB6] =	sst s0;
	s0 =	simm.s32 @!p1 $0x0  }
0x14: {  	s2 =	sld [smem:$0x3F9A];
	s0 =	simm.s32 @p1 $0x1  }
0x15: {  	[smem:$0x3FB7] =	sst s0;
	s0 =	simm.s32 @!p2 $0x0  }
0x16: {  	s3 =	sld [smem:$0x3FDB];
	s0 =	simm.s32 @p2 $0x1  }
0x17: {  	s4 =	simm.s32 $0x1BF5;
	[smem:$0x3FB9] =	sst s0  }
0x18: {  	s0 =	sld [smem:$0x3F9C];
	_ =	swait.ge [sflag:s4], $0x0  }
0x19: {  	s7 =	sld [smem:$0x3F9D]  }
0x1a: {  	s8 =	sadd.s32 $0xFFFFE003, lr  }
0x1b: {  	s9 =	sadd.s32 $0xFFFFFEF7, lr;
	s5 =	simm.s32 $0xFFFFFFFF;
	p2 =	slt.u32 s8, $0xFFFFF086  }
0x1c: {  	p1 =	slt.u32 s9, $0xF7A;
	s5 =	simm.s32 @!p2 $0x0  }
0x1d: {  	s5 =	simm.s32 @p1 $0x1;
	p0 =	seq.s32 s7, s2  }
0x1e: {  	s7 =	smul.u32 @!p0 $0xF7A, s2;
	p2 =	seq.s32 @!p0 s5, $0x0  }
0x1f: {  	s9 =	smul.u32 $0xF7A, s1;
	s8 =	simm.s32 @!p0 $0x1BF5;
	p2 =	por !p2, p0  }
0x20: {  	[sflag:s8] =	ssyncset.s32 @!p0 $0xFFFFF086;
	s6 =	sadd.s32 @!p0 s3, s7;
	s7 =	simm.s32 @!p0 $0x108  }
0x21: {  	s3 =	sadd.s32 s3, s9;
	s6 =	sadd.s32 @!p0 $0x88, s6;
	s7 =	simm.s32 @p2 $0x1082  }
0x22: {  	[simem:s7], [sflag:s8] =	dma.local @!p0 [hbm:s6], $0xF7A  }
0x23: {  	s9 =	sor.u32 $0xD0000000, s2;
	s6 =	simm.s32 $0x108;
	_ =	swait.ge @!p0 [sflag:s8], $0x0  }
0x24: {  	s3 =	sadd.s32 $0x88, s3;
	s6 =	simm.s32 @!p1 $0x1082;
	[sflag:s4] =	ssyncset.s32 $0xFFFFF086  }
0x25: {  	[simem:s6], [sflag:s4] =	dma.local [hbm:s3], $0xF7A  }
0x26: {  	[smem:$0x3F9D] =	sst s1;
	(tag) =	ssettag s2;
	_ =	strace s9  }
0x27: {  	s1 =	sld [smem:$0x3FAD]  }
0x28: {  	s2 =	sld [smem:$0x3FAE]  }
0x29: {  	s4 =	sld [smem:$0x3FB0]  }
0x2a: {  	p0 =	seq.s32 s5, $0x0;
	s5 =	sld [smem:$0x3FB1]  }
0x2b: {  	s6 =	sld [smem:$0x3FB2]  }
0x2c: {  	s7 =	sld [smem:$0x3FB3]  }
0x2d: {  	s3 =	simm.s32 $0x108;
	s8 =	sld [smem:$0x3FB4]  }
0x2e: {  	s3 =	simm.s32 @!p0 $0x1082;
	s9 =	sld [smem:$0x3FB5]  }
0x2f: {  	lr =	sadd.s32 s0, s3;
	s0 =	sld [smem:$0x3FAC]  }
0x30: {  	s3 =	sld [smem:$0x3FAF]  }
0x31: {  	[smem:$0x3FB8] =	sst s10  }
0x32: {  	s10 =	sld [smem:$0x3FB6];
	_ =	sdelay $0x3  }
0x33: {  	p0 =	seq.s32 s10, $0x1;
	s10 =	sld [smem:$0x3FB8];
	_ =	sdelay $0x3  }
0x34: {  	[smem:$0x3FB8] =	sst s10  }
0x35: {  	s10 =	sld [smem:$0x3FB7];
	_ =	sdelay $0x3  }
0x36: {  	p1 =	seq.s32 s10, $0x1;
	s10 =	sld [smem:$0x3FB8];
	_ =	sdelay $0x3  }
0x37: {  	[smem:$0x3FB8] =	sst s10  }
0x38: {  	s10 =	sld [smem:$0x3FB9]  }
0x39: {  	_ = 	snop;
	(pc) =	sbr.ind lr, $3  }
0x3a: {  	_ = 	snop  }
0x3b: {  	_ = 	snop  }
0x3c: {  	p2 =	seq.s32 s10, $0x1;
	s10 =	sld [smem:$0x3FB8]  }
0x3d: {  	_ =	shalt  }
0x3e: {  	_ =	shalt  }
0x3f: {  	_ =	shalt  }
0x40: {  	_ =	shalt  }
0x41: {  	_ =	shalt  }
0x42: {  	_ =	shalt  }
0x43: {  	_ =	shalt  }
0x44: {  	_ =	shalt  }
0x45: {  	_ =	shalt  }
0x46: {  	_ =	shalt  }
0x47: {  	_ =	shalt  }
0x48: {  	_ =	shalt  }
0x49: {  	_ =	shalt  }
0x4a: {  	_ =	shalt  }
0x4b: {  	_ =	shalt  }
0x4c: {  	_ =	shalt  }
0x4d: {  	_ =	shalt  }
0x4e: {  	_ =	shalt  }
0x4f: {  	_ =	shalt  }
0x50: {  	_ =	shalt  }
0x51: {  	_ =	shalt  }
0x52: {  	_ =	shalt  }
0x53: {  	_ =	shalt  }
0x54: {  	_ =	shalt  }
0x55: {  	_ =	shalt  }
0x56: {  	_ =	shalt  }
0x57: {  	_ =	shalt  }
0x58: {  	_ =	shalt  }
0x59: {  	_ =	shalt  }
0x5a: {  	_ =	shalt  }
0x5b: {  	_ =	shalt  }
0x5c: {  	_ =	shalt  }
0x5d: {  	_ =	shalt  }
0x5e: {  	_ =	shalt  }
0x5f: {  	_ =	shalt  }
0x60: {  	_ =	shalt  }
0x61: {  	_ =	shalt  }
0x62: {  	_ =	shalt  }
0x63: {  	_ =	shalt  }
0x64: {  	_ =	shalt  }
0x65: {  	_ =	shalt  }
0x66: {  	_ =	shalt  }
0x67: {  	_ =	shalt  }
0x68: {  	_ =	shalt  }
0x69: {  	_ =	shalt  }
0x6a: {  	_ =	shalt  }
0x6b: {  	_ =	shalt  }
0x6c: {  	_ =	shalt  }
0x6d: {  	_ =	shalt  }
0x6e: {  	_ =	shalt  }
0x6f: {  	_ =	shalt  }
0x70: {  	_ =	shalt  }
0x71: {  	_ =	shalt  }
0x72: {  	_ =	shalt  }
0x73: {  	_ =	shalt  }
0x74: {  	_ =	shalt  }
0x75: {  	_ =	shalt  }
0x76: {  	_ =	shalt  }
0x77: {  	_ =	shalt  }
0x78: {  	_ =	shalt  }
0x79: {  	_ =	shalt  }
0x7a: {  	_ =	shalt  }
0x7b: {  	_ =	shalt  }
0x7c: {  	_ =	shalt  }
0x7d: {  	_ =	shalt  }
0x7e: {  	_ =	shalt  }
0x7f: {  	_ =	shalt  }
0x80: {  	_ =	shalt  }
0x81: {  	_ =	shalt  }
0x82: {  	_ =	shalt  }
0x83: {  	_ =	shalt  }
0x84: {  	_ =	shalt  }
0x85: {  	_ =	shalt  }
0x86: {  	_ =	shalt  }
0x87: {  	_ =	shalt  }
.Lfunc_end0:
.L_simem_size_0:
called_computation.1_lowered:
.L_overlay_start_0:
0x88: {  	s2 =	sld [smem:$0x3FD9]  }
0x89: {  	s3 =	sld [smem:$0x3FFE];
	_ =	sdelay $0x1  }
0x8a: {  	s1 =	srdreg.scid  }
0x8b: {  	s0 =	sand.u32 $0x1, s1  }
0x8c: {  	s17 =	sshll.u32 s0, $0xA;
	s2 =	sadd.s32 s3, s2  }
0x8d: {  	s2 =	sadd.s32 s2, s17  }
0x8e: {  	[smem:$0x3FC4] =	sst s2  }
0x8f: {  	_ = 	snop  }
0x90: {  	s2 =	sld [smem:$0x3FD0];
	(tm) =	ssettm $0x1  }
0x91: {  	s18 =	sld [smem:$0x3FFB];
	_ =	sdelay $0x3  }
0x92: {  	_ =	strace s18  }
0x93: {  	s3 =	sld [smem:$0x3FFC];
	_ =	sdelay $0x3  }
0x94: {  	_ =	strace s3  }
0x95: {  	s3 =	sld [smem:$0x3FFD];
	_ =	sdelay $0x3  }
0x96: {  	_ =	strace s3  }
0x97: {  	_ =	strace $0x8FFFFFFF  }
0x98: {  	s19 =	sld [smem:$0x3FDB];
	_ =	sdelay $0x1  }
0x99: {  	s4 =	simm.s32 $_scs_section_size  }
0x9a: {  	s5 =	simm.s32 $_size__tile_overlayer_lowered;
	s6 =	simm.s32 $_tile_overlayer_lowered  }
0x9b: {  	s22 =	simm.s32 $0x1BFF;
	s21 =	sshll.u32 s6, $0x1;
	s3 =	sadd.s32 s4, s19  }
0x9c: {  	s7 =	simm.s32 $0x0;
	s20 =	sshll.u32 s5, $0x1;
	s5 =	sadd.s32 s21, s3  }
0x9d: {  	[timem:s7], [sflag:s22] =	dma.local [hbm:s5], s20  }
0x9e: {  	_ =	swait.ge [sflag:s22], s20  }
0x9f: {  	s4 =	ssub.s32 $0x0, s20;
	[sflag:s22] =	ssyncset.done $0x0  }
0xa0: {  	[sflag:s22] =	ssyncadd.s32 s4;
	_ =	sdelay $0x1  }
0xa1: {  	s23 =	simm.s32 $0x1B8B  }
0xa2: {  	_ =	swait.ge [sflag:s23], $0x1  }
0xa3: {  	[sflag:s23] =	ssyncset.done $0x0  }
0xa4: {  	s25 =	simm.s32 $0x1B8E;
	s24 =	sld [smem:$0x3FFE];
	[sflag:s23] =	ssyncadd.s32 $0xFFFFFFFF  }
0xa5: {  	s26 =	simm.s32 $execute0_lowered;
	[smem:$0x3FD2] =	sst s25  }
0xa6: {  	s5 =	sshll.u32 s26, $0x1;
	_ =	strace $0x80000049;
	[dreg:$0x1] =	wrdreg $0xFFFFFFFF  }
0xa7: {  	s28 =	simm.s32 $_size_execute0_lowered;
	s3 =	sadd.s32 s3, s5;
	[dreg:$0x0] =	wrdreg $0x0  }
0xa8: {  	s5 =	sshll.u32 s28, $0x1;
	[dreg:$0x2] =	wrdreg s3  }
0xa9: {  	[dreg:$0x3] =	wrdreg s5  }
0xaa: {  	[dreg:$0x4] =	wrdreg $0xC0  }
0xab: {  	_ =	task [dreg:s7], $0x5FFFF  }
0xac: {  	[dreg:$0x1] =	wrdreg $0xFFFFFFFF  }
0xad: {  	[dreg:$0x0] =	wrdreg $0x60  }
0xae: {  	[dreg:$0x2] =	wrdreg s24  }
0xaf: {  	[dreg:$0x3] =	wrdreg s2  }
0xb0: {  	[dreg:$0x4] =	wrdreg $0xA0000  }
0xb1: {  	[dreg:$0x5] =	wrdreg $0x9  }
0xb2: {  	_ =	task.clear_ibuf [dreg:s7], $0x6FFFF;
	_ =	strace $0x90000049  }
0xb3: {  	s29 =	simm.s32 $0x9;
	_ =	strace $0x8000004B  }
0xb4: {  	_ =	swait.ge [sflag:s29], $0x1  }
0xb5: {  	[sflag:s29] =	ssyncadd.s32 $0xFFFFFFFF  }
0xb6: {  	_ =	strace $0x9000004B  }
0xb7: {  	_ =	sfence  }
0xb8: {  	s30 =	sld [smem:$0x0];
	_ =	sdelay $0x2  }
0xb9: {  	s31 =	sshll.u32 s1, $0xD;
	s1 =	sshrl.u32 s1, $0x2  }
0xba: {  	s3 =	sand.u32 $0x4000, s31;
	s1 =	sadd.s32 s1, s30  }
0xbb: {  	s0 =	sor.u32 s3, s0;
	s1 =	sshll.u32 s1, $0x11  }
0xbc: {  	s0 =	sor.u32 s1, s0  }
0xbd: {  	s0 =	sadd.s32 $0x8F2B, s0  }
0xbe: {  	[sflag:s0] =	ssyncadd.remote.s32 $0x1  }
0xbf: {  	_ =	sfence.sel $0xFFFF  }
0xc0: {  	[dreg:$0x0] =	wrdreg $0xFFFFFFFF;
	(pc) =	sbr.abs _section_cstart, $3  }
0xc1: {  	[dreg:$0x1] =	wrdreg $0xFFFFFFFF  }
0xc2: {  	_ =	task.clear_ibuf [dreg:s7], $0x2FFFF;
	_ =	strace $0x9FFFFFFF  }
0xc3: {  	(tm) =	ssettm $0x7FFFFFFF  }
tec
execute0_lowered:
.L_overlay_start_1:
0x0: {  	(tag) =	ssettag $0x1  }
0x1: {  	s7 =	rddreg [dreg:$0x0]  }
0x2: {  	s2 =	rddreg [dreg:$0x1]  }
0x3: {  	s3 =	rddreg [dreg:$0x2]  }
0x4: {  	s0 =	rddreg [dreg:$0x3];
	s1 =	stileid.u32  }
0x5: {  	s5 =	srdreg.scid;
	s4 =	simm.s32 $0x0;
	s17 =	simm.s32 $0x2  }
0x6: {  	s18 =	simm.s32 $0x80;
	s19 =	simm.s32 $0x2000;
	s20 =	simm.s32 $0x1  }
0x7: {  	s21 =	simm.s32 $0x6000;
	s23 =	simm.s32 $0x0;
	s8 =	smul.u32 $0x14000, s1  }
0x8: {  	s9 =	sand.u32 $0x1, s5;
	[smem:$0x7FF] =	sst s4;
	s25 =	smul.u32 $0x50000, s1  }
0x9: {  	s5 =	sadd.s32 $0xC000, s7;
	s6 =	sadd.s32 $0x2000, s7;
	s16 =	smul.u32 $0x2800, s1  }
0xa: {  	s22 =	sshll.u32 s1, $0x6;
	s10 =	smul.u32 $0x140000, s9;
	_ =	strace $0x8000004A  }
0xb: {  	s12 =	sshll.u32 s9, $0x4;
	s26 =	ssub.s32 $0x2, s9;
	s15 =	smul.u32 $0x28000, s9  }
0xc: {  	s11 =	sshrl.u32 s8, $0x3;
	s28 =	sor.u32 s1, s12;
	s29 =	sshrl.u32 s26, $0x1  }
0xd: {  	s11 =	sadd.s32 s11, s7;
	s8 =	sadd.s32 s8, s10;
	s10 =	sshrl.u32 s25, $0x2  }
0xe: {  	s12 =	ssub.s32 s26, s29;
	s31 =	sadd.s32 s16, s15;
	s15 =	simm.s32 $0x4  }
0xf: {  	s16 =	simm.s32 $0x1000;
	s8 =	sshrl.u32 s8, $0x3;
	s14 =	sadd.s32 s10, s3  }
0x10: {  	s12 =	smax.u32 s12, $0x1;
	s13 =	sadd.s32 s8, s7;
	s8 =	smul.u32 $0x2800, s28  }
0x11: {  	s7 =	sadd.s32 $0x34000, s11;
	s14 =	sshrl.u32 s14, $0x3;
	s11 =	sadd.s32 $0x5C000, s13  }
0x12: {  	s13 =	sadd.s32 $0x800, s31;
	s30 =	sshrl.u32 s8, $0x3;
	s8 =	sor.u32 $0x1C02, s22  }
0x13: {  	s22 =	sor.u32 $0x1C04, s22;
	s9 =	sadd.s32 s6, s30;
	s10 =	sadd.s32 s2, s30  }
.LBB2_1:
0x14: {  	[spmem:s14], [sflag:s8] =	dma.local [hbm:s7], $0x2800  }
0x15: {  	[tilespmem:s4], [sflag:$0x4] =	stream.linear.gather [hbm4b:s9+s4], $0x800, $0x38;
	[tilespmem:$0x1E000] =	vst v63  }
0x16: {  	_ =	swait.ge [sflag:s15], $0x800  }
0x17: {  	[sflag:s15] =	ssyncset.done $0x0  }
0x18: {  	[sflag:s15] =	ssyncadd.s32 $0xFFFFF800  }
0x19: {  	[tilespmem:s16], [sflag:$0x4] =	stream.linear.gather [hbm4b:s10+s4], $0x800, $0x38;
	[tilespmem:$0x1E000] =	vst v63  }
0x1a: {  	_ =	swait.ge [sflag:s15], $0x800  }
0x1b: {  	[sflag:s15] =	ssyncset.done $0x0  }
0x1c: {  	[sflag:s15] =	ssyncadd.s32 $0xFFFFF800  }
0x1d: {  	_ =	swait.ge [sflag:s17], $0x2800  }
0x1e: {  	[sflag:s17] =	ssyncset.done $0x0  }
0x1f: {  	[sflag:s17] =	ssyncadd.s32 $0xFFFFD800  }
0x20: {  	s24 =	simm.s32 $0x0;
	[bflag:$0x0] =	sbarrier.arrive $0xFFFF  }
.LBB2_2:
0x21: {  	p0 =	seq.s32 s24, $0x2000  }
0x22: {  	s25 =	sadd.s32 @!p0 s24, s13  }
0x23: {  	s26 =	sxor.u32 @!p0 $0xFFFFFFFF, s24;
	s25 =	sshrl.u32 @!p0 s25, $0x3  }
0x24: {  	s29 =	simm.s32 @!p0 $0x0;
	s26 =	sand.u32 @!p0 $0x800, s26;
	s28 =	sadd.s32 @!p0 s6, s25  }
0x25: {  	[tilespmem:s26], [sflag:$0x3] =	stream.linear.gather @!p0 [hbm4b:s28+s29], $0x800, $0x38;
	[tilespmem:$0x1E000] =	vst v63  }
0x26: {  	s25 =	sadd.s32 @!p0 s2, s25;
	s26 =	sor.u32 @!p0 $0x1000, s26  }
0x27: {  	[tilespmem:s26], [sflag:$0x3] =	stream.linear.gather @!p0 [hbm4b:s25+s29], $0x800, $0x38;
	[tilespmem:$0x1E000] =	vst v63  }
0x28: {  	s25 =	sand.u32 $0x800, s24  }
0x29: {  	[tilespmem:s19], [sflag:$0x1] =	stream.indirect.gather [hbm4b:s5+s18], $0x80, s25, s18, $0xb8;
	[tilespmem:$0x1E000] =	vst v63  }
0x2a: {  	_ =	swait.ge [sflag:s20], $0x4000  }
0x2b: {  	[sflag:s20] =	ssyncset.done $0x0  }
0x2c: {  	s30 =	sor.u32 $0x80, s25;
	[sflag:s20] =	ssyncadd.s32 $0xFFFFC000  }
0x2d: {  	[tilespmem:s21], [sflag:$0x1] =	stream.indirect.gather [hbm4b:s5+s18], $0x80, s30, s18, $0xb8;
	[tilespmem:$0x1E000] =	vst v63  }
0x2e: {  	s31 =	sor.u32 $0x1000, s25  }
0x2f: {  	[spmem:s3] =	stream.indirect.scatter.add.f32 [tilespmem:s19], [sflag:$0x2], $0x80, s31, s18, $0xb8;
	[tilespmem:$0x1E000] =	vst v63  }
0x30: {  	_ =	swait.ge [sflag:s17], $0x4000  }
0x31: {  	[sflag:s17] =	ssyncset.done $0x0  }
0x32: {  	[sflag:s17] =	ssyncadd.s32 $0xFFFFC000  }
0x33: {  	_ =	swait.ge [sflag:s20], $0x4000  }
0x34: {  	[sflag:s20] =	ssyncset.done $0x0  }
0x35: {  	s28 =	sor.u32 $0x100, s25;
	[sflag:s20] =	ssyncadd.s32 $0xFFFFC000  }
0x36: {  	[tilespmem:s19], [sflag:$0x1] =	stream.indirect.gather [hbm4b:s5+s18], $0x80, s28, s18, $0xb8;
	[tilespmem:$0x1E000] =	vst v63  }
0x37: {  	s29 =	sor.u32 $0x1080, s25  }
0x38: {  	[spmem:s3] =	stream.indirect.scatter.add.f32 [tilespmem:s21], [sflag:$0x2], $0x80, s29, s18, $0xb8;
	[tilespmem:$0x1E000] =	vst v63  }
0x39: {  	_ =	swait.ge [sflag:s17], $0x4000  }
0x3a: {  	[sflag:s17] =	ssyncset.done $0x0  }
0x3b: {  	[sflag:s17] =	ssyncadd.s32 $0xFFFFC000  }
0x3c: {  	_ =	swait.ge [sflag:s20], $0x4000  }
0x3d: {  	[sflag:s20] =	ssyncset.done $0x0  }
0x3e: {  	s30 =	sor.u32 $0x180, s25;
	[sflag:s20] =	ssyncadd.s32 $0xFFFFC000  }
0x3f: {  	[tilespmem:s21], [sflag:$0x1] =	stream.indirect.gather [hbm4b:s5+s18], $0x80, s30, s18, $0xb8;
	[tilespmem:$0x1E000] =	vst v63  }
0x40: {  	s31 =	sor.u32 $0x1100, s25  }
0x41: {  	[spmem:s3] =	stream.indirect.scatter.add.f32 [tilespmem:s19], [sflag:$0x2], $0x80, s31, s18, $0xb8;
	[tilespmem:$0x1E000] =	vst v63  }
0x42: {  	_ =	swait.ge [sflag:s17], $0x4000  }
0x43: {  	[sflag:s17] =	ssyncset.done $0x0  }
0x44: {  	[sflag:s17] =	ssyncadd.s32 $0xFFFFC000  }
0x45: {  	_ =	swait.ge [sflag:s20], $0x4000  }
0x46: {  	[sflag:s20] =	ssyncset.done $0x0  }
0x47: {  	s28 =	sor.u32 $0x200, s25;
	[sflag:s20] =	ssyncadd.s32 $0xFFFFC000  }
0x48: {  	[tilespmem:s19], [sflag:$0x1] =	stream.indirect.gather [hbm4b:s5+s18], $0x80, s28, s18, $0xb8;
	[tilespmem:$0x1E000] =	vst v63  }
0x49: {  	s29 =	sor.u32 $0x1180, s25  }
0x4a: {  	[spmem:s3] =	stream.indirect.scatter.add.f32 [tilespmem:s21], [sflag:$0x2], $0x80, s29, s18, $0xb8;
	[tilespmem:$0x1E000] =	vst v63  }
0x4b: {  	_ =	swait.ge [sflag:s17], $0x4000  }
0x4c: {  	[sflag:s17] =	ssyncset.done $0x0  }
0x4d: {  	[sflag:s17] =	ssyncadd.s32 $0xFFFFC000  }
0x4e: {  	_ =	swait.ge [sflag:s20], $0x4000  }
0x4f: {  	[sflag:s20] =	ssyncset.done $0x0  }
0x50: {  	s30 =	sor.u32 $0x280, s25;
	[sflag:s20] =	ssyncadd.s32 $0xFFFFC000  }
0x51: {  	[tilespmem:s21], [sflag:$0x1] =	stream.indirect.gather [hbm4b:s5+s18], $0x80, s30, s18, $0xb8;
	[tilespmem:$0x1E000] =	vst v63  }
0x52: {  	s31 =	sor.u32 $0x1200, s25  }
0x53: {  	[spmem:s3] =	stream.indirect.scatter.add.f32 [tilespmem:s19], [sflag:$0x2], $0x80, s31, s18, $0xb8;
	[tilespmem:$0x1E000] =	vst v63  }
0x54: {  	_ =	swait.ge [sflag:s17], $0x4000  }
0x55: {  	[sflag:s17] =	ssyncset.done $0x0  }
0x56: {  	[sflag:s17] =	ssyncadd.s32 $0xFFFFC000  }
0x57: {  	_ =	swait.ge [sflag:s20], $0x4000  }
0x58: {  	[sflag:s20] =	ssyncset.done $0x0  }
0x59: {  	s28 =	sor.u32 $0x300, s25;
	[sflag:s20] =	ssyncadd.s32 $0xFFFFC000  }
0x5a: {  	[tilespmem:s19], [sflag:$0x1] =	stream.indirect.gather [hbm4b:s5+s18], $0x80, s28, s18, $0xb8;
	[tilespmem:$0x1E000] =	vst v63  }
0x5b: {  	s29 =	sor.u32 $0x1280, s25  }
0x5c: {  	[spmem:s3] =	stream.indirect.scatter.add.f32 [tilespmem:s21], [sflag:$0x2], $0x80, s29, s18, $0xb8;
	[tilespmem:$0x1E000] =	vst v63  }
0x5d: {  	_ =	swait.ge [sflag:s17], $0x4000  }
0x5e: {  	[sflag:s17] =	ssyncset.done $0x0  }
0x5f: {  	[sflag:s17] =	ssyncadd.s32 $0xFFFFC000  }
0x60: {  	_ =	swait.ge [sflag:s20], $0x4000  }
0x61: {  	[sflag:s20] =	ssyncset.done $0x0  }
0x62: {  	s30 =	sor.u32 $0x380, s25;
	[sflag:s20] =	ssyncadd.s32 $0xFFFFC000  }
0x63: {  	[tilespmem:s21], [sflag:$0x1] =	stream.indirect.gather [hbm4b:s5+s18], $0x80, s30, s18, $0xb8;
	[tilespmem:$0x1E000] =	vst v63  }
0x64: {  	s31 =	sor.u32 $0x1300, s25  }
0x65: {  	[spmem:s3] =	stream.indirect.scatter.add.f32 [tilespmem:s19], [sflag:$0x2], $0x80, s31, s18, $0xb8;
	[tilespmem:$0x1E000] =	vst v63  }
0x66: {  	_ =	swait.ge [sflag:s17], $0x4000  }
0x67: {  	[sflag:s17] =	ssyncset.done $0x0  }
0x68: {  	[sflag:s17] =	ssyncadd.s32 $0xFFFFC000  }
0x69: {  	_ =	swait.ge [sflag:s20], $0x4000  }
0x6a: {  	[sflag:s20] =	ssyncset.done $0x0  }
0x6b: {  	s28 =	sor.u32 $0x400, s25;
	[sflag:s20] =	ssyncadd.s32 $0xFFFFC000  }
0x6c: {  	[tilespmem:s19], [sflag:$0x1] =	stream.indirect.gather [hbm4b:s5+s18], $0x80, s28, s18, $0xb8;
	[tilespmem:$0x1E000] =	vst v63  }
0x6d: {  	s29 =	sor.u32 $0x1380, s25  }
0x6e: {  	[spmem:s3] =	stream.indirect.scatter.add.f32 [tilespmem:s21], [sflag:$0x2], $0x80, s29, s18, $0xb8;
	[tilespmem:$0x1E000] =	vst v63  }
0x6f: {  	_ =	swait.ge [sflag:s17], $0x4000  }
0x70: {  	[sflag:s17] =	ssyncset.done $0x0  }
0x71: {  	[sflag:s17] =	ssyncadd.s32 $0xFFFFC000  }
0x72: {  	_ =	swait.ge [sflag:s20], $0x4000  }
0x73: {  	[sflag:s20] =	ssyncset.done $0x0  }
0x74: {  	s30 =	sor.u32 $0x480, s25;
	[sflag:s20] =	ssyncadd.s32 $0xFFFFC000  }
0x75: {  	[tilespmem:s21], [sflag:$0x1] =	stream.indirect.gather [hbm4b:s5+s18], $0x80, s30, s18, $0xb8;
	[tilespmem:$0x1E000] =	vst v63  }
0x76: {  	s31 =	sor.u32 $0x1400, s25  }
0x77: {  	[spmem:s3] =	stream.indirect.scatter.add.f32 [tilespmem:s19], [sflag:$0x2], $0x80, s31, s18, $0xb8;
	[tilespmem:$0x1E000] =	vst v63  }
0x78: {  	_ =	swait.ge [sflag:s17], $0x4000  }
0x79: {  	[sflag:s17] =	ssyncset.done $0x0  }
0x7a: {  	[sflag:s17] =	ssyncadd.s32 $0xFFFFC000  }
0x7b: {  	_ =	swait.ge [sflag:s20], $0x4000  }
0x7c: {  	[sflag:s20] =	ssyncset.done $0x0  }
0x7d: {  	s28 =	sor.u32 $0x500, s25;
	[sflag:s20] =	ssyncadd.s32 $0xFFFFC000  }
0x7e: {  	[tilespmem:s19], [sflag:$0x1] =	stream.indirect.gather [hbm4b:s5+s18], $0x80, s28, s18, $0xb8;
	[tilespmem:$0x1E000] =	vst v63  }
0x7f: {  	s29 =	sor.u32 $0x1480, s25  }
0x80: {  	[spmem:s3] =	stream.indirect.scatter.add.f32 [tilespmem:s21], [sflag:$0x2], $0x80, s29, s18, $0xb8;
	[tilespmem:$0x1E000] =	vst v63  }
0x81: {  	_ =	swait.ge [sflag:s17], $0x4000  }
0x82: {  	[sflag:s17] =	ssyncset.done $0x0  }
0x83: {  	[sflag:s17] =	ssyncadd.s32 $0xFFFFC000  }
0x84: {  	_ =	swait.ge [sflag:s20], $0x4000  }
0x85: {  	[sflag:s20] =	ssyncset.done $0x0  }
0x86: {  	s30 =	sor.u32 $0x580, s25;
	[sflag:s20] =	ssyncadd.s32 $0xFFFFC000  }
0x87: {  	[tilespmem:s21], [sflag:$0x1] =	stream.indirect.gather [hbm4b:s5+s18], $0x80, s30, s18, $0xb8;
	[tilespmem:$0x1E000] =	vst v63  }
0x88: {  	s31 =	sor.u32 $0x1500, s25  }
0x89: {  	[spmem:s3] =	stream.indirect.scatter.add.f32 [tilespmem:s19], [sflag:$0x2], $0x80, s31, s18, $0xb8;
	[tilespmem:$0x1E000] =	vst v63  }
0x8a: {  	_ =	swait.ge [sflag:s17], $0x4000  }
0x8b: {  	[sflag:s17] =	ssyncset.done $0x0  }
0x8c: {  	[sflag:s17] =	ssyncadd.s32 $0xFFFFC000  }
0x8d: {  	_ =	swait.ge [sflag:s20], $0x4000  }
0x8e: {  	[sflag:s20] =	ssyncset.done $0x0  }
0x8f: {  	s28 =	sor.u32 $0x600, s25;
	[sflag:s20] =	ssyncadd.s32 $0xFFFFC000  }
0x90: {  	[tilespmem:s19], [sflag:$0x1] =	stream.indirect.gather [hbm4b:s5+s18], $0x80, s28, s18, $0xb8;
	[tilespmem:$0x1E000] =	vst v63  }
0x91: {  	s29 =	sor.u32 $0x1580, s25  }
0x92: {  	[spmem:s3] =	stream.indirect.scatter.add.f32 [tilespmem:s21], [sflag:$0x2], $0x80, s29, s18, $0xb8;
	[tilespmem:$0x1E000] =	vst v63  }
0x93: {  	_ =	swait.ge [sflag:s17], $0x4000  }
0x94: {  	[sflag:s17] =	ssyncset.done $0x0  }
0x95: {  	[sflag:s17] =	ssyncadd.s32 $0xFFFFC000  }
0x96: {  	_ =	swait.ge [sflag:s20], $0x4000  }
0x97: {  	[sflag:s20] =	ssyncset.done $0x0  }
0x98: {  	s30 =	sor.u32 $0x680, s25;
	[sflag:s20] =	ssyncadd.s32 $0xFFFFC000  }
0x99: {  	[tilespmem:s21], [sflag:$0x1] =	stream.indirect.gather [hbm4b:s5+s18], $0x80, s30, s18, $0xb8;
	[tilespmem:$0x1E000] =	vst v63  }
0x9a: {  	s31 =	sor.u32 $0x1600, s25  }
0x9b: {  	[spmem:s3] =	stream.indirect.scatter.add.f32 [tilespmem:s19], [sflag:$0x2], $0x80, s31, s18, $0xb8;
	[tilespmem:$0x1E000] =	vst v63  }
0x9c: {  	_ =	swait.ge [sflag:s17], $0x4000  }
0x9d: {  	[sflag:s17] =	ssyncset.done $0x0  }
0x9e: {  	[sflag:s17] =	ssyncadd.s32 $0xFFFFC000  }
0x9f: {  	_ =	swait.ge [sflag:s20], $0x4000  }
0xa0: {  	[sflag:s20] =	ssyncset.done $0x0  }
0xa1: {  	s28 =	sor.u32 $0x700, s25;
	[sflag:s20] =	ssyncadd.s32 $0xFFFFC000  }
0xa2: {  	[tilespmem:s19], [sflag:$0x1] =	stream.indirect.gather [hbm4b:s5+s18], $0x80, s28, s18, $0xb8;
	[tilespmem:$0x1E000] =	vst v63  }
0xa3: {  	s29 =	sor.u32 $0x1680, s25  }
0xa4: {  	[spmem:s3] =	stream.indirect.scatter.add.f32 [tilespmem:s21], [sflag:$0x2], $0x80, s29, s18, $0xb8;
	[tilespmem:$0x1E000] =	vst v63  }
0xa5: {  	_ =	swait.ge [sflag:s17], $0x4000  }
0xa6: {  	[sflag:s17] =	ssyncset.done $0x0  }
0xa7: {  	[sflag:s17] =	ssyncadd.s32 $0xFFFFC000  }
0xa8: {  	_ =	swait.ge [sflag:s20], $0x4000  }
0xa9: {  	[sflag:s20] =	ssyncset.done $0x0  }
0xaa: {  	s30 =	sor.u32 $0x780, s25;
	[sflag:s20] =	ssyncadd.s32 $0xFFFFC000  }
0xab: {  	[tilespmem:s21], [sflag:$0x1] =	stream.indirect.gather [hbm4b:s5+s18], $0x80, s30, s18, $0xb8;
	[tilespmem:$0x1E000] =	vst v63  }
0xac: {  	s31 =	sor.u32 $0x1700, s25  }
0xad: {  	[spmem:s3] =	stream.indirect.scatter.add.f32 [tilespmem:s19], [sflag:$0x2], $0x80, s31, s18, $0xb8;
	[tilespmem:$0x1E000] =	vst v63  }
0xae: {  	_ =	swait.ge [sflag:s17], $0x4000  }
0xaf: {  	[sflag:s17] =	ssyncset.done $0x0  }
0xb0: {  	[sflag:s17] =	ssyncadd.s32 $0xFFFFC000  }
0xb1: {  	_ =	swait.ge [sflag:s20], $0x4000  }
0xb2: {  	[sflag:s20] =	ssyncset.done $0x0  }
0xb3: {  	s25 =	sor.u32 $0x1780, s25;
	[sflag:s20] =	ssyncadd.s32 $0xFFFFC000  }
0xb4: {  	[spmem:s3] =	stream.indirect.scatter.add.f32 [tilespmem:s21], [sflag:$0x2], $0x80, s25, s18, $0xb8;
	[tilespmem:$0x1E000] =	vst v63  }
0xb5: {  	_ =	swait.ge [sflag:s17], $0x4000  }
0xb6: {  	s24 =	sadd.s32 @!p0 $0x800, s24;
	[sflag:s17] =	ssyncset.done $0x0  }
0xb7: {  	p1 =	sne.s32 @!p0 s24, $0x2800;
	s25 =	simm.s32 @!p0 $0x3;
	[sflag:s17] =	ssyncadd.s32 $0xFFFFC000  }
0xb8: {  	p1 =	por p0, !p1;
	_ =	swait.ge @!p0 [sflag:s25], $0x800  }
.Ltmp0:
0xb9: {  	[sflag:s25] =	ssyncset.done @!p0 $0x0;
	(pc) =	sbr.rel @!p1 .LBB2_2-.Ltmp0, $4  }
0xba: {  	[sflag:s25] =	ssyncadd.s32 @!p0 $0xFFFFF800  }
0xbb: {  	_ =	swait.ge @!p0 [sflag:s25], $0x800  }
0xbc: {  	[sflag:s25] =	ssyncset.done @!p0 $0x0  }
0xbd: {  	[sflag:s25] =	ssyncadd.s32 @!p0 $0xFFFFF800  }
0xbe: {  	s23 =	sadd.s32 $0x1, s23  }
0xbf: {  	p0 =	sne.s32 s23, s12  }
.Ltmp1:
0xc0: {  	[bflag:$0x0] =	sbarrier.arrive $0xFFFF;
	(pc) =	sbr.rel @p0 .LBB2_1-.Ltmp1, $4  }
0xc1: {  	[hbm:s11], [sflag:s22] =	dma.local [spmem:s14], $0x2800  }
0xc2: {  	_ =	swait.ge [sflag:s15], $0x2800  }
0xc3: {  	[sflag:s15] =	ssyncset.done $0x0  }
0xc4: {  	[sflag:s15] =	ssyncadd.s32 $0xFFFFD800  }
0xc5: {  	_ =	sfence.sel $0x180000  }
0xc6: {  	[bflag:$0x0] =	sbarrier.arrive $0xFFFF  }
0xc7: {  	p0 =	sne.s32 s1, $0x0;
	_ =	strace $0x9000004A  }
0xc8: {  	s0 =	sadd.s32 @!p0 $0x100000, s0;
	[bflag:$0x2] =	sbarrier.arrive $0xFFFF  }
0xc9: {  	[sflag:s0] =	ssyncadd.tile.s32 @!p0 $0x1;
	_ =	shalt  }
.Lfunc_end2:
_tile_overlayer_lowered:
.L_overlay_start_2:
0xca: {  	(tag) =	ssettag $0x2  }
0xcb: {  	s0 =	rddreg [dreg:$0x0];
	s2 =	stileid.u32  }
0xcc: {  	s1 =	rddreg [dreg:$0x1];
	p0 =	sne.s32 s2, $0x0  }
0xcd: {  	s3 =	rddreg [dreg:$0x2];
	[bflag:$0x3] =	sbarrier.arrive $0xFFFF;
	s2 =	simm.s32 @!p0 $0x1C04  }
0xce: {  	[timem:s3], [sflag:s2] =	dma.local @!p0 [hbm:s0], s1  }
0xcf: {  	s0 =	simm.s32 @!p0 $0x4  }
0xd0: {  	_ =	swait.ge @!p0 [sflag:s0], s1  }
0xd1: {  	s1 =	ssub.s32 @!p0 $0x0, s1;
	[sflag:s0] =	ssyncset.done @!p0 $0x0  }
0xd2: {  	[sflag:s0] =	ssyncadd.s32 @!p0 s1  }
0xd3: {  	[bflag:$0x3] =	sbarrier.arrive $0xFFFF  }
0xd4: {  	_ =	shalt  }

// kernel: kernel.8.cloned.1.call-start
scs
__scs_entry_jumppad:
0x0: {  	(pc) =	sbr.rel $0x88, $3  }
0x1: {  	(tag) =	ssettag $0x0;
	lr =	simm.s32 $0x1  }
0x2: {  	[smem:$0x3F9D] =	sst lr;
	_ =	strace $0xD0000000  }
0x3: {  	_ = 	snop  }
0x4: {  	_ = 	snop  }
0x5: {  	_ = 	snop  }
0x6: {  	_ = 	snop  }
0x7: {  	_ = 	snop  }
__scs_overlays_trampoline_lowered:
0x8: {  	[smem:$0x3FAC] =	sst s0  }
0x9: {  	[smem:$0x3FAD] =	sst s1  }
0xa: {  	[smem:$0x3FAE] =	sst s2  }
0xb: {  	[smem:$0x3FAF] =	sst s3  }
0xc: {  	[smem:$0x3FB0] =	sst s4  }
0xd: {  	[smem:$0x3FB1] =	sst s5  }
0xe: {  	[smem:$0x3FB2] =	sst s6  }
0xf: {  	[smem:$0x3FB3] =	sst s7  }
0x10: {  	[smem:$0x3FB4] =	sst s8  }
0x11: {  	[smem:$0x3FB5] =	sst s9;
	s0 =	simm.s32 @!p0 $0x0  }
0x12: {  	s1 =	sld [smem:$0x3F9B];
	s0 =	simm.s32 @p0 $0x1  }
0x13: {  	[smem:$0x3FB6] =	sst s0;
	s0 =	simm.s32 @!p1 $0x0  }
0x14: {  	s2 =	sld [smem:$0x3F9A];
	s0 =	simm.s32 @p1 $0x1  }
0x15: {  	[smem:$0x3FB7] =	sst s0;
	s0 =	simm.s32 @!p2 $0x0  }
0x16: {  	s3 =	sld [smem:$0x3FDB];
	s0 =	simm.s32 @p2 $0x1  }
0x17: {  	s4 =	simm.s32 $0x1BF5;
	[smem:$0x3FB9] =	sst s0  }
0x18: {  	s0 =	sld [smem:$0x3F9C];
	_ =	swait.ge [sflag:s4], $0x0  }
0x19: {  	s7 =	sld [smem:$0x3F9D]  }
0x1a: {  	s8 =	sadd.s32 $0xFFFFE003, lr  }
0x1b: {  	s9 =	sadd.s32 $0xFFFFFEF7, lr;
	s5 =	simm.s32 $0xFFFFFFFF;
	p2 =	slt.u32 s8, $0xFFFFF086  }
0x1c: {  	p1 =	slt.u32 s9, $0xF7A;
	s5 =	simm.s32 @!p2 $0x0  }
0x1d: {  	s5 =	simm.s32 @p1 $0x1;
	p0 =	seq.s32 s7, s2  }
0x1e: {  	s7 =	smul.u32 @!p0 $0xF7A, s2;
	p2 =	seq.s32 @!p0 s5, $0x0  }
0x1f: {  	s9 =	smul.u32 $0xF7A, s1;
	s8 =	simm.s32 @!p0 $0x1BF5;
	p2 =	por !p2, p0  }
0x20: {  	[sflag:s8] =	ssyncset.s32 @!p0 $0xFFFFF086;
	s6 =	sadd.s32 @!p0 s3, s7;
	s7 =	simm.s32 @!p0 $0x108  }
0x21: {  	s3 =	sadd.s32 s3, s9;
	s6 =	sadd.s32 @!p0 $0x88, s6;
	s7 =	simm.s32 @p2 $0x1082  }
0x22: {  	[simem:s7], [sflag:s8] =	dma.local @!p0 [hbm:s6], $0xF7A  }
0x23: {  	s9 =	sor.u32 $0xD0000000, s2;
	s6 =	simm.s32 $0x108;
	_ =	swait.ge @!p0 [sflag:s8], $0x0  }
0x24: {  	s3 =	sadd.s32 $0x88, s3;
	s6 =	simm.s32 @!p1 $0x1082;
	[sflag:s4] =	ssyncset.s32 $0xFFFFF086  }
0x25: {  	[simem:s6], [sflag:s4] =	dma.local [hbm:s3], $0xF7A  }
0x26: {  	[smem:$0x3F9D] =	sst s1;
	(tag) =	ssettag s2;
	_ =	strace s9  }
0x27: {  	s1 =	sld [smem:$0x3FAD]  }
0x28: {  	s2 =	sld [smem:$0x3FAE]  }
0x29: {  	s4 =	sld [smem:$0x3FB0]  }
0x2a: {  	p0 =	seq.s32 s5, $0x0;
	s5 =	sld [smem:$0x3FB1]  }
0x2b: {  	s6 =	sld [smem:$0x3FB2]  }
0x2c: {  	s7 =	sld [smem:$0x3FB3]  }
0x2d: {  	s3 =	simm.s32 $0x108;
	s8 =	sld [smem:$0x3FB4]  }
0x2e: {  	s3 =	simm.s32 @!p0 $0x1082;
	s9 =	sld [smem:$0x3FB5]  }
0x2f: {  	lr =	sadd.s32 s0, s3;
	s0 =	sld [smem:$0x3FAC]  }
0x30: {  	s3 =	sld [smem:$0x3FAF]  }
0x31: {  	[smem:$0x3FB8] =	sst s10  }
0x32: {  	s10 =	sld [smem:$0x3FB6];
	_ =	sdelay $0x3  }
0x33: {  	p0 =	seq.s32 s10, $0x1;
	s10 =	sld [smem:$0x3FB8];
	_ =	sdelay $0x3  }
0x34: {  	[smem:$0x3FB8] =	sst s10  }
0x35: {  	s10 =	sld [smem:$0x3FB7];
	_ =	sdelay $0x3  }
0x36: {  	p1 =	seq.s32 s10, $0x1;
	s10 =	sld [smem:$0x3FB8];
	_ =	sdelay $0x3  }
0x37: {  	[smem:$0x3FB8] =	sst s10  }
0x38: {  	s10 =	sld [smem:$0x3FB9]  }
0x39: {  	_ = 	snop;
	(pc) =	sbr.ind lr, $3  }
0x3a: {  	_ = 	snop  }
0x3b: {  	_ = 	snop  }
0x3c: {  	p2 =	seq.s32 s10, $0x1;
	s10 =	sld [smem:$0x3FB8]  }
0x3d: {  	_ =	shalt  }
0x3e: {  	_ =	shalt  }
0x3f: {  	_ =	shalt  }
0x40: {  	_ =	shalt  }
0x41: {  	_ =	shalt  }
0x42: {  	_ =	shalt  }
0x43: {  	_ =	shalt  }
0x44: {  	_ =	shalt  }
0x45: {  	_ =	shalt  }
0x46: {  	_ =	shalt  }
0x47: {  	_ =	shalt  }
0x48: {  	_ =	shalt  }
0x49: {  	_ =	shalt  }
0x4a: {  	_ =	shalt  }
0x4b: {  	_ =	shalt  }
0x4c: {  	_ =	shalt  }
0x4d: {  	_ =	shalt  }
0x4e: {  	_ =	shalt  }
0x4f: {  	_ =	shalt  }
0x50: {  	_ =	shalt  }
0x51: {  	_ =	shalt  }
0x52: {  	_ =	shalt  }
0x53: {  	_ =	shalt  }
0x54: {  	_ =	shalt  }
0x55: {  	_ =	shalt  }
0x56: {  	_ =	shalt  }
0x57: {  	_ =	shalt  }
0x58: {  	_ =	shalt  }
0x59: {  	_ =	shalt  }
0x5a: {  	_ =	shalt  }
0x5b: {  	_ =	shalt  }
0x5c: {  	_ =	shalt  }
0x5d: {  	_ =	shalt  }
0x5e: {  	_ =	shalt  }
0x5f: {  	_ =	shalt  }
0x60: {  	_ =	shalt  }
0x61: {  	_ =	shalt  }
0x62: {  	_ =	shalt  }
0x63: {  	_ =	shalt  }
0x64: {  	_ =	shalt  }
0x65: {  	_ =	shalt  }
0x66: {  	_ =	shalt  }
0x67: {  	_ =	shalt  }
0x68: {  	_ =	shalt  }
0x69: {  	_ =	shalt  }
0x6a: {  	_ =	shalt  }
0x6b: {  	_ =	shalt  }
0x6c: {  	_ =	shalt  }
0x6d: {  	_ =	shalt  }
0x6e: {  	_ =	shalt  }
0x6f: {  	_ =	shalt  }
0x70: {  	_ =	shalt  }
0x71: {  	_ =	shalt  }
0x72: {  	_ =	shalt  }
0x73: {  	_ =	shalt  }
0x74: {  	_ =	shalt  }
0x75: {  	_ =	shalt  }
0x76: {  	_ =	shalt  }
0x77: {  	_ =	shalt  }
0x78: {  	_ =	shalt  }
0x79: {  	_ =	shalt  }
0x7a: {  	_ =	shalt  }
0x7b: {  	_ =	shalt  }
0x7c: {  	_ =	shalt  }
0x7d: {  	_ =	shalt  }
0x7e: {  	_ =	shalt  }
0x7f: {  	_ =	shalt  }
0x80: {  	_ =	shalt  }
0x81: {  	_ =	shalt  }
0x82: {  	_ =	shalt  }
0x83: {  	_ =	shalt  }
0x84: {  	_ =	shalt  }
0x85: {  	_ =	shalt  }
0x86: {  	_ =	shalt  }
0x87: {  	_ =	shalt  }
.Lfunc_end0:
.L_simem_size_0:
called_computation_lowered:
.L_overlay_start_0:
0x88: {  	s2 =	sld [smem:$0x3FD9]  }
0x89: {  	s3 =	sld [smem:$0x3FFE];
	_ =	sdelay $0x1  }
0x8a: {  	s1 =	srdreg.scid  }
0x8b: {  	s0 =	sand.u32 $0x1, s1  }
0x8c: {  	s17 =	sshll.u32 s0, $0xA;
	s2 =	sadd.s32 s3, s2  }
0x8d: {  	s2 =	sadd.s32 s2, s17  }
0x8e: {  	[smem:$0x3FC4] =	sst s2  }
0x8f: {  	_ = 	snop  }
0x90: {  	s2 =	sld [smem:$0x3FD0];
	(tm) =	ssettm $0x1  }
0x91: {  	s18 =	sld [smem:$0x3FFB];
	_ =	sdelay $0x3  }
0x92: {  	_ =	strace s18  }
0x93: {  	s3 =	sld [smem:$0x3FFC];
	_ =	sdelay $0x3  }
0x94: {  	_ =	strace s3  }
0x95: {  	s3 =	sld [smem:$0x3FFD];
	_ =	sdelay $0x3  }
0x96: {  	_ =	strace s3  }
0x97: {  	_ =	strace $0x8FFFFFFF  }
0x98: {  	s19 =	sld [smem:$0x3FDB];
	_ =	sdelay $0x1  }
0x99: {  	s4 =	simm.s32 $_scs_section_size  }
0x9a: {  	s5 =	simm.s32 $_size__tile_overlayer_lowered;
	s6 =	simm.s32 $_tile_overlayer_lowered  }
0x9b: {  	s22 =	simm.s32 $0x1BFF;
	s21 =	sshll.u32 s6, $0x1;
	s3 =	sadd.s32 s4, s19  }
0x9c: {  	s7 =	simm.s32 $0x0;
	s20 =	sshll.u32 s5, $0x1;
	s5 =	sadd.s32 s21, s3  }
0x9d: {  	[timem:s7], [sflag:s22] =	dma.local [hbm:s5], s20  }
0x9e: {  	_ =	swait.ge [sflag:s22], s20  }
0x9f: {  	s4 =	ssub.s32 $0x0, s20;
	[sflag:s22] =	ssyncset.done $0x0  }
0xa0: {  	[sflag:s22] =	ssyncadd.s32 s4;
	_ =	sdelay $0x1  }
0xa1: {  	s23 =	simm.s32 $0x1B8B  }
0xa2: {  	_ =	swait.ge [sflag:s23], $0x1  }
0xa3: {  	[sflag:s23] =	ssyncset.done $0x0  }
0xa4: {  	s25 =	simm.s32 $0x1B8E;
	s24 =	sld [smem:$0x3FFE];
	[sflag:s23] =	ssyncadd.s32 $0xFFFFFFFF  }
0xa5: {  	s26 =	simm.s32 $execute0_lowered;
	[smem:$0x3FD2] =	sst s25  }
0xa6: {  	s5 =	sshll.u32 s26, $0x1;
	_ =	strace $0x80000046;
	[dreg:$0x1] =	wrdreg $0xFFFFFFFF  }
0xa7: {  	s28 =	simm.s32 $_size_execute0_lowered;
	s3 =	sadd.s32 s3, s5;
	[dreg:$0x0] =	wrdreg $0x0  }
0xa8: {  	s5 =	sshll.u32 s28, $0x1;
	[dreg:$0x2] =	wrdreg s3  }
0xa9: {  	[dreg:$0x3] =	wrdreg s5  }
0xaa: {  	[dreg:$0x4] =	wrdreg $0xC0  }
0xab: {  	_ =	task [dreg:s7], $0x5FFFF  }
0xac: {  	[dreg:$0x1] =	wrdreg $0xFFFFFFFF  }
0xad: {  	[dreg:$0x0] =	wrdreg $0x60  }
0xae: {  	[dreg:$0x2] =	wrdreg s2  }
0xaf: {  	[dreg:$0x3] =	wrdreg s24  }
0xb0: {  	[dreg:$0x4] =	wrdreg $0x28800  }
0xb1: {  	[dreg:$0x5] =	wrdreg $0x9  }
0xb2: {  	_ =	task.clear_ibuf [dreg:s7], $0x6FFFF;
	_ =	strace $0x90000046  }
0xb3: {  	s29 =	simm.s32 $0x9;
	_ =	strace $0x80000048  }
0xb4: {  	_ =	swait.ge [sflag:s29], $0x1  }
0xb5: {  	[sflag:s29] =	ssyncadd.s32 $0xFFFFFFFF  }
0xb6: {  	_ =	strace $0x90000048  }
0xb7: {  	_ =	sfence  }
0xb8: {  	s30 =	sld [smem:$0x0];
	_ =	sdelay $0x2  }
0xb9: {  	s31 =	sshll.u32 s1, $0xD;
	s1 =	sshrl.u32 s1, $0x2  }
0xba: {  	s3 =	sand.u32 $0x4000, s31;
	s1 =	sadd.s32 s1, s30  }
0xbb: {  	s0 =	sor.u32 s3, s0;
	s1 =	sshll.u32 s1, $0x11  }
0xbc: {  	s0 =	sor.u32 s1, s0  }
0xbd: {  	s0 =	sadd.s32 $0x8F2B, s0  }
0xbe: {  	[sflag:s0] =	ssyncadd.remote.s32 $0x1  }
0xbf: {  	_ =	sfence.sel $0xFFFF  }
0xc0: {  	[dreg:$0x0] =	wrdreg $0xFFFFFFFF;
	(pc) =	sbr.abs _section_cstart, $3  }
0xc1: {  	[dreg:$0x1] =	wrdreg $0xFFFFFFFF  }
0xc2: {  	_ =	task.clear_ibuf [dreg:s7], $0x2FFFF;
	_ =	strace $0x9FFFFFFF  }
0xc3: {  	(tm) =	ssettm $0x7FFFFFFF  }
tec
execute0_lowered:
.L_overlay_start_1:
0x0: {  	(tag) =	ssettag $0x1  }
0x1: {  	s7 =	rddreg [dreg:$0x0]  }
0x2: {  	s6 =	rddreg [dreg:$0x1]  }
0x3: {  	s1 =	rddreg [dreg:$0x2]  }
0x4: {  	s0 =	rddreg [dreg:$0x3];
	s2 =	simm.s32 $0x0;
	s3 =	srdreg.scid  }
0x5: {  	s12 =	stileid.u32;
	s13 =	simm.s32 $0x1;
	s17 =	simm.s32 $0x0  }
0x6: {  	[smem:$0x7FF] =	sst s2;
	s8 =	sand.u32 $0x1, s3;
	s3 =	sadd.s32 $0xC000, s6  }
0x7: {  	s4 =	sadd.s32 $0xC200, s6;
	s5 =	sadd.s32 $0xC800, s6;
	s6 =	sadd.s32 $0xCE00, s6  }
0x8: {  	p0 =	seq.s32 s12, $0x0;
	_ =	strace $0x80000047;
	s9 =	sshll.u32 s8, $0x4  }
0x9: {  	s10 =	ssub.s32 $0x2, s8;
	p1 =	seq.s32 s8, $0x1;
	s31 =	sor.u32 s12, s8  }
0xa: {  	s9 =	sor.u32 s12, s9;
	s11 =	sshrl.u32 s10, $0x1;
	p0 =	por !p0, !p1  }
0xb: {  	p2 =	sne.s32 s31, $0x0;
	s9 =	smul.u32 $0x500, s9;
	s10 =	ssub.s32 s10, s11  }
0xc: {  	p1 =	por !p0, !p0;
	p0 =	sne.s32 s12, $0x0;
	s11 =	simm.s32 $0x2  }
0xd: {  	s14 =	sshll.u32 @!p2 s12, $0x6;
	s12 =	simm.s32 $0x80;
	s15 =	sshrl.u32 @!p2 s1, $0x3  }
0xe: {  	s8 =	smax.u32 s10, $0x1;
	s10 =	simm.s32 $0x2800;
	s14 =	sor.u32 @!p2 $0x1C02, s14  }
0xf: {  	s16 =	sshrl.u32 @p1 s1, $0x3;
	s7 =	sadd.s32 s7, s9;
	s9 =	sshrl.u32 @!p0 s1, $0x3  }
.LBB2_1:
0x10: {  	s18 =	simm.s32 @!p0 $0x1C02  }
0x11: {  	[spmem:s9], [sflag:s18] =	dma.local @!p0 [hbm:s4], $0x500  }
0x12: {  	s18 =	simm.s32 @!p0 $0x2  }
0x13: {  	_ =	swait.ge @!p0 [sflag:s18], $0x500  }
0x14: {  	[sflag:s18] =	ssyncset.done @!p0 $0x0  }
0x15: {  	[sflag:s18] =	ssyncadd.s32 @!p0 $0xFFFFFB00  }
0x16: {  	[tilespmem:s10], [sflag:$0x2] =	stream.linear.gather [hbm4b:s3+s2], $0x80, $0x38;
	[tilespmem:$0x2B00] =	vst v63  }
0x17: {  	_ =	swait.ge [sflag:s11], $0x80  }
0x18: {  	[sflag:s11] =	ssyncset.done $0x0  }
0x19: {  	[sflag:s11] =	ssyncadd.s32 $0xFFFFFF80  }
0x1a: {  	[tilespmem:s2], [sflag:$0x2] =	stream.linear.gather [hbm4b:s7+s2], $0x2800, $0x38;
	[tilespmem:$0x2B00] =	vst v63  }
0x1b: {  	_ =	swait.ge [sflag:s11], $0x2800  }
0x1c: {  	[sflag:s11] =	ssyncset.done $0x0  }
0x1d: {  	[sflag:s11] =	ssyncadd.s32 $0xFFFFD800  }
0x1e: {  	[bflag:$0x0] =	sbarrier.arrive $0xFFFF  }
0x1f: {  	[spmem:s1] =	stream.indirect.scatter.add.f32 [tilespmem:s10], [sflag:$0x1], $0x1, s2, s12, $0xb8;
	[tilespmem:$0x2B00] =	vst v63  }
0x20: {  	s31 =	simm.s32 $0x80  }
0x21: {  	[spmem:s1] =	stream.indirect.scatter.add.f32 [tilespmem:s10], [sflag:$0x1], $0x1, s31, s12, $0xb8;
	[tilespmem:$0x2B00] =	vst v63  }
0x22: {  	_ =	swait.ge [sflag:s13], $0x80  }
0x23: {  	s18 =	simm.s32 $0x400;
	[sflag:s13] =	ssyncset.done $0x0  }
.LBB2_2:
0x24: {  	s19 =	sshra.s32 s18, $0x2;
	[sflag:s13] =	ssyncadd.s32 $0xFFFFFF80;
	p3 =	sne.s32 s18, $0x9E00  }
0x25: {  	[spmem:s1] =	stream.indirect.scatter.add.f32 [tilespmem:s10], [sflag:$0x1], $0x1, s19, s12, $0xb8;
	[tilespmem:$0x2B00] =	vst v63  }
.Ltmp0:
0x26: {  	_ = 	snop;
	(pc) =	sbr.rel @p3 .LBB2_2-.Ltmp0, $4  }
0x27: {  	_ = 	snop  }
0x28: {  	s18 =	sadd.s32 $0x200, s18  }
0x29: {  	_ =	swait.ge [sflag:s13], $0x80  }
0x2a: {  	[sflag:s13] =	ssyncset.done $0x0  }
0x2b: {  	[sflag:s13] =	ssyncadd.s32 $0xFFFFFF80  }
0x2c: {  	_ =	swait.ge [sflag:s13], $0x80  }
0x2d: {  	[sflag:s13] =	ssyncset.done $0x0  }
0x2e: {  	[sflag:s13] =	ssyncadd.s32 $0xFFFFFF80  }
0x2f: {  	s18 =	simm.s32 @!p2 $0x2;
	[bflag:$0x0] =	sbarrier.arrive $0xFFFF  }
0x30: {  	[hbm:s5], [sflag:s14] =	dma.local @!p2 [spmem:s15], $0x500  }
0x31: {  	_ =	swait.ge @!p2 [sflag:s18], $0x500  }
0x32: {  	s17 =	sadd.s32 $0x1, s17;
	[sflag:s18] =	ssyncset.done @!p2 $0x0  }
0x33: {  	p3 =	sne.s32 s17, s8;
	[sflag:s18] =	ssyncadd.s32 @!p2 $0xFFFFFB00;
	s18 =	simm.s32 @p1 $0x1C02  }
0x34: {  	[hbm:s6], [sflag:s18] =	dma.local @p1 [spmem:s16], $0x500  }
.Ltmp1:
0x35: {  	_ = 	snop;
	(pc) =	sbr.rel @p3 .LBB2_1-.Ltmp1, $4  }
0x36: {  	s18 =	simm.s32 @p1 $0x2  }
0x37: {  	_ =	swait.ge @p1 [sflag:s18], $0x500  }
0x38: {  	[sflag:s18] =	ssyncset.done @p1 $0x0  }
0x39: {  	[sflag:s18] =	ssyncadd.s32 @p1 $0xFFFFFB00  }
0x3a: {  	_ =	sfence.sel $0x180000  }
0x3b: {  	[bflag:$0x0] =	sbarrier.arrive $0xFFFF  }
0x3c: {  	_ =	strace $0x90000047  }
0x3d: {  	s0 =	sadd.s32 @!p0 $0x100000, s0;
	[bflag:$0x2] =	sbarrier.arrive $0xFFFF  }
0x3e: {  	[sflag:s0] =	ssyncadd.tile.s32 @!p0 $0x1;
	_ =	shalt  }
.Lfunc_end2:
_tile_overlayer_lowered:
.L_overlay_start_2:
0x3f: {  	(tag) =	ssettag $0x2  }
0x40: {  	s0 =	rddreg [dreg:$0x0];
	s2 =	stileid.u32  }
0x41: {  	s1 =	rddreg [dreg:$0x1];
	p0 =	sne.s32 s2, $0x0  }
0x42: {  	s3 =	rddreg [dreg:$0x2];
	[bflag:$0x3] =	sbarrier.arrive $0xFFFF;
	s2 =	simm.s32 @!p0 $0x1C02  }
0x43: {  	[timem:s3], [sflag:s2] =	dma.local @!p0 [hbm:s0], s1  }
0x44: {  	s0 =	simm.s32 @!p0 $0x2  }
0x45: {  	_ =	swait.ge @!p0 [sflag:s0], s1  }
0x46: {  	s1 =	ssub.s32 @!p0 $0x0, s1;
	[sflag:s0] =	ssyncset.done @!p0 $0x0  }
0x47: {  	[sflag:s0] =	ssyncadd.s32 @!p0 s1  }
0x48: {  	[bflag:$0x3] =	sbarrier.arrive $0xFFFF  }
0x49: {  	_ =	shalt  }

</sc_bundles>
